<compile_context>
chip_gen: v7x
topology: tpu7x:2x2x1
jax: 0.10.2.dev20260603
libtpu: 0.0.44.dev20260713+nightly
codegen_flags: <defaults>
</compile_context>

<pallas_src>
import functools

import jax
import jax.numpy as jnp
from jax import lax
from jax.experimental import pallas as pl
from jax.experimental.pallas import tpu as pltpu
from jax.experimental.pallas import tpu_sc as plsc


def kernel(x, class_ids, embedding_table):
    del x
    B = class_ids.shape[0]
    V, D = embedding_table.shape
    table_t = embedding_table.T

    info = plsc.get_sparse_core_info()
    NC, NS, L = info.num_cores, info.num_subcores, info.num_lanes
    NW = NC * NS
    BLK = 128
    SW = 5
    STRIPE = SW * BLK
    NB_ALL = -(-V // BLK)
    q, r = divmod(NB_ALL, NW)
    NSTRIPE = -(-(q + 1) // SW)
    OFF_MAX = (NB_ALL - SW) * BLK
    NCHUNK = B // L
    NBUF = 2
    GROUPS = 16
    ROWS = GROUPS * L

    mesh = plsc.VectorSubcoreMesh(core_axis_name="c", subcore_axis_name="s")

    @functools.partial(
        pl.kernel,
        mesh=mesh,
        out_type=jax.ShapeDtypeStruct((B + L, D), jnp.float32),
        scratch_types=[
            pltpu.VMEM((B,), jnp.int32),
            pltpu.VMEM((B + L,), jnp.int32),
            pltpu.VMEM((B + L,), jnp.int32),
            pltpu.VMEM((NBUF, D, STRIPE), jnp.float32),
            pltpu.VMEM((ROWS, BLK), jnp.float32),
            pltpu.SemaphoreType.DMA,
            pltpu.SemaphoreType.DMA,
            pltpu.SemaphoreType.DMA,
        ],
        compiler_params=pltpu.CompilerParams(needs_layout_passes=False),
    )
    def gather_kernel(idx_hbm, table_hbm, out_hbm,
                      idx_v, loc_pk, hit_pk, blk, rows,
                      sem_blk0, sem_blk1, sem_row):
        wid = lax.axis_index("s") * NC + lax.axis_index("c")
        lanes = lax.iota(jnp.int32, L)

        nb = jnp.where(wid < r, q + 1, q).astype(jnp.int32)
        base = jnp.where(wid < r, (q + 1) * wid, q * wid + r).astype(jnp.int32)
        lo = base * BLK
        hi = jnp.minimum((base + nb) * BLK, V)

        def stripe_off(s):
            return pl.multiple_of(
                jnp.minimum((base + s * SW) * BLK, OFF_MAX), BLK)

        def fire_stripe(s, buf, sem):
            pltpu.make_async_copy(
                table_hbm.at[:, pl.ds(stripe_off(s), STRIPE)],
                blk.at[buf], sem,
            ).start()

        fire_stripe(jnp.int32(0), 0, sem_blk0)
        fire_stripe(jnp.int32(1), 1, sem_blk1)

        pltpu.sync_copy(idx_hbm, idx_v)

        def filt(j, cnt):
            for u in range(4):
                jj = j * 4 + u
                v = idx_v[pl.ds(jj * L, L)]
                m = (v >= lo) & (v < hi)
                pk = v * (B + L) + lanes + jj * L
                c = plsc.cumsum(m.astype(jnp.int32))
                plsc.store_scatter(loc_pk, [cnt + c - 1], pk, mask=m)
                cnt = cnt + c[L - 1]
            return cnt

        cnt = lax.fori_loop(0, NCHUNK // 4, filt, jnp.int32(0))
        nloc = (cnt + L - 1) // L

        def stripe_iter(s, carry):
            fired = carry
            buf = lax.rem(s, NBUF)

            def wait_stripe(bufc, sem):
                pltpu.make_async_copy(
                    table_hbm.at[:, pl.ds(0, STRIPE)], blk.at[bufc], sem
                ).wait()

            @pl.when(buf == 0)
            def _():
                wait_stripe(0, sem_blk0)

            @pl.when(buf == 1)
            def _():
                wait_stripe(1, sem_blk1)
            c0 = stripe_off(s)
            pkbase = c0 * (B + L)

            def sfilt(m2, sh):
                pkv = loc_pk[pl.ds(m2 * L, L)]
                v = pkv // (B + L)
                m = ((lanes + m2 * L) < cnt) & (v >= c0) & (v < c0 + STRIPE)
                c = plsc.cumsum(m.astype(jnp.int32))
                plsc.store_scatter(hit_pk, [sh + c - 1], pkv - pkbase, mask=m)
                return sh + c[L - 1]

            sh = lax.fori_loop(0, nloc, sfilt, jnp.int32(0))

            def dense(m3, fired_in):
                pkv = hit_pk[pl.ds(m3 * L, L)]
                valid = (lanes + m3 * L) < sh
                colv = jnp.where(valid, pkv // (B + L), jnp.int32(0))
                posv = jnp.where(valid, lax.rem(pkv, B + L), B + lanes)
                g = lax.rem(fired_in, GROUPS)
                gbase = g * L

                @pl.when((fired_in > 0) & (lax.rem(fired_in, GROUPS) == 0))
                def _():
                    def fdrain(_, cc):
                        pltpu.make_async_copy(
                            out_hbm.at[0], rows.at[0, pl.ds(0, D)], sem_row
                        ).wait()
                        return cc
                    lax.fori_loop(0, GROUPS * L, fdrain, jnp.int32(0))

                slotv = gbase + lanes
                bufv = jnp.full((L,), 0, jnp.int32) + buf
                for d in range(D):
                    vals = plsc.load_gather(
                        blk, [bufv, jnp.full((L,), d, jnp.int32), colv])
                    plsc.store_scatter(rows, [slotv, jnp.full((L,), d, jnp.int32)],
                                       vals)
                for k in range(L):
                    pltpu.make_async_copy(
                        rows.at[gbase + k, pl.ds(0, D)],
                        out_hbm.at[posv[k]], sem_row,
                    ).start()
                return fired_in + 1

            nden = (sh + L - 1) // L
            fired = lax.fori_loop(0, nden, dense, fired)

            @pl.when((s + NBUF < NSTRIPE) & (buf == 0))
            def _():
                fire_stripe(s + NBUF, 0, sem_blk0)

            @pl.when((s + NBUF < NSTRIPE) & (buf == 1))
            def _():
                fire_stripe(s + NBUF, 1, sem_blk1)
            return fired

        fired = lax.fori_loop(0, NSTRIPE, stripe_iter, jnp.int32(0))

        def drain(_, carry):
            pltpu.make_async_copy(
                out_hbm.at[0], rows.at[0, pl.ds(0, D)], sem_row
            ).wait()
            return carry

        ndrain = jnp.where(
            fired > 0, fired - ((fired - 1) // GROUPS) * GROUPS, 0) * L
        lax.fori_loop(0, ndrain, drain, jnp.int32(0))

    out_full = gather_kernel(class_ids.astype(jnp.int32), table_t)
    return out_full[:B]

# --- scband reference (transcript-rebuilt; emitter-appended) ---
"""Pipeline reference for scband-class-input-module-51994874085672 (READ-ONLY COPY).

The authoritative reference and input builder live on the scoring server;
editing this copy changes nothing except your own understanding.
"""

import jax, jax.numpy as jnp
import numpy as np

NUM_CLASSES = 100000
DIM_SIZE = 64
BATCH = 4096
INPUT_DIM = 2048

def setup_inputs(seed: int = 0) -> dict:
    key = jax.random.key(seed)
    k1, k2, k3 = jax.random.split(key, 3)
    x = jax.random.normal(k1, (BATCH, INPUT_DIM), dtype=jnp.float32)
    class_ids = jax.random.randint(k2, (BATCH,), 0, NUM_CLASSES, dtype=jnp.int64 if jax.config.jax_enable_x64 else jnp.int32)
    embedding_table = jax.random.normal(k3, (NUM_CLASSES, DIM_SIZE), dtype=jnp.float32)
    return {"x": x, "class_ids": class_ids, "embedding_table": embedding_table}

def reference(x, class_ids, embedding_table):
    # Faithful translation: forward returns only the embedding lookup; x is unused.
    embedded = jnp.take(embedding_table, class_ids, axis=0)
    return embedded

if __name__ == "__main__":
    import jax
    _d = setup_inputs()
    print(jax.jit(kernel)(*tuple(_d.values())))

</pallas_src>

<mosaic_0001>
#map = affine_map<(d0, d1) -> (0)>
#map1 = affine_map<(d0, d1) -> (0, 0)>
module attributes {stable_mosaic.version = 14 : i64} {
  func.func @gather_kernel(%arg0: i32, %arg1: i32, %arg2: memref<4096xi32, #tpu.memory_space<hbm>>, %arg3: memref<64x100000xf32, #tpu.memory_space<hbm>>, %arg4: memref<4112x64xf32, #tpu.memory_space<hbm>>, %arg5: memref<4096xi32, #tpu.memory_space<vmem>>, %arg6: memref<4112xi32, #tpu.memory_space<vmem>>, %arg7: memref<4112xi32, #tpu.memory_space<vmem>>, %arg8: memref<2x64x640xf32, #tpu.memory_space<vmem>>, %arg9: memref<256x128xf32, #tpu.memory_space<vmem>>, %arg10: memref<!tpu.dma_semaphore, #tpu.memory_space<semaphore_mem>>, %arg11: memref<!tpu.dma_semaphore, #tpu.memory_space<semaphore_mem>>, %arg12: memref<!tpu.dma_semaphore, #tpu.memory_space<semaphore_mem>>) attributes {dimension_semantics = [#tpu.dimension_semantics<core_parallel>, #tpu.dimension_semantics<subcore_parallel>], iteration_bounds = array<i64: 2, 16>, scalar_prefetch = 0 : i64, scratch_operands = 8 : i64, tpu.core_type = #tpu.core_type<sc_vector_subcore>, window_params = [{transform_indices = #map}, {transform_indices = #map1}, {transform_indices = #map1}]} {
    %mul3A = arith.constant 2 : i32
    %mul3A_0 = arith.muli %arg1, %mul3A : i32
    %add3A = arith.addi %mul3A_0, %arg0 : i32
    %iota3A = tpu.iota {dimensions = array<i32: 0>} : vector<16xi32>
    %lt3A = arith.constant 14 : i32
    %lt3A_1 = arith.cmpi slt, %add3A, %lt3A : i32
    %jit3A = arith.constant 25 : i32
    %jit3A_2 = arith.constant 24 : i32
    %select_n3A = arith.select %lt3A_1, %jit3A, %jit3A_2 : i32
    %lt3A_3 = arith.constant 14 : i32
    %lt3A_4 = arith.cmpi slt, %add3A, %lt3A_3 : i32
    %mul3A_5 = arith.constant 25 : i32
    %mul3A_6 = arith.muli %mul3A_5, %add3A : i32
    %mul3A_7 = arith.constant 24 : i32
    %mul3A_8 = arith.muli %mul3A_7, %add3A : i32
    %add3A_9 = arith.constant 14 : i32
    %add3A_10 = arith.addi %mul3A_8, %add3A_9 : i32
    %select_n3A_11 = arith.select %lt3A_4, %mul3A_6, %add3A_10 : i32
    %mul3A_12 = arith.constant 128 : i32
    %mul3A_13 = arith.muli %select_n3A_11, %mul3A_12 : i32
    %add3A_14 = arith.addi %select_n3A_11, %select_n3A : i32
    %mul3A_15 = arith.constant 128 : i32
    %mul3A_16 = arith.muli %add3A_14, %mul3A_15 : i32
    %min3A = arith.constant 100000 : i32
    %min3A_17 = arith.minsi %mul3A_16, %min3A : i32
    %mul3A_18 = arith.constant 0 : i32
    %mul3A_19 = arith.constant 5 : i32
    %mul3A_20 = arith.muli %mul3A_18, %mul3A_19 : i32
    %add3A_21 = arith.addi %select_n3A_11, %mul3A_20 : i32
    %mul3A_22 = arith.constant 128 : i32
    %mul3A_23 = arith.muli %add3A_21, %mul3A_22 : i32
    %min3A_24 = arith.constant 99456 : i32
    %min3A_25 = arith.minsi %mul3A_23, %min3A_24 : i32
    %multiple_of3A = tpu.assume_multiple %min3A_25, 128 : i32
    %dma_start3A = arith.constant 0 : i32
    %dma_start3A_26 = arith.constant 0 : i32
    %dma_start3A_27 = arith.constant 0 : i32
    %dma_start3A_28 = tpu.memref_slice %arg8[%dma_start3A, %dma_start3A_26, %dma_start3A_27] : memref<2x64x640xf32, #tpu.memory_space<vmem>> -> memref<1x64x640xf32, #tpu.memory_space<vmem>>
    %dma_start3A_29 = tpu.memref_squeeze %dma_start3A_28 : memref<1x64x640xf32, #tpu.memory_space<vmem>> -> memref<64x640xf32, #tpu.memory_space<vmem>>
    %dma_start3A_30 = arith.constant 0 : i32
    %dma_start3A_31 = tpu.memref_slice %arg3[%dma_start3A_30, %multiple_of3A] : memref<64x100000xf32, #tpu.memory_space<hbm>> -> memref<64x640xf32, #tpu.memory_space<hbm>>
    %dma_start3A_32 = arith.constant 0 : i32
    %dma_start3A_33 = arith.constant 0 : i32
    %dma_start3A_34 = tpu.memref_slice %arg8[%dma_start3A, %dma_start3A_32, %dma_start3A_33] : memref<2x64x640xf32, #tpu.memory_space<vmem>> -> memref<1x64x640xf32, #tpu.memory_space<vmem>>
    %dma_start3A_35 = tpu.memref_squeeze %dma_start3A_34 : memref<1x64x640xf32, #tpu.memory_space<vmem>> -> memref<64x640xf32, #tpu.memory_space<vmem>>
    %dma_start3A_36 = arith.constant 0 : i32
    %dma_start3A_37 = tpu.memref_slice %arg3[%dma_start3A_36, %multiple_of3A] : memref<64x100000xf32, #tpu.memory_space<hbm>> -> memref<64x640xf32, #tpu.memory_space<hbm>>
    tpu.enqueue_dma source(%dma_start3A_37 : memref<64x640xf32, #tpu.memory_space<hbm>>) target(%dma_start3A_35 : memref<64x640xf32, #tpu.memory_space<vmem>>) target_semaphore(%arg10 : memref<!tpu.dma_semaphore, #tpu.memory_space<semaphore_mem>>)
    %mul3A_38 = arith.constant 1 : i32
    %mul3A_39 = arith.constant 5 : i32
    %mul3A_40 = arith.muli %mul3A_38, %mul3A_39 : i32
    %add3A_41 = arith.addi %select_n3A_11, %mul3A_40 : i32
    %mul3A_42 = arith.constant 128 : i32
    %mul3A_43 = arith.muli %add3A_41, %mul3A_42 : i32
    %min3A_44 = arith.constant 99456 : i32
    %min3A_45 = arith.minsi %mul3A_43, %min3A_44 : i32
    %multiple_of3A_46 = tpu.assume_multiple %min3A_45, 128 : i32
    %dma_start3A_47 = arith.constant 1 : i32
    %dma_start3A_48 = arith.constant 0 : i32
    %dma_start3A_49 = arith.constant 0 : i32
    %dma_start3A_50 = tpu.memref_slice %arg8[%dma_start3A_47, %dma_start3A_48, %dma_start3A_49] : memref<2x64x640xf32, #tpu.memory_space<vmem>> -> memref<1x64x640xf32, #tpu.memory_space<vmem>>
    %dma_start3A_51 = tpu.memref_squeeze %dma_start3A_50 : memref<1x64x640xf32, #tpu.memory_space<vmem>> -> memref<64x640xf32, #tpu.memory_space<vmem>>
    %dma_start3A_52 = arith.constant 0 : i32
    %dma_start3A_53 = tpu.memref_slice %arg3[%dma_start3A_52, %multiple_of3A_46] : memref<64x100000xf32, #tpu.memory_space<hbm>> -> memref<64x640xf32, #tpu.memory_space<hbm>>
    %dma_start3A_54 = arith.constant 0 : i32
    %dma_start3A_55 = arith.constant 0 : i32
    %dma_start3A_56 = tpu.memref_slice %arg8[%dma_start3A_47, %dma_start3A_54, %dma_start3A_55] : memref<2x64x640xf32, #tpu.memory_space<vmem>> -> memref<1x64x640xf32, #tpu.memory_space<vmem>>
    %dma_start3A_57 = tpu.memref_squeeze %dma_start3A_56 : memref<1x64x640xf32, #tpu.memory_space<vmem>> -> memref<64x640xf32, #tpu.memory_space<vmem>>
    %dma_start3A_58 = arith.constant 0 : i32
    %dma_start3A_59 = tpu.memref_slice %arg3[%dma_start3A_58, %multiple_of3A_46] : memref<64x100000xf32, #tpu.memory_space<hbm>> -> memref<64x640xf32, #tpu.memory_space<hbm>>
    tpu.enqueue_dma source(%dma_start3A_59 : memref<64x640xf32, #tpu.memory_space<hbm>>) target(%dma_start3A_57 : memref<64x640xf32, #tpu.memory_space<vmem>>) target_semaphore(%arg11 : memref<!tpu.dma_semaphore, #tpu.memory_space<semaphore_mem>>)
    "tpu.region"() ({
      %run_scoped3A = tpu.sem_alloc : memref<!tpu.dma_semaphore, #tpu.memory_space<semaphore_mem>>
      tpu.enqueue_dma source(%arg2 : memref<4096xi32, #tpu.memory_space<hbm>>) target(%arg5 : memref<4096xi32, #tpu.memory_space<vmem>>) target_semaphore(%run_scoped3A : memref<!tpu.dma_semaphore, #tpu.memory_space<semaphore_mem>>)
      tpu.wait_dma2 semaphore(%run_scoped3A : memref<!tpu.dma_semaphore, #tpu.memory_space<semaphore_mem>>) src(%arg2 : memref<4096xi32, #tpu.memory_space<hbm>>) dst(%arg5 : memref<4096xi32, #tpu.memory_space<vmem>>)
      tpu.yield
    }) : () -> ()
    %scan3A = arith.constant 0 : i32
    %scan3A_60 = arith.constant 0 : i32
    %scan3A_61 = arith.constant 64 : i32
    %scan3A_62 = arith.addi %scan3A_60, %scan3A_61 : i32
    %scan3A_63 = arith.constant 1 : i32
    %scan3A_64 = scf.for %scan3A_138 = %scan3A_60 to %scan3A_62 step %scan3A_63 iter_args(%scan3A_139 = %scan3A) -> (i32)  : i32 {
      %mul3A_140 = arith.constant 4 : i32
      %mul3A_141 = arith.muli %scan3A_138, %mul3A_140 : i32
      %add3A_142 = arith.constant 0 : i32
      %add3A_143 = arith.addi %mul3A_141, %add3A_142 : i32
      %mul3A_144 = arith.constant 16 : i32
      %mul3A_145 = arith.muli %add3A_143, %mul3A_144 : i32
      %get3A = arith.index_cast %mul3A_145 : i32 to index
      %get3A_146 = tpu.vector_load %arg5[%get3A] {strides = array<i32>} : memref<4096xi32, #tpu.memory_space<vmem>>, vector<16xi32>,
      %ge3A = vector.broadcast %mul3A_13 : i32 to vector<16xi32>
      %ge3A_147 = arith.cmpi sge, %get3A_146, %ge3A : vector<16xi32>
      %lt3A_148 = vector.broadcast %min3A_17 : i32 to vector<16xi32>
      %lt3A_149 = arith.cmpi slt, %get3A_146, %lt3A_148 : vector<16xi32>
      %and3A_150 = arith.andi %ge3A_147, %lt3A_149 : vector<16xi1>
      %mul3A_151 = arith.constant 4112 : i32
      %mul3A_152 = vector.broadcast %mul3A_151 : i32 to vector<16xi32>
      %mul3A_153 = arith.muli %get3A_146, %mul3A_152 : vector<16xi32>
      %add3A_154 = arith.addi %mul3A_153, %iota3A : vector<16xi32>
      %mul3A_155 = arith.constant 16 : i32
      %mul3A_156 = arith.muli %add3A_143, %mul3A_155 : i32
      %add3A_157 = vector.broadcast %mul3A_156 : i32 to vector<16xi32>
      %add3A_158 = arith.addi %add3A_154, %add3A_157 : vector<16xi32>
      %convert_element_type3A = arith.extui %and3A_150 : vector<16xi1> to vector<16xi32>
      %broadcast_in_dim3A = arith.constant true
      %broadcast_in_dim3A_159 = vector.broadcast %broadcast_in_dim3A : i1 to vector<16xi1>
      %masked_cumsum3A = tpu.scan <sum>, %convert_element_type3A masked %broadcast_in_dim3A_159 : vector<16xi32>, vector<16xi1> -> vector<16xi32>
      %add3A_160 = vector.broadcast %scan3A_139 : i32 to vector<16xi32>
      %add3A_161 = arith.addi %add3A_160, %masked_cumsum3A : vector<16xi32>
      %sub3A_162 = arith.constant 1 : i32
      %sub3A_163 = vector.broadcast %sub3A_162 : i32 to vector<16xi32>
      %sub3A_164 = arith.subi %add3A_161, %sub3A_163 : vector<16xi32>
      tpu.vector_store_idx %arg6[%sub3A_164], %add3A_158 masked %and3A_150 : memref<4112xi32, #tpu.memory_space<vmem>>[vector<16xi32>], vector<16xi32>, vector<16xi1>
      %slice3A = vector.extract_strided_slice %masked_cumsum3A {offsets = [15], sizes = [1], strides = [1]} : vector<16xi32> to vector<1xi32>
      %squeeze3A = vector.extract %slice3A[0] : i32 from vector<1xi32>
      %add3A_165 = arith.addi %scan3A_139, %squeeze3A : i32
      %mul3A_166 = arith.constant 4 : i32
      %mul3A_167 = arith.muli %scan3A_138, %mul3A_166 : i32
      %add3A_168 = arith.constant 1 : i32
      %add3A_169 = arith.addi %mul3A_167, %add3A_168 : i32
      %mul3A_170 = arith.constant 16 : i32
      %mul3A_171 = arith.muli %add3A_169, %mul3A_170 : i32
      %get3A_172 = arith.index_cast %mul3A_171 : i32 to index
      %get3A_173 = tpu.vector_load %arg5[%get3A_172] {strides = array<i32>} : memref<4096xi32, #tpu.memory_space<vmem>>, vector<16xi32>,
      %ge3A_174 = vector.broadcast %mul3A_13 : i32 to vector<16xi32>
      %ge3A_175 = arith.cmpi sge, %get3A_173, %ge3A_174 : vector<16xi32>
      %lt3A_176 = vector.broadcast %min3A_17 : i32 to vector<16xi32>
      %lt3A_177 = arith.cmpi slt, %get3A_173, %lt3A_176 : vector<16xi32>
      %and3A_178 = arith.andi %ge3A_175, %lt3A_177 : vector<16xi1>
      %mul3A_179 = arith.constant 4112 : i32
      %mul3A_180 = vector.broadcast %mul3A_179 : i32 to vector<16xi32>
      %mul3A_181 = arith.muli %get3A_173, %mul3A_180 : vector<16xi32>
      %add3A_182 = arith.addi %mul3A_181, %iota3A : vector<16xi32>
      %mul3A_183 = arith.constant 16 : i32
      %mul3A_184 = arith.muli %add3A_169, %mul3A_183 : i32
      %add3A_185 = vector.broadcast %mul3A_184 : i32 to vector<16xi32>
      %add3A_186 = arith.addi %add3A_182, %add3A_185 : vector<16xi32>
      %convert_element_type3A_187 = arith.extui %and3A_178 : vector<16xi1> to vector<16xi32>
      %broadcast_in_dim3A_188 = arith.constant true
      %broadcast_in_dim3A_189 = vector.broadcast %broadcast_in_dim3A_188 : i1 to vector<16xi1>
      %masked_cumsum3A_190 = tpu.scan <sum>, %convert_element_type3A_187 masked %broadcast_in_dim3A_189 : vector<16xi32>, vector<16xi1> -> vector<16xi32>
      %add3A_191 = vector.broadcast %add3A_165 : i32 to vector<16xi32>
      %add3A_192 = arith.addi %add3A_191, %masked_cumsum3A_190 : vector<16xi32>
      %sub3A_193 = arith.constant 1 : i32
      %sub3A_194 = vector.broadcast %sub3A_193 : i32 to vector<16xi32>
      %sub3A_195 = arith.subi %add3A_192, %sub3A_194 : vector<16xi32>
      tpu.vector_store_idx %arg6[%sub3A_195], %add3A_186 masked %and3A_178 : memref<4112xi32, #tpu.memory_space<vmem>>[vector<16xi32>], vector<16xi32>, vector<16xi1>
      %slice3A_196 = vector.extract_strided_slice %masked_cumsum3A_190 {offsets = [15], sizes = [1], strides = [1]} : vector<16xi32> to vector<1xi32>
      %squeeze3A_197 = vector.extract %slice3A_196[0] : i32 from vector<1xi32>
      %add3A_198 = arith.addi %add3A_165, %squeeze3A_197 : i32
      %mul3A_199 = arith.constant 4 : i32
      %mul3A_200 = arith.muli %scan3A_138, %mul3A_199 : i32
      %add3A_201 = arith.constant 2 : i32
      %add3A_202 = arith.addi %mul3A_200, %add3A_201 : i32
      %mul3A_203 = arith.constant 16 : i32
      %mul3A_204 = arith.muli %add3A_202, %mul3A_203 : i32
      %get3A_205 = arith.index_cast %mul3A_204 : i32 to index
      %get3A_206 = tpu.vector_load %arg5[%get3A_205] {strides = array<i32>} : memref<4096xi32, #tpu.memory_space<vmem>>, vector<16xi32>,
      %ge3A_207 = vector.broadcast %mul3A_13 : i32 to vector<16xi32>
      %ge3A_208 = arith.cmpi sge, %get3A_206, %ge3A_207 : vector<16xi32>
      %lt3A_209 = vector.broadcast %min3A_17 : i32 to vector<16xi32>
      %lt3A_210 = arith.cmpi slt, %get3A_206, %lt3A_209 : vector<16xi32>
      %and3A_211 = arith.andi %ge3A_208, %lt3A_210 : vector<16xi1>
      %mul3A_212 = arith.constant 4112 : i32
      %mul3A_213 = vector.broadcast %mul3A_212 : i32 to vector<16xi32>
      %mul3A_214 = arith.muli %get3A_206, %mul3A_213 : vector<16xi32>
      %add3A_215 = arith.addi %mul3A_214, %iota3A : vector<16xi32>
      %mul3A_216 = arith.constant 16 : i32
      %mul3A_217 = arith.muli %add3A_202, %mul3A_216 : i32
      %add3A_218 = vector.broadcast %mul3A_217 : i32 to vector<16xi32>
      %add3A_219 = arith.addi %add3A_215, %add3A_218 : vector<16xi32>
      %convert_element_type3A_220 = arith.extui %and3A_211 : vector<16xi1> to vector<16xi32>
      %broadcast_in_dim3A_221 = arith.constant true
      %broadcast_in_dim3A_222 = vector.broadcast %broadcast_in_dim3A_221 : i1 to vector<16xi1>
      %masked_cumsum3A_223 = tpu.scan <sum>, %convert_element_type3A_220 masked %broadcast_in_dim3A_222 : vector<16xi32>, vector<16xi1> -> vector<16xi32>
      %add3A_224 = vector.broadcast %add3A_198 : i32 to vector<16xi32>
      %add3A_225 = arith.addi %add3A_224, %masked_cumsum3A_223 : vector<16xi32>
      %sub3A_226 = arith.constant 1 : i32
      %sub3A_227 = vector.broadcast %sub3A_226 : i32 to vector<16xi32>
      %sub3A_228 = arith.subi %add3A_225, %sub3A_227 : vector<16xi32>
      tpu.vector_store_idx %arg6[%sub3A_228], %add3A_219 masked %and3A_211 : memref<4112xi32, #tpu.memory_space<vmem>>[vector<16xi32>], vector<16xi32>, vector<16xi1>
      %slice3A_229 = vector.extract_strided_slice %masked_cumsum3A_223 {offsets = [15], sizes = [1], strides = [1]} : vector<16xi32> to vector<1xi32>
      %squeeze3A_230 = vector.extract %slice3A_229[0] : i32 from vector<1xi32>
      %add3A_231 = arith.addi %add3A_198, %squeeze3A_230 : i32
      %mul3A_232 = arith.constant 4 : i32
      %mul3A_233 = arith.muli %scan3A_138, %mul3A_232 : i32
      %add3A_234 = arith.constant 3 : i32
      %add3A_235 = arith.addi %mul3A_233, %add3A_234 : i32
      %mul3A_236 = arith.constant 16 : i32
      %mul3A_237 = arith.muli %add3A_235, %mul3A_236 : i32
      %get3A_238 = arith.index_cast %mul3A_237 : i32 to index
      %get3A_239 = tpu.vector_load %arg5[%get3A_238] {strides = array<i32>} : memref<4096xi32, #tpu.memory_space<vmem>>, vector<16xi32>,
      %ge3A_240 = vector.broadcast %mul3A_13 : i32 to vector<16xi32>
      %ge3A_241 = arith.cmpi sge, %get3A_239, %ge3A_240 : vector<16xi32>
      %lt3A_242 = vector.broadcast %min3A_17 : i32 to vector<16xi32>
      %lt3A_243 = arith.cmpi slt, %get3A_239, %lt3A_242 : vector<16xi32>
      %and3A_244 = arith.andi %ge3A_241, %lt3A_243 : vector<16xi1>
      %mul3A_245 = arith.constant 4112 : i32
      %mul3A_246 = vector.broadcast %mul3A_245 : i32 to vector<16xi32>
      %mul3A_247 = arith.muli %get3A_239, %mul3A_246 : vector<16xi32>
      %add3A_248 = arith.addi %mul3A_247, %iota3A : vector<16xi32>
      %mul3A_249 = arith.constant 16 : i32
      %mul3A_250 = arith.muli %add3A_235, %mul3A_249 : i32
      %add3A_251 = vector.broadcast %mul3A_250 : i32 to vector<16xi32>
      %add3A_252 = arith.addi %add3A_248, %add3A_251 : vector<16xi32>
      %convert_element_type3A_253 = arith.extui %and3A_244 : vector<16xi1> to vector<16xi32>
      %broadcast_in_dim3A_254 = arith.constant true
      %broadcast_in_dim3A_255 = vector.broadcast %broadcast_in_dim3A_254 : i1 to vector<16xi1>
      %masked_cumsum3A_256 = tpu.scan <sum>, %convert_element_type3A_253 masked %broadcast_in_dim3A_255 : vector<16xi32>, vector<16xi1> -> vector<16xi32>
      %add3A_257 = vector.broadcast %add3A_231 : i32 to vector<16xi32>
      %add3A_258 = arith.addi %add3A_257, %masked_cumsum3A_256 : vector<16xi32>
      %sub3A_259 = arith.constant 1 : i32
      %sub3A_260 = vector.broadcast %sub3A_259 : i32 to vector<16xi32>
      %sub3A_261 = arith.subi %add3A_258, %sub3A_260 : vector<16xi32>
      tpu.vector_store_idx %arg6[%sub3A_261], %add3A_252 masked %and3A_244 : memref<4112xi32, #tpu.memory_space<vmem>>[vector<16xi32>], vector<16xi32>, vector<16xi1>
      %slice3A_262 = vector.extract_strided_slice %masked_cumsum3A_256 {offsets = [15], sizes = [1], strides = [1]} : vector<16xi32> to vector<1xi32>
      %squeeze3A_263 = vector.extract %slice3A_262[0] : i32 from vector<1xi32>
      %add3A_264 = arith.addi %add3A_231, %squeeze3A_263 : i32
      scf.yield %add3A_264 : i32
    }
    %scan3A_65 = arith.constant 64 : i32
    %add3A_66 = arith.constant 16 : i32
    %add3A_67 = arith.addi %scan3A_64, %add3A_66 : i32
    %sub3A = arith.constant 1 : i32
    %sub3A_68 = arith.subi %add3A_67, %sub3A : i32
    %jit3A_69 = arith.constant 16 : i32
    %div3A = arith.divsi %sub3A_68, %jit3A_69 : i32
    %sign3A = arith.constant 0 : i32
    %sign3A_70 = arith.cmpi sgt, %sub3A_68, %sign3A : i32
    %sign3A_71 = arith.extui %sign3A_70 : i1 to i32
    %sign3A_72 = arith.constant 0 : i32
    %sign3A_73 = arith.cmpi slt, %sub3A_68, %sign3A_72 : i32
    %sign3A_74 = arith.extui %sign3A_73 : i1 to i32
    %sign3A_75 = arith.subi %sign3A_71, %sign3A_74 : i32
    %sign3A_76 = arith.constant 0 : i32
    %sign3A_77 = arith.cmpi sgt, %jit3A_69, %sign3A_76 : i32
    %sign3A_78 = arith.extui %sign3A_77 : i1 to i32
    %sign3A_79 = arith.constant 0 : i32
    %sign3A_80 = arith.cmpi slt, %jit3A_69, %sign3A_79 : i32
    %sign3A_81 = arith.extui %sign3A_80 : i1 to i32
    %sign3A_82 = arith.subi %sign3A_78, %sign3A_81 : i32
    %ne3A = arith.cmpi ne, %sign3A_75, %sign3A_82 : i32
    %rem3A = arith.remsi %sub3A_68, %jit3A_69 : i32
    %ne3A_83 = arith.constant 0 : i32
    %ne3A_84 = arith.cmpi ne, %rem3A, %ne3A_83 : i32
    %and3A = arith.andi %ne3A, %ne3A_84 : i1
    %sub3A_85 = arith.constant 1 : i32
    %sub3A_86 = arith.subi %div3A, %sub3A_85 : i32
    %select_n3A_87 = arith.select %and3A, %sub3A_86, %div3A : i32
    %scan3A_88 = arith.constant 0 : i32
    %scan3A_89 = arith.constant 0 : i32
    %scan3A_90 = arith.constant 5 : i32
    %scan3A_91 = arith.addi %scan3A_89, %scan3A_90 : i32
    %scan3A_92 = arith.constant 1 : i32
    %scan3A_93 = scf.for %scan3A_138 = %scan3A_89 to %scan3A_91 step %scan3A_92 iter_args(%scan3A_139 = %scan3A_88) -> (i32)  : i32 {
      %rem3A_140 = arith.constant 2 : i32
      %rem3A_141 = arith.remsi %scan3A_138, %rem3A_140 : i32
      %eq3A = arith.constant 0 : i32
      %eq3A_142 = arith.cmpi eq, %rem3A_141, %eq3A : i32
      %convert_element_type3A = arith.extui %eq3A_142 : i1 to i32
      %cond3A = arith.constant 0 : i32
      %cond3A_143 = arith.cmpi ne, %convert_element_type3A, %cond3A : i32
      scf.if %cond3A_143 {
        %dma_wait3A = arith.constant 0 : i32
        %dma_wait3A_230 = arith.constant 0 : i32
        %dma_wait3A_231 = arith.constant 0 : i32
        %dma_wait3A_232 = tpu.memref_slice %arg8[%dma_wait3A, %dma_wait3A_230, %dma_wait3A_231] : memref<2x64x640xf32, #tpu.memory_space<vmem>> -> memref<1x64x640xf32, #tpu.memory_space<vmem>>
        %dma_wait3A_233 = tpu.memref_squeeze %dma_wait3A_232 : memref<1x64x640xf32, #tpu.memory_space<vmem>> -> memref<64x640xf32, #tpu.memory_space<vmem>>
        %dma_wait3A_234 = arith.constant 0 : i32
        %dma_wait3A_235 = arith.constant 0 : i32
        %dma_wait3A_236 = tpu.memref_slice %arg3[%dma_wait3A_234, %dma_wait3A_235] : memref<64x100000xf32, #tpu.memory_space<hbm>> -> memref<64x640xf32, #tpu.memory_space<hbm>>
        %dma_wait3A_237 = arith.constant 0 : i32
        %dma_wait3A_238 = arith.constant 0 : i32
        %dma_wait3A_239 = tpu.memref_slice %arg8[%dma_wait3A, %dma_wait3A_237, %dma_wait3A_238] : memref<2x64x640xf32, #tpu.memory_space<vmem>> -> memref<1x64x640xf32, #tpu.memory_space<vmem>>
        %dma_wait3A_240 = tpu.memref_squeeze %dma_wait3A_239 : memref<1x64x640xf32, #tpu.memory_space<vmem>> -> memref<64x640xf32, #tpu.memory_space<vmem>>
        %dma_wait3A_241 = arith.constant 0 : i32
        %dma_wait3A_242 = arith.constant 0 : i32
        %dma_wait3A_243 = tpu.memref_slice %arg3[%dma_wait3A_241, %dma_wait3A_242] : memref<64x100000xf32, #tpu.memory_space<hbm>> -> memref<64x640xf32, #tpu.memory_space<hbm>>
        tpu.wait_dma2 semaphore(%arg10 : memref<!tpu.dma_semaphore, #tpu.memory_space<semaphore_mem>>) src(%dma_wait3A_243 : memref<64x640xf32, #tpu.memory_space<hbm>>) dst(%dma_wait3A_240 : memref<64x640xf32, #tpu.memory_space<vmem>>)
      } else {
      }
      %eq3A_144 = arith.constant 1 : i32
      %eq3A_145 = arith.cmpi eq, %rem3A_141, %eq3A_144 : i32
      %convert_element_type3A_146 = arith.extui %eq3A_145 : i1 to i32
      %cond3A_147 = arith.constant 0 : i32
      %cond3A_148 = arith.cmpi ne, %convert_element_type3A_146, %cond3A_147 : i32
      scf.if %cond3A_148 {
        %dma_wait3A = arith.constant 1 : i32
        %dma_wait3A_230 = arith.constant 0 : i32
        %dma_wait3A_231 = arith.constant 0 : i32
        %dma_wait3A_232 = tpu.memref_slice %arg8[%dma_wait3A, %dma_wait3A_230, %dma_wait3A_231] : memref<2x64x640xf32, #tpu.memory_space<vmem>> -> memref<1x64x640xf32, #tpu.memory_space<vmem>>
        %dma_wait3A_233 = tpu.memref_squeeze %dma_wait3A_232 : memref<1x64x640xf32, #tpu.memory_space<vmem>> -> memref<64x640xf32, #tpu.memory_space<vmem>>
        %dma_wait3A_234 = arith.constant 0 : i32
        %dma_wait3A_235 = arith.constant 0 : i32
        %dma_wait3A_236 = tpu.memref_slice %arg3[%dma_wait3A_234, %dma_wait3A_235] : memref<64x100000xf32, #tpu.memory_space<hbm>> -> memref<64x640xf32, #tpu.memory_space<hbm>>
        %dma_wait3A_237 = arith.constant 0 : i32
        %dma_wait3A_238 = arith.constant 0 : i32
        %dma_wait3A_239 = tpu.memref_slice %arg8[%dma_wait3A, %dma_wait3A_237, %dma_wait3A_238] : memref<2x64x640xf32, #tpu.memory_space<vmem>> -> memref<1x64x640xf32, #tpu.memory_space<vmem>>
        %dma_wait3A_240 = tpu.memref_squeeze %dma_wait3A_239 : memref<1x64x640xf32, #tpu.memory_space<vmem>> -> memref<64x640xf32, #tpu.memory_space<vmem>>
        %dma_wait3A_241 = arith.constant 0 : i32
        %dma_wait3A_242 = arith.constant 0 : i32
        %dma_wait3A_243 = tpu.memref_slice %arg3[%dma_wait3A_241, %dma_wait3A_242] : memref<64x100000xf32, #tpu.memory_space<hbm>> -> memref<64x640xf32, #tpu.memory_space<hbm>>
        tpu.wait_dma2 semaphore(%arg11 : memref<!tpu.dma_semaphore, #tpu.memory_space<semaphore_mem>>) src(%dma_wait3A_243 : memref<64x640xf32, #tpu.memory_space<hbm>>) dst(%dma_wait3A_240 : memref<64x640xf32, #tpu.memory_space<vmem>>)
      } else {
      }
      %mul3A_149 = arith.constant 5 : i32
      %mul3A_150 = arith.muli %scan3A_138, %mul3A_149 : i32
      %add3A_151 = arith.addi %select_n3A_11, %mul3A_150 : i32
      %mul3A_152 = arith.constant 128 : i32
      %mul3A_153 = arith.muli %add3A_151, %mul3A_152 : i32
      %min3A_154 = arith.constant 99456 : i32
      %min3A_155 = arith.minsi %mul3A_153, %min3A_154 : i32
      %multiple_of3A_156 = tpu.assume_multiple %min3A_155, 128 : i32
      %mul3A_157 = arith.constant 4112 : i32
      %mul3A_158 = arith.muli %multiple_of3A_156, %mul3A_157 : i32
      %while3A_159 = arith.constant 0 : i32
      %while3A_160 = arith.constant 0 : i32
      %while3A_161 = arith.subi %select_n3A_87, %while3A_159 : i32
      %while3A_162 = arith.addi %while3A_159, %while3A_161 : i32
      %while3A_163 = arith.constant 1 : i32
      %while3A_164 = arith.divsi %while3A_161, %while3A_163 : i32
      %while3A_165 = arith.muli %while3A_164, %while3A_163 : i32
      %while3A_166 = arith.addi %while3A_159, %while3A_165 : i32
      %while3A_167 = arith.constant 1 : i32
      %while3A_168 = scf.for %while3A_230 = %while3A_159 to %while3A_166 step %while3A_167 iter_args(%while3A_231 = %while3A_160) -> (i32)  : i32 {
        %mul3A_232 = arith.constant 16 : i32
        %mul3A_233 = arith.muli %while3A_230, %mul3A_232 : i32
        %get3A = arith.index_cast %mul3A_233 : i32 to index
        %get3A_234 = tpu.vector_load %arg6[%get3A] {strides = array<i32>} : memref<4112xi32, #tpu.memory_space<vmem>>, vector<16xi32>,
        %jit3A_235 = arith.constant 4112 : i32
        %div3A_236 = vector.broadcast %jit3A_235 : i32 to vector<16xi32>
        %div3A_237 = arith.divsi %get3A_234, %div3A_236 : vector<16xi32>
        %sign3A_238 = arith.constant 0 : i32
        %sign3A_239 = vector.broadcast %sign3A_238 : i32 to vector<16xi32>
        %sign3A_240 = arith.cmpi sgt, %get3A_234, %sign3A_239 : vector<16xi32>
        %sign3A_241 = arith.extui %sign3A_240 : vector<16xi1> to vector<16xi32>
        %sign3A_242 = arith.constant 0 : i32
        %sign3A_243 = vector.broadcast %sign3A_242 : i32 to vector<16xi32>
        %sign3A_244 = arith.cmpi slt, %get3A_234, %sign3A_243 : vector<16xi32>
        %sign3A_245 = arith.extui %sign3A_244 : vector<16xi1> to vector<16xi32>
        %sign3A_246 = arith.subi %sign3A_241, %sign3A_245 : vector<16xi32>
        %sign3A_247 = arith.constant 0 : i32
        %sign3A_248 = arith.cmpi sgt, %jit3A_235, %sign3A_247 : i32
        %sign3A_249 = arith.extui %sign3A_248 : i1 to i32
        %sign3A_250 = arith.constant 0 : i32
        %sign3A_251 = arith.cmpi slt, %jit3A_235, %sign3A_250 : i32
        %sign3A_252 = arith.extui %sign3A_251 : i1 to i32
        %sign3A_253 = arith.subi %sign3A_249, %sign3A_252 : i32
        %ne3A_254 = vector.broadcast %sign3A_253 : i32 to vector<16xi32>
        %ne3A_255 = arith.cmpi ne, %sign3A_246, %ne3A_254 : vector<16xi32>
        %rem3A_256 = vector.broadcast %jit3A_235 : i32 to vector<16xi32>
        %rem3A_257 = arith.remsi %get3A_234, %rem3A_256 : vector<16xi32>
        %ne3A_258 = arith.constant 0 : i32
        %ne3A_259 = vector.broadcast %ne3A_258 : i32 to vector<16xi32>
        %ne3A_260 = arith.cmpi ne, %rem3A_257, %ne3A_259 : vector<16xi32>
        %and3A_261 = arith.andi %ne3A_255, %ne3A_260 : vector<16xi1>
        %sub3A_262 = arith.constant 1 : i32
        %sub3A_263 = vector.broadcast %sub3A_262 : i32 to vector<16xi32>
        %sub3A_264 = arith.subi %div3A_237, %sub3A_263 : vector<16xi32>
        %select_n3A_265 = arith.select %and3A_261, %sub3A_264, %div3A_237 : vector<16xi1>, vector<16xi32>
        %mul3A_266 = arith.constant 16 : i32
        %mul3A_267 = arith.muli %while3A_230, %mul3A_266 : i32
        %add3A_268 = vector.broadcast %mul3A_267 : i32 to vector<16xi32>
        %add3A_269 = arith.addi %iota3A, %add3A_268 : vector<16xi32>
        %lt3A_270 = vector.broadcast %scan3A_64 : i32 to vector<16xi32>
        %lt3A_271 = arith.cmpi slt, %add3A_269, %lt3A_270 : vector<16xi32>
        %ge3A = vector.broadcast %multiple_of3A_156 : i32 to vector<16xi32>
        %ge3A_272 = arith.cmpi sge, %select_n3A_265, %ge3A : vector<16xi32>
        %and3A_273 = arith.andi %lt3A_271, %ge3A_272 : vector<16xi1>
        %add3A_274 = arith.constant 640 : i32
        %add3A_275 = arith.addi %multiple_of3A_156, %add3A_274 : i32
        %lt3A_276 = vector.broadcast %add3A_275 : i32 to vector<16xi32>
        %lt3A_277 = arith.cmpi slt, %select_n3A_265, %lt3A_276 : vector<16xi32>
        %and3A_278 = arith.andi %and3A_273, %lt3A_277 : vector<16xi1>
        %convert_element_type3A_279 = arith.extui %and3A_278 : vector<16xi1> to vector<16xi32>
        %broadcast_in_dim3A = arith.constant true
        %broadcast_in_dim3A_280 = vector.broadcast %broadcast_in_dim3A : i1 to vector<16xi1>
        %masked_cumsum3A = tpu.scan <sum>, %convert_element_type3A_279 masked %broadcast_in_dim3A_280 : vector<16xi32>, vector<16xi1> -> vector<16xi32>
        %add3A_281 = vector.broadcast %while3A_231 : i32 to vector<16xi32>
        %add3A_282 = arith.addi %add3A_281, %masked_cumsum3A : vector<16xi32>
        %sub3A_283 = arith.constant 1 : i32
        %sub3A_284 = vector.broadcast %sub3A_283 : i32 to vector<16xi32>
        %sub3A_285 = arith.subi %add3A_282, %sub3A_284 : vector<16xi32>
        %sub3A_286 = vector.broadcast %mul3A_158 : i32 to vector<16xi32>
        %sub3A_287 = arith.subi %get3A_234, %sub3A_286 : vector<16xi32>
        tpu.vector_store_idx %arg7[%sub3A_285], %sub3A_287 masked %and3A_278 : memref<4112xi32, #tpu.memory_space<vmem>>[vector<16xi32>], vector<16xi32>, vector<16xi1>
        %slice3A = vector.extract_strided_slice %masked_cumsum3A {offsets = [15], sizes = [1], strides = [1]} : vector<16xi32> to vector<1xi32>
        %squeeze3A = vector.extract %slice3A[0] : i32 from vector<1xi32>
        %add3A_288 = arith.addi %while3A_231, %squeeze3A : i32
        scf.yield %add3A_288 : i32
      }
      %while3A_169 = arith.constant 1 : i32
      %while3A_170 = scf.for %while3A_230 = %while3A_166 to %while3A_162 step %while3A_169 iter_args(%while3A_231 = %while3A_168) -> (i32)  : i32 {
        %mul3A_232 = arith.constant 16 : i32
        %mul3A_233 = arith.muli %while3A_230, %mul3A_232 : i32
        %get3A = arith.index_cast %mul3A_233 : i32 to index
        %get3A_234 = tpu.vector_load %arg6[%get3A] {strides = array<i32>} : memref<4112xi32, #tpu.memory_space<vmem>>, vector<16xi32>,
        %jit3A_235 = arith.constant 4112 : i32
        %div3A_236 = vector.broadcast %jit3A_235 : i32 to vector<16xi32>
        %div3A_237 = arith.divsi %get3A_234, %div3A_236 : vector<16xi32>
        %sign3A_238 = arith.constant 0 : i32
        %sign3A_239 = vector.broadcast %sign3A_238 : i32 to vector<16xi32>
        %sign3A_240 = arith.cmpi sgt, %get3A_234, %sign3A_239 : vector<16xi32>
        %sign3A_241 = arith.extui %sign3A_240 : vector<16xi1> to vector<16xi32>
        %sign3A_242 = arith.constant 0 : i32
        %sign3A_243 = vector.broadcast %sign3A_242 : i32 to vector<16xi32>
        %sign3A_244 = arith.cmpi slt, %get3A_234, %sign3A_243 : vector<16xi32>
        %sign3A_245 = arith.extui %sign3A_244 : vector<16xi1> to vector<16xi32>
        %sign3A_246 = arith.subi %sign3A_241, %sign3A_245 : vector<16xi32>
        %sign3A_247 = arith.constant 0 : i32
        %sign3A_248 = arith.cmpi sgt, %jit3A_235, %sign3A_247 : i32
        %sign3A_249 = arith.extui %sign3A_248 : i1 to i32
        %sign3A_250 = arith.constant 0 : i32
        %sign3A_251 = arith.cmpi slt, %jit3A_235, %sign3A_250 : i32
        %sign3A_252 = arith.extui %sign3A_251 : i1 to i32
        %sign3A_253 = arith.subi %sign3A_249, %sign3A_252 : i32
        %ne3A_254 = vector.broadcast %sign3A_253 : i32 to vector<16xi32>
        %ne3A_255 = arith.cmpi ne, %sign3A_246, %ne3A_254 : vector<16xi32>
        %rem3A_256 = vector.broadcast %jit3A_235 : i32 to vector<16xi32>
        %rem3A_257 = arith.remsi %get3A_234, %rem3A_256 : vector<16xi32>
        %ne3A_258 = arith.constant 0 : i32
        %ne3A_259 = vector.broadcast %ne3A_258 : i32 to vector<16xi32>
        %ne3A_260 = arith.cmpi ne, %rem3A_257, %ne3A_259 : vector<16xi32>
        %and3A_261 = arith.andi %ne3A_255, %ne3A_260 : vector<16xi1>
        %sub3A_262 = arith.constant 1 : i32
        %sub3A_263 = vector.broadcast %sub3A_262 : i32 to vector<16xi32>
        %sub3A_264 = arith.subi %div3A_237, %sub3A_263 : vector<16xi32>
        %select_n3A_265 = arith.select %and3A_261, %sub3A_264, %div3A_237 : vector<16xi1>, vector<16xi32>
        %mul3A_266 = arith.constant 16 : i32
        %mul3A_267 = arith.muli %while3A_230, %mul3A_266 : i32
        %add3A_268 = vector.broadcast %mul3A_267 : i32 to vector<16xi32>
        %add3A_269 = arith.addi %iota3A, %add3A_268 : vector<16xi32>
        %lt3A_270 = vector.broadcast %scan3A_64 : i32 to vector<16xi32>
        %lt3A_271 = arith.cmpi slt, %add3A_269, %lt3A_270 : vector<16xi32>
        %ge3A = vector.broadcast %multiple_of3A_156 : i32 to vector<16xi32>
        %ge3A_272 = arith.cmpi sge, %select_n3A_265, %ge3A : vector<16xi32>
        %and3A_273 = arith.andi %lt3A_271, %ge3A_272 : vector<16xi1>
        %add3A_274 = arith.constant 640 : i32
        %add3A_275 = arith.addi %multiple_of3A_156, %add3A_274 : i32
        %lt3A_276 = vector.broadcast %add3A_275 : i32 to vector<16xi32>
        %lt3A_277 = arith.cmpi slt, %select_n3A_265, %lt3A_276 : vector<16xi32>
        %and3A_278 = arith.andi %and3A_273, %lt3A_277 : vector<16xi1>
        %convert_element_type3A_279 = arith.extui %and3A_278 : vector<16xi1> to vector<16xi32>
        %broadcast_in_dim3A = arith.constant true
        %broadcast_in_dim3A_280 = vector.broadcast %broadcast_in_dim3A : i1 to vector<16xi1>
        %masked_cumsum3A = tpu.scan <sum>, %convert_element_type3A_279 masked %broadcast_in_dim3A_280 : vector<16xi32>, vector<16xi1> -> vector<16xi32>
        %add3A_281 = vector.broadcast %while3A_231 : i32 to vector<16xi32>
        %add3A_282 = arith.addi %add3A_281, %masked_cumsum3A : vector<16xi32>
        %sub3A_283 = arith.constant 1 : i32
        %sub3A_284 = vector.broadcast %sub3A_283 : i32 to vector<16xi32>
        %sub3A_285 = arith.subi %add3A_282, %sub3A_284 : vector<16xi32>
        %sub3A_286 = vector.broadcast %mul3A_158 : i32 to vector<16xi32>
        %sub3A_287 = arith.subi %get3A_234, %sub3A_286 : vector<16xi32>
        tpu.vector_store_idx %arg7[%sub3A_285], %sub3A_287 masked %and3A_278 : memref<4112xi32, #tpu.memory_space<vmem>>[vector<16xi32>], vector<16xi32>, vector<16xi1>
        %slice3A = vector.extract_strided_slice %masked_cumsum3A {offsets = [15], sizes = [1], strides = [1]} : vector<16xi32> to vector<1xi32>
        %squeeze3A = vector.extract %slice3A[0] : i32 from vector<1xi32>
        %add3A_288 = arith.addi %while3A_231, %squeeze3A : i32
        scf.yield %add3A_288 : i32
      }
      %add3A_171 = arith.constant 16 : i32
      %add3A_172 = arith.addi %while3A_170, %add3A_171 : i32
      %sub3A_173 = arith.constant 1 : i32
      %sub3A_174 = arith.subi %add3A_172, %sub3A_173 : i32
      %jit3A_175 = arith.constant 16 : i32
      %div3A_176 = arith.divsi %sub3A_174, %jit3A_175 : i32
      %sign3A_177 = arith.constant 0 : i32
      %sign3A_178 = arith.cmpi sgt, %sub3A_174, %sign3A_177 : i32
      %sign3A_179 = arith.extui %sign3A_178 : i1 to i32
      %sign3A_180 = arith.constant 0 : i32
      %sign3A_181 = arith.cmpi slt, %sub3A_174, %sign3A_180 : i32
      %sign3A_182 = arith.extui %sign3A_181 : i1 to i32
      %sign3A_183 = arith.subi %sign3A_179, %sign3A_182 : i32
      %sign3A_184 = arith.constant 0 : i32
      %sign3A_185 = arith.cmpi sgt, %jit3A_175, %sign3A_184 : i32
      %sign3A_186 = arith.extui %sign3A_185 : i1 to i32
      %sign3A_187 = arith.constant 0 : i32
      %sign3A_188 = arith.cmpi slt, %jit3A_175, %sign3A_187 : i32
      %sign3A_189 = arith.extui %sign3A_188 : i1 to i32
      %sign3A_190 = arith.subi %sign3A_186, %sign3A_189 : i32
      %ne3A_191 = arith.cmpi ne, %sign3A_183, %sign3A_190 : i32
      %rem3A_192 = arith.remsi %sub3A_174, %jit3A_175 : i32
      %ne3A_193 = arith.constant 0 : i32
      %ne3A_194 = arith.cmpi ne, %rem3A_192, %ne3A_193 : i32
      %and3A_195 = arith.andi %ne3A_191, %ne3A_194 : i1
      %sub3A_196 = arith.constant 1 : i32
      %sub3A_197 = arith.subi %div3A_176, %sub3A_196 : i32
      %select_n3A_198 = arith.select %and3A_195, %sub3A_197, %div3A_176 : i32
      %while3A_199 = arith.constant 0 : i32
      %while3A_200 = arith.subi %select_n3A_198, %while3A_199 : i32
      %while3A_201 = arith.addi %while3A_199, %while3A_200 : i32
      %while3A_202 = arith.constant 1 : i32
      %while3A_203 = arith.divsi %while3A_200, %while3A_202 : i32
      %while3A_204 = arith.muli %while3A_203, %while3A_202 : i32
      %while3A_205 = arith.addi %while3A_199, %while3A_204 : i32
      %while3A_206 = arith.constant 1 : i32
      %while3A_207 = scf.for %while3A_230 = %while3A_199 to %while3A_205 step %while3A_206 iter_args(%while3A_231 = %scan3A_139) -> (i32)  : i32 {
        %mul3A_232 = arith.constant 16 : i32
        %mul3A_233 = arith.muli %while3A_230, %mul3A_232 : i32
        %get3A = arith.index_cast %mul3A_233 : i32 to index
        %get3A_234 = tpu.vector_load %arg7[%get3A] {strides = array<i32>} : memref<4112xi32, #tpu.memory_space<vmem>>, vector<16xi32>,
        %mul3A_235 = arith.constant 16 : i32
        %mul3A_236 = arith.muli %while3A_230, %mul3A_235 : i32
        %add3A_237 = vector.broadcast %mul3A_236 : i32 to vector<16xi32>
        %add3A_238 = arith.addi %iota3A, %add3A_237 : vector<16xi32>
        %lt3A_239 = vector.broadcast %while3A_170 : i32 to vector<16xi32>
        %lt3A_240 = arith.cmpi slt, %add3A_238, %lt3A_239 : vector<16xi32>
        %jit3A_241 = arith.constant 4112 : i32
        %div3A_242 = vector.broadcast %jit3A_241 : i32 to vector<16xi32>
        %div3A_243 = arith.divsi %get3A_234, %div3A_242 : vector<16xi32>
        %sign3A_244 = arith.constant 0 : i32
        %sign3A_245 = vector.broadcast %sign3A_244 : i32 to vector<16xi32>
        %sign3A_246 = arith.cmpi sgt, %get3A_234, %sign3A_245 : vector<16xi32>
        %sign3A_247 = arith.extui %sign3A_246 : vector<16xi1> to vector<16xi32>
        %sign3A_248 = arith.constant 0 : i32
        %sign3A_249 = vector.broadcast %sign3A_248 : i32 to vector<16xi32>
        %sign3A_250 = arith.cmpi slt, %get3A_234, %sign3A_249 : vector<16xi32>
        %sign3A_251 = arith.extui %sign3A_250 : vector<16xi1> to vector<16xi32>
        %sign3A_252 = arith.subi %sign3A_247, %sign3A_251 : vector<16xi32>
        %sign3A_253 = arith.constant 0 : i32
        %sign3A_254 = arith.cmpi sgt, %jit3A_241, %sign3A_253 : i32
        %sign3A_255 = arith.extui %sign3A_254 : i1 to i32
        %sign3A_256 = arith.constant 0 : i32
        %sign3A_257 = arith.cmpi slt, %jit3A_241, %sign3A_256 : i32
        %sign3A_258 = arith.extui %sign3A_257 : i1 to i32
        %sign3A_259 = arith.subi %sign3A_255, %sign3A_258 : i32
        %ne3A_260 = vector.broadcast %sign3A_259 : i32 to vector<16xi32>
        %ne3A_261 = arith.cmpi ne, %sign3A_252, %ne3A_260 : vector<16xi32>
        %rem3A_262 = vector.broadcast %jit3A_241 : i32 to vector<16xi32>
        %rem3A_263 = arith.remsi %get3A_234, %rem3A_262 : vector<16xi32>
        %ne3A_264 = arith.constant 0 : i32
        %ne3A_265 = vector.broadcast %ne3A_264 : i32 to vector<16xi32>
        %ne3A_266 = arith.cmpi ne, %rem3A_263, %ne3A_265 : vector<16xi32>
        %and3A_267 = arith.andi %ne3A_261, %ne3A_266 : vector<16xi1>
        %sub3A_268 = arith.constant 1 : i32
        %sub3A_269 = vector.broadcast %sub3A_268 : i32 to vector<16xi32>
        %sub3A_270 = arith.subi %div3A_243, %sub3A_269 : vector<16xi32>
        %select_n3A_271 = arith.select %and3A_267, %sub3A_270, %div3A_243 : vector<16xi1>, vector<16xi32>
        %jit3A_272 = arith.constant 0 : i32
        %broadcast_in_dim3A = vector.broadcast %jit3A_272 : i32 to vector<16xi32>
        %select_n3A_273 = arith.select %lt3A_240, %select_n3A_271, %broadcast_in_dim3A : vector<16xi1>, vector<16xi32>
        %rem3A_274 = arith.constant 4112 : i32
        %rem3A_275 = vector.broadcast %rem3A_274 : i32 to vector<16xi32>
        %rem3A_276 = arith.remsi %get3A_234, %rem3A_275 : vector<16xi32>
        %add3A_277 = arith.constant 4096 : i32
        %add3A_278 = vector.broadcast %add3A_277 : i32 to vector<16xi32>
        %add3A_279 = arith.addi %add3A_278, %iota3A : vector<16xi32>
        %select_n3A_280 = arith.select %lt3A_240, %rem3A_276, %add3A_279 : vector<16xi1>, vector<16xi32>
        %rem3A_281 = arith.constant 16 : i32
        %rem3A_282 = arith.remsi %while3A_231, %rem3A_281 : i32
        %mul3A_283 = arith.constant 16 : i32
        %mul3A_284 = arith.muli %rem3A_282, %mul3A_283 : i32
        %gt3A_285 = arith.constant 0 : i32
        %gt3A_286 = arith.cmpi sgt, %while3A_231, %gt3A_285 : i32
        %rem3A_287 = arith.constant 16 : i32
        %rem3A_288 = arith.remsi %while3A_231, %rem3A_287 : i32
        %eq3A_289 = arith.constant 0 : i32
        %eq3A_290 = arith.cmpi eq, %rem3A_288, %eq3A_289 : i32
        %and3A_291 = arith.andi %gt3A_286, %eq3A_290 : i1
        %convert_element_type3A_292 = arith.extui %and3A_291 : i1 to i32
        %cond3A_293 = arith.constant 0 : i32
        %cond3A_294 = arith.cmpi ne, %convert_element_type3A_292, %cond3A_293 : i32
        scf.if %cond3A_294 {
          %scan3A_876 = arith.constant 0 : i32
          %scan3A_877 = arith.constant 0 : i32
          %scan3A_878 = arith.constant 256 : i32
          %scan3A_879 = arith.addi %scan3A_877, %scan3A_878 : i32
          %scan3A_880 = arith.constant 1 : i32
          scf.for %scan3A_882 = %scan3A_877 to %scan3A_879 step %scan3A_880  : i32 {
            %dma_wait3A = arith.constant 0 : i32
            %dma_wait3A_883 = arith.constant 0 : i32
            %dma_wait3A_884 = arith.constant 0 : i32
            %dma_wait3A_885 = tpu.memref_slice %arg9[%dma_wait3A_883, %dma_wait3A_884] : memref<256x128xf32, #tpu.memory_space<vmem>> -> memref<1x64xf32, #tpu.memory_space<vmem>>
            %dma_wait3A_886 = tpu.memref_squeeze %dma_wait3A_885 : memref<1x64xf32, #tpu.memory_space<vmem>> -> memref<64xf32, #tpu.memory_space<vmem>>
            %dma_wait3A_887 = arith.constant 0 : i32
            %dma_wait3A_888 = tpu.memref_slice %arg4[%dma_wait3A, %dma_wait3A_887] : memref<4112x64xf32, #tpu.memory_space<hbm>> -> memref<1x64xf32, #tpu.memory_space<hbm>>
            %dma_wait3A_889 = tpu.memref_squeeze %dma_wait3A_888 : memref<1x64xf32, #tpu.memory_space<hbm>> -> memref<64xf32, #tpu.memory_space<hbm>>
            %dma_wait3A_890 = arith.constant 0 : i32
            %dma_wait3A_891 = tpu.memref_slice %arg9[%dma_wait3A_883, %dma_wait3A_890] : memref<256x128xf32, #tpu.memory_space<vmem>> -> memref<1x64xf32, #tpu.memory_space<vmem>>
            %dma_wait3A_892 = tpu.memref_squeeze %dma_wait3A_891 : memref<1x64xf32, #tpu.memory_space<vmem>> -> memref<64xf32, #tpu.memory_space<vmem>>
            %dma_wait3A_893 = arith.constant 0 : i32
            %dma_wait3A_894 = tpu.memref_slice %arg4[%dma_wait3A, %dma_wait3A_893] : memref<4112x64xf32, #tpu.memory_space<hbm>> -> memref<1x64xf32, #tpu.memory_space<hbm>>
            %dma_wait3A_895 = tpu.memref_squeeze %dma_wait3A_894 : memref<1x64xf32, #tpu.memory_space<hbm>> -> memref<64xf32, #tpu.memory_space<hbm>>
            tpu.wait_dma2 semaphore(%arg12 : memref<!tpu.dma_semaphore, #tpu.memory_space<semaphore_mem>>) src(%dma_wait3A_895 : memref<64xf32, #tpu.memory_space<hbm>>) dst(%dma_wait3A_892 : memref<64xf32, #tpu.memory_space<vmem>>)
          }
          %scan3A_881 = arith.constant 256 : i32
        } else {
        }
        %add3A_295 = vector.broadcast %mul3A_284 : i32 to vector<16xi32>
        %add3A_296 = arith.addi %add3A_295, %iota3A : vector<16xi32>
        %broadcast_in_dim3A_297 = arith.constant 0 : i32
        %broadcast_in_dim3A_298 = vector.broadcast %broadcast_in_dim3A_297 : i32 to vector<16xi32>
        %add3A_299 = vector.broadcast %rem3A_141 : i32 to vector<16xi32>
        %add3A_300 = arith.addi %broadcast_in_dim3A_298, %add3A_299 : vector<16xi32>
        %broadcast_in_dim3A_301 = arith.constant 0 : i32
        %broadcast_in_dim3A_302 = vector.broadcast %broadcast_in_dim3A_301 : i32 to vector<16xi32>
        %gather3A = tpu.vector_load_idx %arg8[%add3A_300, %broadcast_in_dim3A_302, %select_n3A_273] : memref<2x64x640xf32, #tpu.memory_space<vmem>>[vector<16xi32>, vector<16xi32>, vector<16xi32>], vector<16xf32>,
        %broadcast_in_dim3A_303 = arith.constant 0 : i32
        %broadcast_in_dim3A_304 = vector.broadcast %broadcast_in_dim3A_303 : i32 to vector<16xi32>
        tpu.vector_store_idx %arg9[%add3A_296, %broadcast_in_dim3A_304], %gather3A : memref<256x128xf32, #tpu.memory_space<vmem>>[vector<16xi32>, vector<16xi32>], vector<16xf32>,
        %broadcast_in_dim3A_305 = arith.constant 1 : i32
        %broadcast_in_dim3A_306 = vector.broadcast %broadcast_in_dim3A_305 : i32 to vector<16xi32>
        %gather3A_307 = tpu.vector_load_idx %arg8[%add3A_300, %broadcast_in_dim3A_306, %select_n3A_273] : memref<2x64x640xf32, #tpu.memory_space<vmem>>[vector<16xi32>, vector<16xi32>, vector<16xi32>], vector<16xf32>,
        %broadcast_in_dim3A_308 = arith.constant 1 : i32
        %broadcast_in_dim3A_309 = vector.broadcast %broadcast_in_dim3A_308 : i32 to vector<16xi32>
        tpu.vector_store_idx %arg9[%add3A_296, %broadcast_in_dim3A_309], %gather3A_307 : memref<256x128xf32, #tpu.memory_space<vmem>>[vector<16xi32>, vector<16xi32>], vector<16xf32>,
        %broadcast_in_dim3A_310 = arith.constant 2 : i32
        %broadcast_in_dim3A_311 = vector.broadcast %broadcast_in_dim3A_310 : i32 to vector<16xi32>
        %gather3A_312 = tpu.vector_load_idx %arg8[%add3A_300, %broadcast_in_dim3A_311, %select_n3A_273] : memref<2x64x640xf32, #tpu.memory_space<vmem>>[vector<16xi32>, vector<16xi32>, vector<16xi32>], vector<16xf32>,
        %broadcast_in_dim3A_313 = arith.constant 2 : i32
        %broadcast_in_dim3A_314 = vector.broadcast %broadcast_in_dim3A_313 : i32 to vector<16xi32>
        tpu.vector_store_idx %arg9[%add3A_296, %broadcast_in_dim3A_314], %gather3A_312 : memref<256x128xf32, #tpu.memory_space<vmem>>[vector<16xi32>, vector<16xi32>], vector<16xf32>,
        %broadcast_in_dim3A_315 = arith.constant 3 : i32
        %broadcast_in_dim3A_316 = vector.broadcast %broadcast_in_dim3A_315 : i32 to vector<16xi32>
        %gather3A_317 = tpu.vector_load_idx %arg8[%add3A_300, %broadcast_in_dim3A_316, %select_n3A_273] : memref<2x64x640xf32, #tpu.memory_space<vmem>>[vector<16xi32>, vector<16xi32>, vector<16xi32>], vector<16xf32>,
        %broadcast_in_dim3A_318 = arith.constant 3 : i32
        %broadcast_in_dim3A_319 = vector.broadcast %broadcast_in_dim3A_318 : i32 to vector<16xi32>
        tpu.vector_store_idx %arg9[%add3A_296, %broadcast_in_dim3A_319], %gather3A_317 : memref<256x128xf32, #tpu.memory_space<vmem>>[vector<16xi32>, vector<16xi32>], vector<16xf32>,
        %broadcast_in_dim3A_320 = arith.constant 4 : i32
        %broadcast_in_dim3A_321 = vector.broadcast %broadcast_in_dim3A_320 : i32 to vector<16xi32>
        %gather3A_322 = tpu.vector_load_idx %arg8[%add3A_300, %broadcast_in_dim3A_321, %select_n3A_273] : memref<2x64x640xf32, #tpu.memory_space<vmem>>[vector<16xi32>, vector<16xi32>, vector<16xi32>], vector<16xf32>,
        %broadcast_in_dim3A_323 = arith.constant 4 : i32
        %broadcast_in_dim3A_324 = vector.broadcast %broadcast_in_dim3A_323 : i32 to vector<16xi32>
        tpu.vector_store_idx %arg9[%add3A_296, %broadcast_in_dim3A_324], %gather3A_322 : memref<256x128xf32, #tpu.memory_space<vmem>>[vector<16xi32>, vector<16xi32>], vector<16xf32>,
        %broadcast_in_dim3A_325 = arith.constant 5 : i32
        %broadcast_in_dim3A_326 = vector.broadcast %broadcast_in_dim3A_325 : i32 to vector<16xi32>
        %gather3A_327 = tpu.vector_load_idx %arg8[%add3A_300, %broadcast_in_dim3A_326, %select_n3A_273] : memref<2x64x640xf32, #tpu.memory_space<vmem>>[vector<16xi32>, vector<16xi32>, vector<16xi32>], vector<16xf32>,
        %broadcast_in_dim3A_328 = arith.constant 5 : i32
        %broadcast_in_dim3A_329 = vector.broadcast %broadcast_in_dim3A_328 : i32 to vector<16xi32>
        tpu.vector_store_idx %arg9[%add3A_296, %broadcast_in_dim3A_329], %gather3A_327 : memref<256x128xf32, #tpu.memory_space<vmem>>[vector<16xi32>, vector<16xi32>], vector<16xf32>,
        %broadcast_in_dim3A_330 = arith.constant 6 : i32
        %broadcast_in_dim3A_331 = vector.broadcast %broadcast_in_dim3A_330 : i32 to vector<16xi32>
        %gather3A_332 = tpu.vector_load_idx %arg8[%add3A_300, %broadcast_in_dim3A_331, %select_n3A_273] : memref<2x64x640xf32, #tpu.memory_space<vmem>>[vector<16xi32>, vector<16xi32>, vector<16xi32>], vector<16xf32>,
        %broadcast_in_dim3A_333 = arith.constant 6 : i32
        %broadcast_in_dim3A_334 = vector.broadcast %broadcast_in_dim3A_333 : i32 to vector<16xi32>
        tpu.vector_store_idx %arg9[%add3A_296, %broadcast_in_dim3A_334], %gather3A_332 : memref<256x128xf32, #tpu.memory_space<vmem>>[vector<16xi32>, vector<16xi32>], vector<16xf32>,
        %broadcast_in_dim3A_335 = arith.constant 7 : i32
        %broadcast_in_dim3A_336 = vector.broadcast %broadcast_in_dim3A_335 : i32 to vector<16xi32>
        %gather3A_337 = tpu.vector_load_idx %arg8[%add3A_300, %broadcast_in_dim3A_336, %select_n3A_273] : memref<2x64x640xf32, #tpu.memory_space<vmem>>[vector<16xi32>, vector<16xi32>, vector<16xi32>], vector<16xf32>,
        %broadcast_in_dim3A_338 = arith.constant 7 : i32
        %broadcast_in_dim3A_339 = vector.broadcast %broadcast_in_dim3A_338 : i32 to vector<16xi32>
        tpu.vector_store_idx %arg9[%add3A_296, %broadcast_in_dim3A_339], %gather3A_337 : memref<256x128xf32, #tpu.memory_space<vmem>>[vector<16xi32>, vector<16xi32>], vector<16xf32>,
        %broadcast_in_dim3A_340 = arith.constant 8 : i32
        %broadcast_in_dim3A_341 = vector.broadcast %broadcast_in_dim3A_340 : i32 to vector<16xi32>
        %gather3A_342 = tpu.vector_load_idx %arg8[%add3A_300, %broadcast_in_dim3A_341, %select_n3A_273] : memref<2x64x640xf32, #tpu.memory_space<vmem>>[vector<16xi32>, vector<16xi32>, vector<16xi32>], vector<16xf32>,
        %broadcast_in_dim3A_343 = arith.constant 8 : i32
        %broadcast_in_dim3A_344 = vector.broadcast %broadcast_in_dim3A_343 : i32 to vector<16xi32>
        tpu.vector_store_idx %arg9[%add3A_296, %broadcast_in_dim3A_344], %gather3A_342 : memref<256x128xf32, #tpu.memory_space<vmem>>[vector<16xi32>, vector<16xi32>], vector<16xf32>,
        %broadcast_in_dim3A_345 = arith.constant 9 : i32
        %broadcast_in_dim3A_346 = vector.broadcast %broadcast_in_dim3A_345 : i32 to vector<16xi32>
        %gather3A_347 = tpu.vector_load_idx %arg8[%add3A_300, %broadcast_in_dim3A_346, %select_n3A_273] : memref<2x64x640xf32, #tpu.memory_space<vmem>>[vector<16xi32>, vector<16xi32>, vector<16xi32>], vector<16xf32>,
        %broadcast_in_dim3A_348 = arith.constant 9 : i32
        %broadcast_in_dim3A_349 = vector.broadcast %broadcast_in_dim3A_348 : i32 to vector<16xi32>
        tpu.vector_store_idx %arg9[%add3A_296, %broadcast_in_dim3A_349], %gather3A_347 : memref<256x128xf32, #tpu.memory_space<vmem>>[vector<16xi32>, vector<16xi32>], vector<16xf32>,
        %broadcast_in_dim3A_350 = arith.constant 10 : i32
        %broadcast_in_dim3A_351 = vector.broadcast %broadcast_in_dim3A_350 : i32 to vector<16xi32>
        %gather3A_352 = tpu.vector_load_idx %arg8[%add3A_300, %broadcast_in_dim3A_351, %select_n3A_273] : memref<2x64x640xf32, #tpu.memory_space<vmem>>[vector<16xi32>, vector<16xi32>, vector<16xi32>], vector<16xf32>,
        %broadcast_in_dim3A_353 = arith.constant 10 : i32
        %broadcast_in_dim3A_354 = vector.broadcast %broadcast_in_dim3A_353 : i32 to vector<16xi32>
        tpu.vector_store_idx %arg9[%add3A_296, %broadcast_in_dim3A_354], %gather3A_352 : memref<256x128xf32, #tpu.memory_space<vmem>>[vector<16xi32>, vector<16xi32>], vector<16xf32>,
        %broadcast_in_dim3A_355 = arith.constant 11 : i32
        %broadcast_in_dim3A_356 = vector.broadcast %broadcast_in_dim3A_355 : i32 to vector<16xi32>
        %gather3A_357 = tpu.vector_load_idx %arg8[%add3A_300, %broadcast_in_dim3A_356, %select_n3A_273] : memref<2x64x640xf32, #tpu.memory_space<vmem>>[vector<16xi32>, vector<16xi32>, vector<16xi32>], vector<16xf32>,
        %broadcast_in_dim3A_358 = arith.constant 11 : i32
        %broadcast_in_dim3A_359 = vector.broadcast %broadcast_in_dim3A_358 : i32 to vector<16xi32>
        tpu.vector_store_idx %arg9[%add3A_296, %broadcast_in_dim3A_359], %gather3A_357 : memref<256x128xf32, #tpu.memory_space<vmem>>[vector<16xi32>, vector<16xi32>], vector<16xf32>,
        %broadcast_in_dim3A_360 = arith.constant 12 : i32
        %broadcast_in_dim3A_361 = vector.broadcast %broadcast_in_dim3A_360 : i32 to vector<16xi32>
        %gather3A_362 = tpu.vector_load_idx %arg8[%add3A_300, %broadcast_in_dim3A_361, %select_n3A_273] : memref<2x64x640xf32, #tpu.memory_space<vmem>>[vector<16xi32>, vector<16xi32>, vector<16xi32>], vector<16xf32>,
        %broadcast_in_dim3A_363 = arith.constant 12 : i32
        %broadcast_in_dim3A_364 = vector.broadcast %broadcast_in_dim3A_363 : i32 to vector<16xi32>
        tpu.vector_store_idx %arg9[%add3A_296, %broadcast_in_dim3A_364], %gather3A_362 : memref<256x128xf32, #tpu.memory_space<vmem>>[vector<16xi32>, vector<16xi32>], vector<16xf32>,
        %broadcast_in_dim3A_365 = arith.constant 13 : i32
        %broadcast_in_dim3A_366 = vector.broadcast %broadcast_in_dim3A_365 : i32 to vector<16xi32>
        %gather3A_367 = tpu.vector_load_idx %arg8[%add3A_300, %broadcast_in_dim3A_366, %select_n3A_273] : memref<2x64x640xf32, #tpu.memory_space<vmem>>[vector<16xi32>, vector<16xi32>, vector<16xi32>], vector<16xf32>,
        %broadcast_in_dim3A_368 = arith.constant 13 : i32
        %broadcast_in_dim3A_369 = vector.broadcast %broadcast_in_dim3A_368 : i32 to vector<16xi32>
        tpu.vector_store_idx %arg9[%add3A_296, %broadcast_in_dim3A_369], %gather3A_367 : memref<256x128xf32, #tpu.memory_space<vmem>>[vector<16xi32>, vector<16xi32>], vector<16xf32>,
        %broadcast_in_dim3A_370 = arith.constant 14 : i32
        %broadcast_in_dim3A_371 = vector.broadcast %broadcast_in_dim3A_370 : i32 to vector<16xi32>
        %gather3A_372 = tpu.vector_load_idx %arg8[%add3A_300, %broadcast_in_dim3A_371, %select_n3A_273] : memref<2x64x640xf32, #tpu.memory_space<vmem>>[vector<16xi32>, vector<16xi32>, vector<16xi32>], vector<16xf32>,
        %broadcast_in_dim3A_373 = arith.constant 14 : i32
        %broadcast_in_dim3A_374 = vector.broadcast %broadcast_in_dim3A_373 : i32 to vector<16xi32>
        tpu.vector_store_idx %arg9[%add3A_296, %broadcast_in_dim3A_374], %gather3A_372 : memref<256x128xf32, #tpu.memory_space<vmem>>[vector<16xi32>, vector<16xi32>], vector<16xf32>,
        %broadcast_in_dim3A_375 = arith.constant 15 : i32
        %broadcast_in_dim3A_376 = vector.broadcast %broadcast_in_dim3A_375 : i32 to vector<16xi32>
        %gather3A_377 = tpu.vector_load_idx %arg8[%add3A_300, %broadcast_in_dim3A_376, %select_n3A_273] : memref<2x64x640xf32, #tpu.memory_space<vmem>>[vector<16xi32>, vector<16xi32>, vector<16xi32>], vector<16xf32>,
        %broadcast_in_dim3A_378 = arith.constant 15 : i32
        %broadcast_in_dim3A_379 = vector.broadcast %broadcast_in_dim3A_378 : i32 to vector<16xi32>
        tpu.vector_store_idx %arg9[%add3A_296, %broadcast_in_dim3A_379], %gather3A_377 : memref<256x128xf32, #tpu.memory_space<vmem>>[vector<16xi32>, vector<16xi32>], vector<16xf32>,
        %broadcast_in_dim3A_380 = arith.constant 16 : i32
        %broadcast_in_dim3A_381 = vector.broadcast %broadcast_in_dim3A_380 : i32 to vector<16xi32>
        %gather3A_382 = tpu.vector_load_idx %arg8[%add3A_300, %broadcast_in_dim3A_381, %select_n3A_273] : memref<2x64x640xf32, #tpu.memory_space<vmem>>[vector<16xi32>, vector<16xi32>, vector<16xi32>], vector<16xf32>,
        %broadcast_in_dim3A_383 = arith.constant 16 : i32
        %broadcast_in_dim3A_384 = vector.broadcast %broadcast_in_dim3A_383 : i32 to vector<16xi32>
        tpu.vector_store_idx %arg9[%add3A_296, %broadcast_in_dim3A_384], %gather3A_382 : memref<256x128xf32, #tpu.memory_space<vmem>>[vector<16xi32>, vector<16xi32>], vector<16xf32>,
        %broadcast_in_dim3A_385 = arith.constant 17 : i32
        %broadcast_in_dim3A_386 = vector.broadcast %broadcast_in_dim3A_385 : i32 to vector<16xi32>
        %gather3A_387 = tpu.vector_load_idx %arg8[%add3A_300, %broadcast_in_dim3A_386, %select_n3A_273] : memref<2x64x640xf32, #tpu.memory_space<vmem>>[vector<16xi32>, vector<16xi32>, vector<16xi32>], vector<16xf32>,
        %broadcast_in_dim3A_388 = arith.constant 17 : i32
        %broadcast_in_dim3A_389 = vector.broadcast %broadcast_in_dim3A_388 : i32 to vector<16xi32>
        tpu.vector_store_idx %arg9[%add3A_296, %broadcast_in_dim3A_389], %gather3A_387 : memref<256x128xf32, #tpu.memory_space<vmem>>[vector<16xi32>, vector<16xi32>], vector<16xf32>,
        %broadcast_in_dim3A_390 = arith.constant 18 : i32
        %broadcast_in_dim3A_391 = vector.broadcast %broadcast_in_dim3A_390 : i32 to vector<16xi32>
        %gather3A_392 = tpu.vector_load_idx %arg8[%add3A_300, %broadcast_in_dim3A_391, %select_n3A_273] : memref<2x64x640xf32, #tpu.memory_space<vmem>>[vector<16xi32>, vector<16xi32>, vector<16xi32>], vector<16xf32>,
        %broadcast_in_dim3A_393 = arith.constant 18 : i32
        %broadcast_in_dim3A_394 = vector.broadcast %broadcast_in_dim3A_393 : i32 to vector<16xi32>
        tpu.vector_store_idx %arg9[%add3A_296, %broadcast_in_dim3A_394], %gather3A_392 : memref<256x128xf32, #tpu.memory_space<vmem>>[vector<16xi32>, vector<16xi32>], vector<16xf32>,
        %broadcast_in_dim3A_395 = arith.constant 19 : i32
        %broadcast_in_dim3A_396 = vector.broadcast %broadcast_in_dim3A_395 : i32 to vector<16xi32>
        %gather3A_397 = tpu.vector_load_idx %arg8[%add3A_300, %broadcast_in_dim3A_396, %select_n3A_273] : memref<2x64x640xf32, #tpu.memory_space<vmem>>[vector<16xi32>, vector<16xi32>, vector<16xi32>], vector<16xf32>,
        %broadcast_in_dim3A_398 = arith.constant 19 : i32
        %broadcast_in_dim3A_399 = vector.broadcast %broadcast_in_dim3A_398 : i32 to vector<16xi32>
        tpu.vector_store_idx %arg9[%add3A_296, %broadcast_in_dim3A_399], %gather3A_397 : memref<256x128xf32, #tpu.memory_space<vmem>>[vector<16xi32>, vector<16xi32>], vector<16xf32>,
        %broadcast_in_dim3A_400 = arith.constant 20 : i32
        %broadcast_in_dim3A_401 = vector.broadcast %broadcast_in_dim3A_400 : i32 to vector<16xi32>
        %gather3A_402 = tpu.vector_load_idx %arg8[%add3A_300, %broadcast_in_dim3A_401, %select_n3A_273] : memref<2x64x640xf32, #tpu.memory_space<vmem>>[vector<16xi32>, vector<16xi32>, vector<16xi32>], vector<16xf32>,
        %broadcast_in_dim3A_403 = arith.constant 20 : i32
        %broadcast_in_dim3A_404 = vector.broadcast %broadcast_in_dim3A_403 : i32 to vector<16xi32>
        tpu.vector_store_idx %arg9[%add3A_296, %broadcast_in_dim3A_404], %gather3A_402 : memref<256x128xf32, #tpu.memory_space<vmem>>[vector<16xi32>, vector<16xi32>], vector<16xf32>,
        %broadcast_in_dim3A_405 = arith.constant 21 : i32
        %broadcast_in_dim3A_406 = vector.broadcast %broadcast_in_dim3A_405 : i32 to vector<16xi32>
        %gather3A_407 = tpu.vector_load_idx %arg8[%add3A_300, %broadcast_in_dim3A_406, %select_n3A_273] : memref<2x64x640xf32, #tpu.memory_space<vmem>>[vector<16xi32>, vector<16xi32>, vector<16xi32>], vector<16xf32>,
        %broadcast_in_dim3A_408 = arith.constant 21 : i32
        %broadcast_in_dim3A_409 = vector.broadcast %broadcast_in_dim3A_408 : i32 to vector<16xi32>
        tpu.vector_store_idx %arg9[%add3A_296, %broadcast_in_dim3A_409], %gather3A_407 : memref<256x128xf32, #tpu.memory_space<vmem>>[vector<16xi32>, vector<16xi32>], vector<16xf32>,
        %broadcast_in_dim3A_410 = arith.constant 22 : i32
        %broadcast_in_dim3A_411 = vector.broadcast %broadcast_in_dim3A_410 : i32 to vector<16xi32>
        %gather3A_412 = tpu.vector_load_idx %arg8[%add3A_300, %broadcast_in_dim3A_411, %select_n3A_273] : memref<2x64x640xf32, #tpu.memory_space<vmem>>[vector<16xi32>, vector<16xi32>, vector<16xi32>], vector<16xf32>,
        %broadcast_in_dim3A_413 = arith.constant 22 : i32
        %broadcast_in_dim3A_414 = vector.broadcast %broadcast_in_dim3A_413 : i32 to vector<16xi32>
        tpu.vector_store_idx %arg9[%add3A_296, %broadcast_in_dim3A_414], %gather3A_412 : memref<256x128xf32, #tpu.memory_space<vmem>>[vector<16xi32>, vector<16xi32>], vector<16xf32>,
        %broadcast_in_dim3A_415 = arith.constant 23 : i32
        %broadcast_in_dim3A_416 = vector.broadcast %broadcast_in_dim3A_415 : i32 to vector<16xi32>
        %gather3A_417 = tpu.vector_load_idx %arg8[%add3A_300, %broadcast_in_dim3A_416, %select_n3A_273] : memref<2x64x640xf32, #tpu.memory_space<vmem>>[vector<16xi32>, vector<16xi32>, vector<16xi32>], vector<16xf32>,
        %broadcast_in_dim3A_418 = arith.constant 23 : i32
        %broadcast_in_dim3A_419 = vector.broadcast %broadcast_in_dim3A_418 : i32 to vector<16xi32>
        tpu.vector_store_idx %arg9[%add3A_296, %broadcast_in_dim3A_419], %gather3A_417 : memref<256x128xf32, #tpu.memory_space<vmem>>[vector<16xi32>, vector<16xi32>], vector<16xf32>,
        %broadcast_in_dim3A_420 = arith.constant 24 : i32
        %broadcast_in_dim3A_421 = vector.broadcast %broadcast_in_dim3A_420 : i32 to vector<16xi32>
        %gather3A_422 = tpu.vector_load_idx %arg8[%add3A_300, %broadcast_in_dim3A_421, %select_n3A_273] : memref<2x64x640xf32, #tpu.memory_space<vmem>>[vector<16xi32>, vector<16xi32>, vector<16xi32>], vector<16xf32>,
        %broadcast_in_dim3A_423 = arith.constant 24 : i32
        %broadcast_in_dim3A_424 = vector.broadcast %broadcast_in_dim3A_423 : i32 to vector<16xi32>
        tpu.vector_store_idx %arg9[%add3A_296, %broadcast_in_dim3A_424], %gather3A_422 : memref<256x128xf32, #tpu.memory_space<vmem>>[vector<16xi32>, vector<16xi32>], vector<16xf32>,
        %broadcast_in_dim3A_425 = arith.constant 25 : i32
        %broadcast_in_dim3A_426 = vector.broadcast %broadcast_in_dim3A_425 : i32 to vector<16xi32>
        %gather3A_427 = tpu.vector_load_idx %arg8[%add3A_300, %broadcast_in_dim3A_426, %select_n3A_273] : memref<2x64x640xf32, #tpu.memory_space<vmem>>[vector<16xi32>, vector<16xi32>, vector<16xi32>], vector<16xf32>,
        %broadcast_in_dim3A_428 = arith.constant 25 : i32
        %broadcast_in_dim3A_429 = vector.broadcast %broadcast_in_dim3A_428 : i32 to vector<16xi32>
        tpu.vector_store_idx %arg9[%add3A_296, %broadcast_in_dim3A_429], %gather3A_427 : memref<256x128xf32, #tpu.memory_space<vmem>>[vector<16xi32>, vector<16xi32>], vector<16xf32>,
        %broadcast_in_dim3A_430 = arith.constant 26 : i32
        %broadcast_in_dim3A_431 = vector.broadcast %broadcast_in_dim3A_430 : i32 to vector<16xi32>
        %gather3A_432 = tpu.vector_load_idx %arg8[%add3A_300, %broadcast_in_dim3A_431, %select_n3A_273] : memref<2x64x640xf32, #tpu.memory_space<vmem>>[vector<16xi32>, vector<16xi32>, vector<16xi32>], vector<16xf32>,
        %broadcast_in_dim3A_433 = arith.constant 26 : i32
        %broadcast_in_dim3A_434 = vector.broadcast %broadcast_in_dim3A_433 : i32 to vector<16xi32>
        tpu.vector_store_idx %arg9[%add3A_296, %broadcast_in_dim3A_434], %gather3A_432 : memref<256x128xf32, #tpu.memory_space<vmem>>[vector<16xi32>, vector<16xi32>], vector<16xf32>,
        %broadcast_in_dim3A_435 = arith.constant 27 : i32
        %broadcast_in_dim3A_436 = vector.broadcast %broadcast_in_dim3A_435 : i32 to vector<16xi32>
        %gather3A_437 = tpu.vector_load_idx %arg8[%add3A_300, %broadcast_in_dim3A_436, %select_n3A_273] : memref<2x64x640xf32, #tpu.memory_space<vmem>>[vector<16xi32>, vector<16xi32>, vector<16xi32>], vector<16xf32>,
        %broadcast_in_dim3A_438 = arith.constant 27 : i32
        %broadcast_in_dim3A_439 = vector.broadcast %broadcast_in_dim3A_438 : i32 to vector<16xi32>
        tpu.vector_store_idx %arg9[%add3A_296, %broadcast_in_dim3A_439], %gather3A_437 : memref<256x128xf32, #tpu.memory_space<vmem>>[vector<16xi32>, vector<16xi32>], vector<16xf32>,
        %broadcast_in_dim3A_440 = arith.constant 28 : i32
        %broadcast_in_dim3A_441 = vector.broadcast %broadcast_in_dim3A_440 : i32 to vector<16xi32>
        %gather3A_442 = tpu.vector_load_idx %arg8[%add3A_300, %broadcast_in_dim3A_441, %select_n3A_273] : memref<2x64x640xf32, #tpu.memory_space<vmem>>[vector<16xi32>, vector<16xi32>, vector<16xi32>], vector<16xf32>,
        %broadcast_in_dim3A_443 = arith.constant 28 : i32
        %broadcast_in_dim3A_444 = vector.broadcast %broadcast_in_dim3A_443 : i32 to vector<16xi32>
        tpu.vector_store_idx %arg9[%add3A_296, %broadcast_in_dim3A_444], %gather3A_442 : memref<256x128xf32, #tpu.memory_space<vmem>>[vector<16xi32>, vector<16xi32>], vector<16xf32>,
        %broadcast_in_dim3A_445 = arith.constant 29 : i32
        %broadcast_in_dim3A_446 = vector.broadcast %broadcast_in_dim3A_445 : i32 to vector<16xi32>
        %gather3A_447 = tpu.vector_load_idx %arg8[%add3A_300, %broadcast_in_dim3A_446, %select_n3A_273] : memref<2x64x640xf32, #tpu.memory_space<vmem>>[vector<16xi32>, vector<16xi32>, vector<16xi32>], vector<16xf32>,
        %broadcast_in_dim3A_448 = arith.constant 29 : i32
        %broadcast_in_dim3A_449 = vector.broadcast %broadcast_in_dim3A_448 : i32 to vector<16xi32>
        tpu.vector_store_idx %arg9[%add3A_296, %broadcast_in_dim3A_449], %gather3A_447 : memref<256x128xf32, #tpu.memory_space<vmem>>[vector<16xi32>, vector<16xi32>], vector<16xf32>,
        %broadcast_in_dim3A_450 = arith.constant 30 : i32
        %broadcast_in_dim3A_451 = vector.broadcast %broadcast_in_dim3A_450 : i32 to vector<16xi32>
        %gather3A_452 = tpu.vector_load_idx %arg8[%add3A_300, %broadcast_in_dim3A_451, %select_n3A_273] : memref<2x64x640xf32, #tpu.memory_space<vmem>>[vector<16xi32>, vector<16xi32>, vector<16xi32>], vector<16xf32>,
        %broadcast_in_dim3A_453 = arith.constant 30 : i32
        %broadcast_in_dim3A_454 = vector.broadcast %broadcast_in_dim3A_453 : i32 to vector<16xi32>
        tpu.vector_store_idx %arg9[%add3A_296, %broadcast_in_dim3A_454], %gather3A_452 : memref<256x128xf32, #tpu.memory_space<vmem>>[vector<16xi32>, vector<16xi32>], vector<16xf32>,
        %broadcast_in_dim3A_455 = arith.constant 31 : i32
        %broadcast_in_dim3A_456 = vector.broadcast %broadcast_in_dim3A_455 : i32 to vector<16xi32>
        %gather3A_457 = tpu.vector_load_idx %arg8[%add3A_300, %broadcast_in_dim3A_456, %select_n3A_273] : memref<2x64x640xf32, #tpu.memory_space<vmem>>[vector<16xi32>, vector<16xi32>, vector<16xi32>], vector<16xf32>,
        %broadcast_in_dim3A_458 = arith.constant 31 : i32
        %broadcast_in_dim3A_459 = vector.broadcast %broadcast_in_dim3A_458 : i32 to vector<16xi32>
        tpu.vector_store_idx %arg9[%add3A_296, %broadcast_in_dim3A_459], %gather3A_457 : memref<256x128xf32, #tpu.memory_space<vmem>>[vector<16xi32>, vector<16xi32>], vector<16xf32>,
        %broadcast_in_dim3A_460 = arith.constant 32 : i32
        %broadcast_in_dim3A_461 = vector.broadcast %broadcast_in_dim3A_460 : i32 to vector<16xi32>
        %gather3A_462 = tpu.vector_load_idx %arg8[%add3A_300, %broadcast_in_dim3A_461, %select_n3A_273] : memref<2x64x640xf32, #tpu.memory_space<vmem>>[vector<16xi32>, vector<16xi32>, vector<16xi32>], vector<16xf32>,
        %broadcast_in_dim3A_463 = arith.constant 32 : i32
        %broadcast_in_dim3A_464 = vector.broadcast %broadcast_in_dim3A_463 : i32 to vector<16xi32>
        tpu.vector_store_idx %arg9[%add3A_296, %broadcast_in_dim3A_464], %gather3A_462 : memref<256x128xf32, #tpu.memory_space<vmem>>[vector<16xi32>, vector<16xi32>], vector<16xf32>,
        %broadcast_in_dim3A_465 = arith.constant 33 : i32
        %broadcast_in_dim3A_466 = vector.broadcast %broadcast_in_dim3A_465 : i32 to vector<16xi32>
        %gather3A_467 = tpu.vector_load_idx %arg8[%add3A_300, %broadcast_in_dim3A_466, %select_n3A_273] : memref<2x64x640xf32, #tpu.memory_space<vmem>>[vector<16xi32>, vector<16xi32>, vector<16xi32>], vector<16xf32>,
        %broadcast_in_dim3A_468 = arith.constant 33 : i32
        %broadcast_in_dim3A_469 = vector.broadcast %broadcast_in_dim3A_468 : i32 to vector<16xi32>
        tpu.vector_store_idx %arg9[%add3A_296, %broadcast_in_dim3A_469], %gather3A_467 : memref<256x128xf32, #tpu.memory_space<vmem>>[vector<16xi32>, vector<16xi32>], vector<16xf32>,
        %broadcast_in_dim3A_470 = arith.constant 34 : i32
        %broadcast_in_dim3A_471 = vector.broadcast %broadcast_in_dim3A_470 : i32 to vector<16xi32>
        %gather3A_472 = tpu.vector_load_idx %arg8[%add3A_300, %broadcast_in_dim3A_471, %select_n3A_273] : memref<2x64x640xf32, #tpu.memory_space<vmem>>[vector<16xi32>, vector<16xi32>, vector<16xi32>], vector<16xf32>,
        %broadcast_in_dim3A_473 = arith.constant 34 : i32
        %broadcast_in_dim3A_474 = vector.broadcast %broadcast_in_dim3A_473 : i32 to vector<16xi32>
        tpu.vector_store_idx %arg9[%add3A_296, %broadcast_in_dim3A_474], %gather3A_472 : memref<256x128xf32, #tpu.memory_space<vmem>>[vector<16xi32>, vector<16xi32>], vector<16xf32>,
        %broadcast_in_dim3A_475 = arith.constant 35 : i32
        %broadcast_in_dim3A_476 = vector.broadcast %broadcast_in_dim3A_475 : i32 to vector<16xi32>
        %gather3A_477 = tpu.vector_load_idx %arg8[%add3A_300, %broadcast_in_dim3A_476, %select_n3A_273] : memref<2x64x640xf32, #tpu.memory_space<vmem>>[vector<16xi32>, vector<16xi32>, vector<16xi32>], vector<16xf32>,
        %broadcast_in_dim3A_478 = arith.constant 35 : i32
        %broadcast_in_dim3A_479 = vector.broadcast %broadcast_in_dim3A_478 : i32 to vector<16xi32>
        tpu.vector_store_idx %arg9[%add3A_296, %broadcast_in_dim3A_479], %gather3A_477 : memref<256x128xf32, #tpu.memory_space<vmem>>[vector<16xi32>, vector<16xi32>], vector<16xf32>,
        %broadcast_in_dim3A_480 = arith.constant 36 : i32
        %broadcast_in_dim3A_481 = vector.broadcast %broadcast_in_dim3A_480 : i32 to vector<16xi32>
        %gather3A_482 = tpu.vector_load_idx %arg8[%add3A_300, %broadcast_in_dim3A_481, %select_n3A_273] : memref<2x64x640xf32, #tpu.memory_space<vmem>>[vector<16xi32>, vector<16xi32>, vector<16xi32>], vector<16xf32>,
        %broadcast_in_dim3A_483 = arith.constant 36 : i32
        %broadcast_in_dim3A_484 = vector.broadcast %broadcast_in_dim3A_483 : i32 to vector<16xi32>
        tpu.vector_store_idx %arg9[%add3A_296, %broadcast_in_dim3A_484], %gather3A_482 : memref<256x128xf32, #tpu.memory_space<vmem>>[vector<16xi32>, vector<16xi32>], vector<16xf32>,
        %broadcast_in_dim3A_485 = arith.constant 37 : i32
        %broadcast_in_dim3A_486 = vector.broadcast %broadcast_in_dim3A_485 : i32 to vector<16xi32>
        %gather3A_487 = tpu.vector_load_idx %arg8[%add3A_300, %broadcast_in_dim3A_486, %select_n3A_273] : memref<2x64x640xf32, #tpu.memory_space<vmem>>[vector<16xi32>, vector<16xi32>, vector<16xi32>], vector<16xf32>,
        %broadcast_in_dim3A_488 = arith.constant 37 : i32
        %broadcast_in_dim3A_489 = vector.broadcast %broadcast_in_dim3A_488 : i32 to vector<16xi32>
        tpu.vector_store_idx %arg9[%add3A_296, %broadcast_in_dim3A_489], %gather3A_487 : memref<256x128xf32, #tpu.memory_space<vmem>>[vector<16xi32>, vector<16xi32>], vector<16xf32>,
        %broadcast_in_dim3A_490 = arith.constant 38 : i32
        %broadcast_in_dim3A_491 = vector.broadcast %broadcast_in_dim3A_490 : i32 to vector<16xi32>
        %gather3A_492 = tpu.vector_load_idx %arg8[%add3A_300, %broadcast_in_dim3A_491, %select_n3A_273] : memref<2x64x640xf32, #tpu.memory_space<vmem>>[vector<16xi32>, vector<16xi32>, vector<16xi32>], vector<16xf32>,
        %broadcast_in_dim3A_493 = arith.constant 38 : i32
        %broadcast_in_dim3A_494 = vector.broadcast %broadcast_in_dim3A_493 : i32 to vector<16xi32>
        tpu.vector_store_idx %arg9[%add3A_296, %broadcast_in_dim3A_494], %gather3A_492 : memref<256x128xf32, #tpu.memory_space<vmem>>[vector<16xi32>, vector<16xi32>], vector<16xf32>,
        %broadcast_in_dim3A_495 = arith.constant 39 : i32
        %broadcast_in_dim3A_496 = vector.broadcast %broadcast_in_dim3A_495 : i32 to vector<16xi32>
        %gather3A_497 = tpu.vector_load_idx %arg8[%add3A_300, %broadcast_in_dim3A_496, %select_n3A_273] : memref<2x64x640xf32, #tpu.memory_space<vmem>>[vector<16xi32>, vector<16xi32>, vector<16xi32>], vector<16xf32>,
        %broadcast_in_dim3A_498 = arith.constant 39 : i32
        %broadcast_in_dim3A_499 = vector.broadcast %broadcast_in_dim3A_498 : i32 to vector<16xi32>
        tpu.vector_store_idx %arg9[%add3A_296, %broadcast_in_dim3A_499], %gather3A_497 : memref<256x128xf32, #tpu.memory_space<vmem>>[vector<16xi32>, vector<16xi32>], vector<16xf32>,
        %broadcast_in_dim3A_500 = arith.constant 40 : i32
        %broadcast_in_dim3A_501 = vector.broadcast %broadcast_in_dim3A_500 : i32 to vector<16xi32>
        %gather3A_502 = tpu.vector_load_idx %arg8[%add3A_300, %broadcast_in_dim3A_501, %select_n3A_273] : memref<2x64x640xf32, #tpu.memory_space<vmem>>[vector<16xi32>, vector<16xi32>, vector<16xi32>], vector<16xf32>,
        %broadcast_in_dim3A_503 = arith.constant 40 : i32
        %broadcast_in_dim3A_504 = vector.broadcast %broadcast_in_dim3A_503 : i32 to vector<16xi32>
        tpu.vector_store_idx %arg9[%add3A_296, %broadcast_in_dim3A_504], %gather3A_502 : memref<256x128xf32, #tpu.memory_space<vmem>>[vector<16xi32>, vector<16xi32>], vector<16xf32>,
        %broadcast_in_dim3A_505 = arith.constant 41 : i32
        %broadcast_in_dim3A_506 = vector.broadcast %broadcast_in_dim3A_505 : i32 to vector<16xi32>
        %gather3A_507 = tpu.vector_load_idx %arg8[%add3A_300, %broadcast_in_dim3A_506, %select_n3A_273] : memref<2x64x640xf32, #tpu.memory_space<vmem>>[vector<16xi32>, vector<16xi32>, vector<16xi32>], vector<16xf32>,
        %broadcast_in_dim3A_508 = arith.constant 41 : i32
        %broadcast_in_dim3A_509 = vector.broadcast %broadcast_in_dim3A_508 : i32 to vector<16xi32>
        tpu.vector_store_idx %arg9[%add3A_296, %broadcast_in_dim3A_509], %gather3A_507 : memref<256x128xf32, #tpu.memory_space<vmem>>[vector<16xi32>, vector<16xi32>], vector<16xf32>,
        %broadcast_in_dim3A_510 = arith.constant 42 : i32
        %broadcast_in_dim3A_511 = vector.broadcast %broadcast_in_dim3A_510 : i32 to vector<16xi32>
        %gather3A_512 = tpu.vector_load_idx %arg8[%add3A_300, %broadcast_in_dim3A_511, %select_n3A_273] : memref<2x64x640xf32, #tpu.memory_space<vmem>>[vector<16xi32>, vector<16xi32>, vector<16xi32>], vector<16xf32>,
        %broadcast_in_dim3A_513 = arith.constant 42 : i32
        %broadcast_in_dim3A_514 = vector.broadcast %broadcast_in_dim3A_513 : i32 to vector<16xi32>
        tpu.vector_store_idx %arg9[%add3A_296, %broadcast_in_dim3A_514], %gather3A_512 : memref<256x128xf32, #tpu.memory_space<vmem>>[vector<16xi32>, vector<16xi32>], vector<16xf32>,
        %broadcast_in_dim3A_515 = arith.constant 43 : i32
        %broadcast_in_dim3A_516 = vector.broadcast %broadcast_in_dim3A_515 : i32 to vector<16xi32>
        %gather3A_517 = tpu.vector_load_idx %arg8[%add3A_300, %broadcast_in_dim3A_516, %select_n3A_273] : memref<2x64x640xf32, #tpu.memory_space<vmem>>[vector<16xi32>, vector<16xi32>, vector<16xi32>], vector<16xf32>,
        %broadcast_in_dim3A_518 = arith.constant 43 : i32
        %broadcast_in_dim3A_519 = vector.broadcast %broadcast_in_dim3A_518 : i32 to vector<16xi32>
        tpu.vector_store_idx %arg9[%add3A_296, %broadcast_in_dim3A_519], %gather3A_517 : memref<256x128xf32, #tpu.memory_space<vmem>>[vector<16xi32>, vector<16xi32>], vector<16xf32>,
        %broadcast_in_dim3A_520 = arith.constant 44 : i32
        %broadcast_in_dim3A_521 = vector.broadcast %broadcast_in_dim3A_520 : i32 to vector<16xi32>
        %gather3A_522 = tpu.vector_load_idx %arg8[%add3A_300, %broadcast_in_dim3A_521, %select_n3A_273] : memref<2x64x640xf32, #tpu.memory_space<vmem>>[vector<16xi32>, vector<16xi32>, vector<16xi32>], vector<16xf32>,
        %broadcast_in_dim3A_523 = arith.constant 44 : i32
        %broadcast_in_dim3A_524 = vector.broadcast %broadcast_in_dim3A_523 : i32 to vector<16xi32>
        tpu.vector_store_idx %arg9[%add3A_296, %broadcast_in_dim3A_524], %gather3A_522 : memref<256x128xf32, #tpu.memory_space<vmem>>[vector<16xi32>, vector<16xi32>], vector<16xf32>,
        %broadcast_in_dim3A_525 = arith.constant 45 : i32
        %broadcast_in_dim3A_526 = vector.broadcast %broadcast_in_dim3A_525 : i32 to vector<16xi32>
        %gather3A_527 = tpu.vector_load_idx %arg8[%add3A_300, %broadcast_in_dim3A_526, %select_n3A_273] : memref<2x64x640xf32, #tpu.memory_space<vmem>>[vector<16xi32>, vector<16xi32>, vector<16xi32>], vector<16xf32>,
        %broadcast_in_dim3A_528 = arith.constant 45 : i32
        %broadcast_in_dim3A_529 = vector.broadcast %broadcast_in_dim3A_528 : i32 to vector<16xi32>
        tpu.vector_store_idx %arg9[%add3A_296, %broadcast_in_dim3A_529], %gather3A_527 : memref<256x128xf32, #tpu.memory_space<vmem>>[vector<16xi32>, vector<16xi32>], vector<16xf32>,
        %broadcast_in_dim3A_530 = arith.constant 46 : i32
        %broadcast_in_dim3A_531 = vector.broadcast %broadcast_in_dim3A_530 : i32 to vector<16xi32>
        %gather3A_532 = tpu.vector_load_idx %arg8[%add3A_300, %broadcast_in_dim3A_531, %select_n3A_273] : memref<2x64x640xf32, #tpu.memory_space<vmem>>[vector<16xi32>, vector<16xi32>, vector<16xi32>], vector<16xf32>,
        %broadcast_in_dim3A_533 = arith.constant 46 : i32
        %broadcast_in_dim3A_534 = vector.broadcast %broadcast_in_dim3A_533 : i32 to vector<16xi32>
        tpu.vector_store_idx %arg9[%add3A_296, %broadcast_in_dim3A_534], %gather3A_532 : memref<256x128xf32, #tpu.memory_space<vmem>>[vector<16xi32>, vector<16xi32>], vector<16xf32>,
        %broadcast_in_dim3A_535 = arith.constant 47 : i32
        %broadcast_in_dim3A_536 = vector.broadcast %broadcast_in_dim3A_535 : i32 to vector<16xi32>
        %gather3A_537 = tpu.vector_load_idx %arg8[%add3A_300, %broadcast_in_dim3A_536, %select_n3A_273] : memref<2x64x640xf32, #tpu.memory_space<vmem>>[vector<16xi32>, vector<16xi32>, vector<16xi32>], vector<16xf32>,
        %broadcast_in_dim3A_538 = arith.constant 47 : i32
        %broadcast_in_dim3A_539 = vector.broadcast %broadcast_in_dim3A_538 : i32 to vector<16xi32>
        tpu.vector_store_idx %arg9[%add3A_296, %broadcast_in_dim3A_539], %gather3A_537 : memref<256x128xf32, #tpu.memory_space<vmem>>[vector<16xi32>, vector<16xi32>], vector<16xf32>,
        %broadcast_in_dim3A_540 = arith.constant 48 : i32
        %broadcast_in_dim3A_541 = vector.broadcast %broadcast_in_dim3A_540 : i32 to vector<16xi32>
        %gather3A_542 = tpu.vector_load_idx %arg8[%add3A_300, %broadcast_in_dim3A_541, %select_n3A_273] : memref<2x64x640xf32, #tpu.memory_space<vmem>>[vector<16xi32>, vector<16xi32>, vector<16xi32>], vector<16xf32>,
        %broadcast_in_dim3A_543 = arith.constant 48 : i32
        %broadcast_in_dim3A_544 = vector.broadcast %broadcast_in_dim3A_543 : i32 to vector<16xi32>
        tpu.vector_store_idx %arg9[%add3A_296, %broadcast_in_dim3A_544], %gather3A_542 : memref<256x128xf32, #tpu.memory_space<vmem>>[vector<16xi32>, vector<16xi32>], vector<16xf32>,
        %broadcast_in_dim3A_545 = arith.constant 49 : i32
        %broadcast_in_dim3A_546 = vector.broadcast %broadcast_in_dim3A_545 : i32 to vector<16xi32>
        %gather3A_547 = tpu.vector_load_idx %arg8[%add3A_300, %broadcast_in_dim3A_546, %select_n3A_273] : memref<2x64x640xf32, #tpu.memory_space<vmem>>[vector<16xi32>, vector<16xi32>, vector<16xi32>], vector<16xf32>,
        %broadcast_in_dim3A_548 = arith.constant 49 : i32
        %broadcast_in_dim3A_549 = vector.broadcast %broadcast_in_dim3A_548 : i32 to vector<16xi32>
        tpu.vector_store_idx %arg9[%add3A_296, %broadcast_in_dim3A_549], %gather3A_547 : memref<256x128xf32, #tpu.memory_space<vmem>>[vector<16xi32>, vector<16xi32>], vector<16xf32>,
        %broadcast_in_dim3A_550 = arith.constant 50 : i32
        %broadcast_in_dim3A_551 = vector.broadcast %broadcast_in_dim3A_550 : i32 to vector<16xi32>
        %gather3A_552 = tpu.vector_load_idx %arg8[%add3A_300, %broadcast_in_dim3A_551, %select_n3A_273] : memref<2x64x640xf32, #tpu.memory_space<vmem>>[vector<16xi32>, vector<16xi32>, vector<16xi32>], vector<16xf32>,
        %broadcast_in_dim3A_553 = arith.constant 50 : i32
        %broadcast_in_dim3A_554 = vector.broadcast %broadcast_in_dim3A_553 : i32 to vector<16xi32>
        tpu.vector_store_idx %arg9[%add3A_296, %broadcast_in_dim3A_554], %gather3A_552 : memref<256x128xf32, #tpu.memory_space<vmem>>[vector<16xi32>, vector<16xi32>], vector<16xf32>,
        %broadcast_in_dim3A_555 = arith.constant 51 : i32
        %broadcast_in_dim3A_556 = vector.broadcast %broadcast_in_dim3A_555 : i32 to vector<16xi32>
        %gather3A_557 = tpu.vector_load_idx %arg8[%add3A_300, %broadcast_in_dim3A_556, %select_n3A_273] : memref<2x64x640xf32, #tpu.memory_space<vmem>>[vector<16xi32>, vector<16xi32>, vector<16xi32>], vector<16xf32>,
        %broadcast_in_dim3A_558 = arith.constant 51 : i32
        %broadcast_in_dim3A_559 = vector.broadcast %broadcast_in_dim3A_558 : i32 to vector<16xi32>
        tpu.vector_store_idx %arg9[%add3A_296, %broadcast_in_dim3A_559], %gather3A_557 : memref<256x128xf32, #tpu.memory_space<vmem>>[vector<16xi32>, vector<16xi32>], vector<16xf32>,
        %broadcast_in_dim3A_560 = arith.constant 52 : i32
        %broadcast_in_dim3A_561 = vector.broadcast %broadcast_in_dim3A_560 : i32 to vector<16xi32>
        %gather3A_562 = tpu.vector_load_idx %arg8[%add3A_300, %broadcast_in_dim3A_561, %select_n3A_273] : memref<2x64x640xf32, #tpu.memory_space<vmem>>[vector<16xi32>, vector<16xi32>, vector<16xi32>], vector<16xf32>,
        %broadcast_in_dim3A_563 = arith.constant 52 : i32
        %broadcast_in_dim3A_564 = vector.broadcast %broadcast_in_dim3A_563 : i32 to vector<16xi32>
        tpu.vector_store_idx %arg9[%add3A_296, %broadcast_in_dim3A_564], %gather3A_562 : memref<256x128xf32, #tpu.memory_space<vmem>>[vector<16xi32>, vector<16xi32>], vector<16xf32>,
        %broadcast_in_dim3A_565 = arith.constant 53 : i32
        %broadcast_in_dim3A_566 = vector.broadcast %broadcast_in_dim3A_565 : i32 to vector<16xi32>
        %gather3A_567 = tpu.vector_load_idx %arg8[%add3A_300, %broadcast_in_dim3A_566, %select_n3A_273] : memref<2x64x640xf32, #tpu.memory_space<vmem>>[vector<16xi32>, vector<16xi32>, vector<16xi32>], vector<16xf32>,
        %broadcast_in_dim3A_568 = arith.constant 53 : i32
        %broadcast_in_dim3A_569 = vector.broadcast %broadcast_in_dim3A_568 : i32 to vector<16xi32>
        tpu.vector_store_idx %arg9[%add3A_296, %broadcast_in_dim3A_569], %gather3A_567 : memref<256x128xf32, #tpu.memory_space<vmem>>[vector<16xi32>, vector<16xi32>], vector<16xf32>,
        %broadcast_in_dim3A_570 = arith.constant 54 : i32
        %broadcast_in_dim3A_571 = vector.broadcast %broadcast_in_dim3A_570 : i32 to vector<16xi32>
        %gather3A_572 = tpu.vector_load_idx %arg8[%add3A_300, %broadcast_in_dim3A_571, %select_n3A_273] : memref<2x64x640xf32, #tpu.memory_space<vmem>>[vector<16xi32>, vector<16xi32>, vector<16xi32>], vector<16xf32>,
        %broadcast_in_dim3A_573 = arith.constant 54 : i32
        %broadcast_in_dim3A_574 = vector.broadcast %broadcast_in_dim3A_573 : i32 to vector<16xi32>
        tpu.vector_store_idx %arg9[%add3A_296, %broadcast_in_dim3A_574], %gather3A_572 : memref<256x128xf32, #tpu.memory_space<vmem>>[vector<16xi32>, vector<16xi32>], vector<16xf32>,
        %broadcast_in_dim3A_575 = arith.constant 55 : i32
        %broadcast_in_dim3A_576 = vector.broadcast %broadcast_in_dim3A_575 : i32 to vector<16xi32>
        %gather3A_577 = tpu.vector_load_idx %arg8[%add3A_300, %broadcast_in_dim3A_576, %select_n3A_273] : memref<2x64x640xf32, #tpu.memory_space<vmem>>[vector<16xi32>, vector<16xi32>, vector<16xi32>], vector<16xf32>,
        %broadcast_in_dim3A_578 = arith.constant 55 : i32
        %broadcast_in_dim3A_579 = vector.broadcast %broadcast_in_dim3A_578 : i32 to vector<16xi32>
        tpu.vector_store_idx %arg9[%add3A_296, %broadcast_in_dim3A_579], %gather3A_577 : memref<256x128xf32, #tpu.memory_space<vmem>>[vector<16xi32>, vector<16xi32>], vector<16xf32>,
        %broadcast_in_dim3A_580 = arith.constant 56 : i32
        %broadcast_in_dim3A_581 = vector.broadcast %broadcast_in_dim3A_580 : i32 to vector<16xi32>
        %gather3A_582 = tpu.vector_load_idx %arg8[%add3A_300, %broadcast_in_dim3A_581, %select_n3A_273] : memref<2x64x640xf32, #tpu.memory_space<vmem>>[vector<16xi32>, vector<16xi32>, vector<16xi32>], vector<16xf32>,
        %broadcast_in_dim3A_583 = arith.constant 56 : i32
        %broadcast_in_dim3A_584 = vector.broadcast %broadcast_in_dim3A_583 : i32 to vector<16xi32>
        tpu.vector_store_idx %arg9[%add3A_296, %broadcast_in_dim3A_584], %gather3A_582 : memref<256x128xf32, #tpu.memory_space<vmem>>[vector<16xi32>, vector<16xi32>], vector<16xf32>,
        %broadcast_in_dim3A_585 = arith.constant 57 : i32
        %broadcast_in_dim3A_586 = vector.broadcast %broadcast_in_dim3A_585 : i32 to vector<16xi32>
        %gather3A_587 = tpu.vector_load_idx %arg8[%add3A_300, %broadcast_in_dim3A_586, %select_n3A_273] : memref<2x64x640xf32, #tpu.memory_space<vmem>>[vector<16xi32>, vector<16xi32>, vector<16xi32>], vector<16xf32>,
        %broadcast_in_dim3A_588 = arith.constant 57 : i32
        %broadcast_in_dim3A_589 = vector.broadcast %broadcast_in_dim3A_588 : i32 to vector<16xi32>
        tpu.vector_store_idx %arg9[%add3A_296, %broadcast_in_dim3A_589], %gather3A_587 : memref<256x128xf32, #tpu.memory_space<vmem>>[vector<16xi32>, vector<16xi32>], vector<16xf32>,
        %broadcast_in_dim3A_590 = arith.constant 58 : i32
        %broadcast_in_dim3A_591 = vector.broadcast %broadcast_in_dim3A_590 : i32 to vector<16xi32>
        %gather3A_592 = tpu.vector_load_idx %arg8[%add3A_300, %broadcast_in_dim3A_591, %select_n3A_273] : memref<2x64x640xf32, #tpu.memory_space<vmem>>[vector<16xi32>, vector<16xi32>, vector<16xi32>], vector<16xf32>,
        %broadcast_in_dim3A_593 = arith.constant 58 : i32
        %broadcast_in_dim3A_594 = vector.broadcast %broadcast_in_dim3A_593 : i32 to vector<16xi32>
        tpu.vector_store_idx %arg9[%add3A_296, %broadcast_in_dim3A_594], %gather3A_592 : memref<256x128xf32, #tpu.memory_space<vmem>>[vector<16xi32>, vector<16xi32>], vector<16xf32>,
        %broadcast_in_dim3A_595 = arith.constant 59 : i32
        %broadcast_in_dim3A_596 = vector.broadcast %broadcast_in_dim3A_595 : i32 to vector<16xi32>
        %gather3A_597 = tpu.vector_load_idx %arg8[%add3A_300, %broadcast_in_dim3A_596, %select_n3A_273] : memref<2x64x640xf32, #tpu.memory_space<vmem>>[vector<16xi32>, vector<16xi32>, vector<16xi32>], vector<16xf32>,
        %broadcast_in_dim3A_598 = arith.constant 59 : i32
        %broadcast_in_dim3A_599 = vector.broadcast %broadcast_in_dim3A_598 : i32 to vector<16xi32>
        tpu.vector_store_idx %arg9[%add3A_296, %broadcast_in_dim3A_599], %gather3A_597 : memref<256x128xf32, #tpu.memory_space<vmem>>[vector<16xi32>, vector<16xi32>], vector<16xf32>,
        %broadcast_in_dim3A_600 = arith.constant 60 : i32
        %broadcast_in_dim3A_601 = vector.broadcast %broadcast_in_dim3A_600 : i32 to vector<16xi32>
        %gather3A_602 = tpu.vector_load_idx %arg8[%add3A_300, %broadcast_in_dim3A_601, %select_n3A_273] : memref<2x64x640xf32, #tpu.memory_space<vmem>>[vector<16xi32>, vector<16xi32>, vector<16xi32>], vector<16xf32>,
        %broadcast_in_dim3A_603 = arith.constant 60 : i32
        %broadcast_in_dim3A_604 = vector.broadcast %broadcast_in_dim3A_603 : i32 to vector<16xi32>
        tpu.vector_store_idx %arg9[%add3A_296, %broadcast_in_dim3A_604], %gather3A_602 : memref<256x128xf32, #tpu.memory_space<vmem>>[vector<16xi32>, vector<16xi32>], vector<16xf32>,
        %broadcast_in_dim3A_605 = arith.constant 61 : i32
        %broadcast_in_dim3A_606 = vector.broadcast %broadcast_in_dim3A_605 : i32 to vector<16xi32>
        %gather3A_607 = tpu.vector_load_idx %arg8[%add3A_300, %broadcast_in_dim3A_606, %select_n3A_273] : memref<2x64x640xf32, #tpu.memory_space<vmem>>[vector<16xi32>, vector<16xi32>, vector<16xi32>], vector<16xf32>,
        %broadcast_in_dim3A_608 = arith.constant 61 : i32
        %broadcast_in_dim3A_609 = vector.broadcast %broadcast_in_dim3A_608 : i32 to vector<16xi32>
        tpu.vector_store_idx %arg9[%add3A_296, %broadcast_in_dim3A_609], %gather3A_607 : memref<256x128xf32, #tpu.memory_space<vmem>>[vector<16xi32>, vector<16xi32>], vector<16xf32>,
        %broadcast_in_dim3A_610 = arith.constant 62 : i32
        %broadcast_in_dim3A_611 = vector.broadcast %broadcast_in_dim3A_610 : i32 to vector<16xi32>
        %gather3A_612 = tpu.vector_load_idx %arg8[%add3A_300, %broadcast_in_dim3A_611, %select_n3A_273] : memref<2x64x640xf32, #tpu.memory_space<vmem>>[vector<16xi32>, vector<16xi32>, vector<16xi32>], vector<16xf32>,
        %broadcast_in_dim3A_613 = arith.constant 62 : i32
        %broadcast_in_dim3A_614 = vector.broadcast %broadcast_in_dim3A_613 : i32 to vector<16xi32>
        tpu.vector_store_idx %arg9[%add3A_296, %broadcast_in_dim3A_614], %gather3A_612 : memref<256x128xf32, #tpu.memory_space<vmem>>[vector<16xi32>, vector<16xi32>], vector<16xf32>,
        %broadcast_in_dim3A_615 = arith.constant 63 : i32
        %broadcast_in_dim3A_616 = vector.broadcast %broadcast_in_dim3A_615 : i32 to vector<16xi32>
        %gather3A_617 = tpu.vector_load_idx %arg8[%add3A_300, %broadcast_in_dim3A_616, %select_n3A_273] : memref<2x64x640xf32, #tpu.memory_space<vmem>>[vector<16xi32>, vector<16xi32>, vector<16xi32>], vector<16xf32>,
        %broadcast_in_dim3A_618 = arith.constant 63 : i32
        %broadcast_in_dim3A_619 = vector.broadcast %broadcast_in_dim3A_618 : i32 to vector<16xi32>
        tpu.vector_store_idx %arg9[%add3A_296, %broadcast_in_dim3A_619], %gather3A_617 : memref<256x128xf32, #tpu.memory_space<vmem>>[vector<16xi32>, vector<16xi32>], vector<16xf32>,
        %add3A_620 = arith.constant 0 : i32
        %add3A_621 = arith.addi %mul3A_284, %add3A_620 : i32
        %slice3A = vector.extract_strided_slice %select_n3A_280 {offsets = [0], sizes = [1], strides = [1]} : vector<16xi32> to vector<1xi32>
        %squeeze3A = vector.extract %slice3A[0] : i32 from vector<1xi32>
        %dma_start3A_622 = arith.constant 0 : i32
        %dma_start3A_623 = tpu.memref_slice %arg9[%add3A_621, %dma_start3A_622] : memref<256x128xf32, #tpu.memory_space<vmem>> -> memref<1x64xf32, #tpu.memory_space<vmem>>
        %dma_start3A_624 = tpu.memref_squeeze %dma_start3A_623 : memref<1x64xf32, #tpu.memory_space<vmem>> -> memref<64xf32, #tpu.memory_space<vmem>>
        %dma_start3A_625 = arith.constant 0 : i32
        %dma_start3A_626 = tpu.memref_slice %arg4[%squeeze3A, %dma_start3A_625] : memref<4112x64xf32, #tpu.memory_space<hbm>> -> memref<1x64xf32, #tpu.memory_space<hbm>>
        %dma_start3A_627 = tpu.memref_squeeze %dma_start3A_626 : memref<1x64xf32, #tpu.memory_space<hbm>> -> memref<64xf32, #tpu.memory_space<hbm>>
        %dma_start3A_628 = arith.constant 0 : i32
        %dma_start3A_629 = tpu.memref_slice %arg4[%squeeze3A, %dma_start3A_628] : memref<4112x64xf32, #tpu.memory_space<hbm>> -> memref<1x64xf32, #tpu.memory_space<hbm>>
        %dma_start3A_630 = tpu.memref_squeeze %dma_start3A_629 : memref<1x64xf32, #tpu.memory_space<hbm>> -> memref<64xf32, #tpu.memory_space<hbm>>
        %dma_start3A_631 = arith.constant 0 : i32
        %dma_start3A_632 = tpu.memref_slice %arg9[%add3A_621, %dma_start3A_631] : memref<256x128xf32, #tpu.memory_space<vmem>> -> memref<1x64xf32, #tpu.memory_space<vmem>>
        %dma_start3A_633 = tpu.memref_squeeze %dma_start3A_632 : memref<1x64xf32, #tpu.memory_space<vmem>> -> memref<64xf32, #tpu.memory_space<vmem>>
        tpu.enqueue_dma source(%dma_start3A_633 : memref<64xf32, #tpu.memory_space<vmem>>) target(%dma_start3A_630 : memref<64xf32, #tpu.memory_space<hbm>>) target_semaphore(%arg12 : memref<!tpu.dma_semaphore, #tpu.memory_space<semaphore_mem>>)
        %add3A_634 = arith.constant 1 : i32
        %add3A_635 = arith.addi %mul3A_284, %add3A_634 : i32
        %slice3A_636 = vector.extract_strided_slice %select_n3A_280 {offsets = [1], sizes = [1], strides = [1]} : vector<16xi32> to vector<1xi32>
        %squeeze3A_637 = vector.extract %slice3A_636[0] : i32 from vector<1xi32>
        %dma_start3A_638 = arith.constant 0 : i32
        %dma_start3A_639 = tpu.memref_slice %arg9[%add3A_635, %dma_start3A_638] : memref<256x128xf32, #tpu.memory_space<vmem>> -> memref<1x64xf32, #tpu.memory_space<vmem>>
        %dma_start3A_640 = tpu.memref_squeeze %dma_start3A_639 : memref<1x64xf32, #tpu.memory_space<vmem>> -> memref<64xf32, #tpu.memory_space<vmem>>
        %dma_start3A_641 = arith.constant 0 : i32
        %dma_start3A_642 = tpu.memref_slice %arg4[%squeeze3A_637, %dma_start3A_641] : memref<4112x64xf32, #tpu.memory_space<hbm>> -> memref<1x64xf32, #tpu.memory_space<hbm>>
        %dma_start3A_643 = tpu.memref_squeeze %dma_start3A_642 : memref<1x64xf32, #tpu.memory_space<hbm>> -> memref<64xf32, #tpu.memory_space<hbm>>
        %dma_start3A_644 = arith.constant 0 : i32
        %dma_start3A_645 = tpu.memref_slice %arg4[%squeeze3A_637, %dma_start3A_644] : memref<4112x64xf32, #tpu.memory_space<hbm>> -> memref<1x64xf32, #tpu.memory_space<hbm>>
        %dma_start3A_646 = tpu.memref_squeeze %dma_start3A_645 : memref<1x64xf32, #tpu.memory_space<hbm>> -> memref<64xf32, #tpu.memory_space<hbm>>
        %dma_start3A_647 = arith.constant 0 : i32
        %dma_start3A_648 = tpu.memref_slice %arg9[%add3A_635, %dma_start3A_647] : memref<256x128xf32, #tpu.memory_space<vmem>> -> memref<1x64xf32, #tpu.memory_space<vmem>>
        %dma_start3A_649 = tpu.memref_squeeze %dma_start3A_648 : memref<1x64xf32, #tpu.memory_space<vmem>> -> memref<64xf32, #tpu.memory_space<vmem>>
        tpu.enqueue_dma source(%dma_start3A_649 : memref<64xf32, #tpu.memory_space<vmem>>) target(%dma_start3A_646 : memref<64xf32, #tpu.memory_space<hbm>>) target_semaphore(%arg12 : memref<!tpu.dma_semaphore, #tpu.memory_space<semaphore_mem>>)
        %add3A_650 = arith.constant 2 : i32
        %add3A_651 = arith.addi %mul3A_284, %add3A_650 : i32
        %slice3A_652 = vector.extract_strided_slice %select_n3A_280 {offsets = [2], sizes = [1], strides = [1]} : vector<16xi32> to vector<1xi32>
        %squeeze3A_653 = vector.extract %slice3A_652[0] : i32 from vector<1xi32>
        %dma_start3A_654 = arith.constant 0 : i32
        %dma_start3A_655 = tpu.memref_slice %arg9[%add3A_651, %dma_start3A_654] : memref<256x128xf32, #tpu.memory_space<vmem>> -> memref<1x64xf32, #tpu.memory_space<vmem>>
        %dma_start3A_656 = tpu.memref_squeeze %dma_start3A_655 : memref<1x64xf32, #tpu.memory_space<vmem>> -> memref<64xf32, #tpu.memory_space<vmem>>
        %dma_start3A_657 = arith.constant 0 : i32
        %dma_start3A_658 = tpu.memref_slice %arg4[%squeeze3A_653, %dma_start3A_657] : memref<4112x64xf32, #tpu.memory_space<hbm>> -> memref<1x64xf32, #tpu.memory_space<hbm>>
        %dma_start3A_659 = tpu.memref_squeeze %dma_start3A_658 : memref<1x64xf32, #tpu.memory_space<hbm>> -> memref<64xf32, #tpu.memory_space<hbm>>
        %dma_start3A_660 = arith.constant 0 : i32
        %dma_start3A_661 = tpu.memref_slice %arg4[%squeeze3A_653, %dma_start3A_660] : memref<4112x64xf32, #tpu.memory_space<hbm>> -> memref<1x64xf32, #tpu.memory_space<hbm>>
        %dma_start3A_662 = tpu.memref_squeeze %dma_start3A_661 : memref<1x64xf32, #tpu.memory_space<hbm>> -> memref<64xf32, #tpu.memory_space<hbm>>
        %dma_start3A_663 = arith.constant 0 : i32
        %dma_start3A_664 = tpu.memref_slice %arg9[%add3A_651, %dma_start3A_663] : memref<256x128xf32, #tpu.memory_space<vmem>> -> memref<1x64xf32, #tpu.memory_space<vmem>>
        %dma_start3A_665 = tpu.memref_squeeze %dma_start3A_664 : memref<1x64xf32, #tpu.memory_space<vmem>> -> memref<64xf32, #tpu.memory_space<vmem>>
        tpu.enqueue_dma source(%dma_start3A_665 : memref<64xf32, #tpu.memory_space<vmem>>) target(%dma_start3A_662 : memref<64xf32, #tpu.memory_space<hbm>>) target_semaphore(%arg12 : memref<!tpu.dma_semaphore, #tpu.memory_space<semaphore_mem>>)
        %add3A_666 = arith.constant 3 : i32
        %add3A_667 = arith.addi %mul3A_284, %add3A_666 : i32
        %slice3A_668 = vector.extract_strided_slice %select_n3A_280 {offsets = [3], sizes = [1], strides = [1]} : vector<16xi32> to vector<1xi32>
        %squeeze3A_669 = vector.extract %slice3A_668[0] : i32 from vector<1xi32>
        %dma_start3A_670 = arith.constant 0 : i32
        %dma_start3A_671 = tpu.memref_slice %arg9[%add3A_667, %dma_start3A_670] : memref<256x128xf32, #tpu.memory_space<vmem>> -> memref<1x64xf32, #tpu.memory_space<vmem>>
        %dma_start3A_672 = tpu.memref_squeeze %dma_start3A_671 : memref<1x64xf32, #tpu.memory_space<vmem>> -> memref<64xf32, #tpu.memory_space<vmem>>
        %dma_start3A_673 = arith.constant 0 : i32
        %dma_start3A_674 = tpu.memref_slice %arg4[%squeeze3A_669, %dma_start3A_673] : memref<4112x64xf32, #tpu.memory_space<hbm>> -> memref<1x64xf32, #tpu.memory_space<hbm>>
        %dma_start3A_675 = tpu.memref_squeeze %dma_start3A_674 : memref<1x64xf32, #tpu.memory_space<hbm>> -> memref<64xf32, #tpu.memory_space<hbm>>
        %dma_start3A_676 = arith.constant 0 : i32
        %dma_start3A_677 = tpu.memref_slice %arg4[%squeeze3A_669, %dma_start3A_676] : memref<4112x64xf32, #tpu.memory_space<hbm>> -> memref<1x64xf32, #tpu.memory_space<hbm>>
        %dma_start3A_678 = tpu.memref_squeeze %dma_start3A_677 : memref<1x64xf32, #tpu.memory_space<hbm>> -> memref<64xf32, #tpu.memory_space<hbm>>
        %dma_start3A_679 = arith.constant 0 : i32
        %dma_start3A_680 = tpu.memref_slice %arg9[%add3A_667, %dma_start3A_679] : memref<256x128xf32, #tpu.memory_space<vmem>> -> memref<1x64xf32, #tpu.memory_space<vmem>>
        %dma_start3A_681 = tpu.memref_squeeze %dma_start3A_680 : memref<1x64xf32, #tpu.memory_space<vmem>> -> memref<64xf32, #tpu.memory_space<vmem>>
        tpu.enqueue_dma source(%dma_start3A_681 : memref<64xf32, #tpu.memory_space<vmem>>) target(%dma_start3A_678 : memref<64xf32, #tpu.memory_space<hbm>>) target_semaphore(%arg12 : memref<!tpu.dma_semaphore, #tpu.memory_space<semaphore_mem>>)
        %add3A_682 = arith.constant 4 : i32
        %add3A_683 = arith.addi %mul3A_284, %add3A_682 : i32
        %slice3A_684 = vector.extract_strided_slice %select_n3A_280 {offsets = [4], sizes = [1], strides = [1]} : vector<16xi32> to vector<1xi32>
        %squeeze3A_685 = vector.extract %slice3A_684[0] : i32 from vector<1xi32>
        %dma_start3A_686 = arith.constant 0 : i32
        %dma_start3A_687 = tpu.memref_slice %arg9[%add3A_683, %dma_start3A_686] : memref<256x128xf32, #tpu.memory_space<vmem>> -> memref<1x64xf32, #tpu.memory_space<vmem>>
        %dma_start3A_688 = tpu.memref_squeeze %dma_start3A_687 : memref<1x64xf32, #tpu.memory_space<vmem>> -> memref<64xf32, #tpu.memory_space<vmem>>
        %dma_start3A_689 = arith.constant 0 : i32
        %dma_start3A_690 = tpu.memref_slice %arg4[%squeeze3A_685, %dma_start3A_689] : memref<4112x64xf32, #tpu.memory_space<hbm>> -> memref<1x64xf32, #tpu.memory_space<hbm>>
        %dma_start3A_691 = tpu.memref_squeeze %dma_start3A_690 : memref<1x64xf32, #tpu.memory_space<hbm>> -> memref<64xf32, #tpu.memory_space<hbm>>
        %dma_start3A_692 = arith.constant 0 : i32
        %dma_start3A_693 = tpu.memref_slice %arg4[%squeeze3A_685, %dma_start3A_692] : memref<4112x64xf32, #tpu.memory_space<hbm>> -> memref<1x64xf32, #tpu.memory_space<hbm>>
        %dma_start3A_694 = tpu.memref_squeeze %dma_start3A_693 : memref<1x64xf32, #tpu.memory_space<hbm>> -> memref<64xf32, #tpu.memory_space<hbm>>
        %dma_start3A_695 = arith.constant 0 : i32
        %dma_start3A_696 = tpu.memref_slice %arg9[%add3A_683, %dma_start3A_695] : memref<256x128xf32, #tpu.memory_space<vmem>> -> memref<1x64xf32, #tpu.memory_space<vmem>>
        %dma_start3A_697 = tpu.memref_squeeze %dma_start3A_696 : memref<1x64xf32, #tpu.memory_space<vmem>> -> memref<64xf32, #tpu.memory_space<vmem>>
        tpu.enqueue_dma source(%dma_start3A_697 : memref<64xf32, #tpu.memory_space<vmem>>) target(%dma_start3A_694 : memref<64xf32, #tpu.memory_space<hbm>>) target_semaphore(%arg12 : memref<!tpu.dma_semaphore, #tpu.memory_space<semaphore_mem>>)
        %add3A_698 = arith.constant 5 : i32
        %add3A_699 = arith.addi %mul3A_284, %add3A_698 : i32
        %slice3A_700 = vector.extract_strided_slice %select_n3A_280 {offsets = [5], sizes = [1], strides = [1]} : vector<16xi32> to vector<1xi32>
        %squeeze3A_701 = vector.extract %slice3A_700[0] : i32 from vector<1xi32>
        %dma_start3A_702 = arith.constant 0 : i32
        %dma_start3A_703 = tpu.memref_slice %arg9[%add3A_699, %dma_start3A_702] : memref<256x128xf32, #tpu.memory_space<vmem>> -> memref<1x64xf32, #tpu.memory_space<vmem>>
        %dma_start3A_704 = tpu.memref_squeeze %dma_start3A_703 : memref<1x64xf32, #tpu.memory_space<vmem>> -> memref<64xf32, #tpu.memory_space<vmem>>
        %dma_start3A_705 = arith.constant 0 : i32
        %dma_start3A_706 = tpu.memref_slice %arg4[%squeeze3A_701, %dma_start3A_705] : memref<4112x64xf32, #tpu.memory_space<hbm>> -> memref<1x64xf32, #tpu.memory_space<hbm>>
        %dma_start3A_707 = tpu.memref_squeeze %dma_start3A_706 : memref<1x64xf32, #tpu.memory_space<hbm>> -> memref<64xf32, #tpu.memory_space<hbm>>
        %dma_start3A_708 = arith.constant 0 : i32
        %dma_start3A_709 = tpu.memref_slice %arg4[%squeeze3A_701, %dma_start3A_708] : memref<4112x64xf32, #tpu.memory_space<hbm>> -> memref<1x64xf32, #tpu.memory_space<hbm>>
        %dma_start3A_710 = tpu.memref_squeeze %dma_start3A_709 : memref<1x64xf32, #tpu.memory_space<hbm>> -> memref<64xf32, #tpu.memory_space<hbm>>
        %dma_start3A_711 = arith.constant 0 : i32
        %dma_start3A_712 = tpu.memref_slice %arg9[%add3A_699, %dma_start3A_711] : memref<256x128xf32, #tpu.memory_space<vmem>> -> memref<1x64xf32, #tpu.memory_space<vmem>>
        %dma_start3A_713 = tpu.memref_squeeze %dma_start3A_712 : memref<1x64xf32, #tpu.memory_space<vmem>> -> memref<64xf32, #tpu.memory_space<vmem>>
        tpu.enqueue_dma source(%dma_start3A_713 : memref<64xf32, #tpu.memory_space<vmem>>) target(%dma_start3A_710 : memref<64xf32, #tpu.memory_space<hbm>>) target_semaphore(%arg12 : memref<!tpu.dma_semaphore, #tpu.memory_space<semaphore_mem>>)
        %add3A_714 = arith.constant 6 : i32
        %add3A_715 = arith.addi %mul3A_284, %add3A_714 : i32
        %slice3A_716 = vector.extract_strided_slice %select_n3A_280 {offsets = [6], sizes = [1], strides = [1]} : vector<16xi32> to vector<1xi32>
        %squeeze3A_717 = vector.extract %slice3A_716[0] : i32 from vector<1xi32>
        %dma_start3A_718 = arith.constant 0 : i32
        %dma_start3A_719 = tpu.memref_slice %arg9[%add3A_715, %dma_start3A_718] : memref<256x128xf32, #tpu.memory_space<vmem>> -> memref<1x64xf32, #tpu.memory_space<vmem>>
        %dma_start3A_720 = tpu.memref_squeeze %dma_start3A_719 : memref<1x64xf32, #tpu.memory_space<vmem>> -> memref<64xf32, #tpu.memory_space<vmem>>
        %dma_start3A_721 = arith.constant 0 : i32
        %dma_start3A_722 = tpu.memref_slice %arg4[%squeeze3A_717, %dma_start3A_721] : memref<4112x64xf32, #tpu.memory_space<hbm>> -> memref<1x64xf32, #tpu.memory_space<hbm>>
        %dma_start3A_723 = tpu.memref_squeeze %dma_start3A_722 : memref<1x64xf32, #tpu.memory_space<hbm>> -> memref<64xf32, #tpu.memory_space<hbm>>
        %dma_start3A_724 = arith.constant 0 : i32
        %dma_start3A_725 = tpu.memref_slice %arg4[%squeeze3A_717, %dma_start3A_724] : memref<4112x64xf32, #tpu.memory_space<hbm>> -> memref<1x64xf32, #tpu.memory_space<hbm>>
        %dma_start3A_726 = tpu.memref_squeeze %dma_start3A_725 : memref<1x64xf32, #tpu.memory_space<hbm>> -> memref<64xf32, #tpu.memory_space<hbm>>
        %dma_start3A_727 = arith.constant 0 : i32
        %dma_start3A_728 = tpu.memref_slice %arg9[%add3A_715, %dma_start3A_727] : memref<256x128xf32, #tpu.memory_space<vmem>> -> memref<1x64xf32, #tpu.memory_space<vmem>>
        %dma_start3A_729 = tpu.memref_squeeze %dma_start3A_728 : memref<1x64xf32, #tpu.memory_space<vmem>> -> memref<64xf32, #tpu.memory_space<vmem>>
        tpu.enqueue_dma source(%dma_start3A_729 : memref<64xf32, #tpu.memory_space<vmem>>) target(%dma_start3A_726 : memref<64xf32, #tpu.memory_space<hbm>>) target_semaphore(%arg12 : memref<!tpu.dma_semaphore, #tpu.memory_space<semaphore_mem>>)
        %add3A_730 = arith.constant 7 : i32
        %add3A_731 = arith.addi %mul3A_284, %add3A_730 : i32
        %slice3A_732 = vector.extract_strided_slice %select_n3A_280 {offsets = [7], sizes = [1], strides = [1]} : vector<16xi32> to vector<1xi32>
        %squeeze3A_733 = vector.extract %slice3A_732[0] : i32 from vector<1xi32>
        %dma_start3A_734 = arith.constant 0 : i32
        %dma_start3A_735 = tpu.memref_slice %arg9[%add3A_731, %dma_start3A_734] : memref<256x128xf32, #tpu.memory_space<vmem>> -> memref<1x64xf32, #tpu.memory_space<vmem>>
        %dma_start3A_736 = tpu.memref_squeeze %dma_start3A_735 : memref<1x64xf32, #tpu.memory_space<vmem>> -> memref<64xf32, #tpu.memory_space<vmem>>
        %dma_start3A_737 = arith.constant 0 : i32
        %dma_start3A_738 = tpu.memref_slice %arg4[%squeeze3A_733, %dma_start3A_737] : memref<4112x64xf32, #tpu.memory_space<hbm>> -> memref<1x64xf32, #tpu.memory_space<hbm>>
        %dma_start3A_739 = tpu.memref_squeeze %dma_start3A_738 : memref<1x64xf32, #tpu.memory_space<hbm>> -> memref<64xf32, #tpu.memory_space<hbm>>
        %dma_start3A_740 = arith.constant 0 : i32
        %dma_start3A_741 = tpu.memref_slice %arg4[%squeeze3A_733, %dma_start3A_740] : memref<4112x64xf32, #tpu.memory_space<hbm>> -> memref<1x64xf32, #tpu.memory_space<hbm>>
        %dma_start3A_742 = tpu.memref_squeeze %dma_start3A_741 : memref<1x64xf32, #tpu.memory_space<hbm>> -> memref<64xf32, #tpu.memory_space<hbm>>
        %dma_start3A_743 = arith.constant 0 : i32
        %dma_start3A_744 = tpu.memref_slice %arg9[%add3A_731, %dma_start3A_743] : memref<256x128xf32, #tpu.memory_space<vmem>> -> memref<1x64xf32, #tpu.memory_space<vmem>>
        %dma_start3A_745 = tpu.memref_squeeze %dma_start3A_744 : memref<1x64xf32, #tpu.memory_space<vmem>> -> memref<64xf32, #tpu.memory_space<vmem>>
        tpu.enqueue_dma source(%dma_start3A_745 : memref<64xf32, #tpu.memory_space<vmem>>) target(%dma_start3A_742 : memref<64xf32, #tpu.memory_space<hbm>>) target_semaphore(%arg12 : memref<!tpu.dma_semaphore, #tpu.memory_space<semaphore_mem>>)
        %add3A_746 = arith.constant 8 : i32
        %add3A_747 = arith.addi %mul3A_284, %add3A_746 : i32
        %slice3A_748 = vector.extract_strided_slice %select_n3A_280 {offsets = [8], sizes = [1], strides = [1]} : vector<16xi32> to vector<1xi32>
        %squeeze3A_749 = vector.extract %slice3A_748[0] : i32 from vector<1xi32>
        %dma_start3A_750 = arith.constant 0 : i32
        %dma_start3A_751 = tpu.memref_slice %arg9[%add3A_747, %dma_start3A_750] : memref<256x128xf32, #tpu.memory_space<vmem>> -> memref<1x64xf32, #tpu.memory_space<vmem>>
        %dma_start3A_752 = tpu.memref_squeeze %dma_start3A_751 : memref<1x64xf32, #tpu.memory_space<vmem>> -> memref<64xf32, #tpu.memory_space<vmem>>
        %dma_start3A_753 = arith.constant 0 : i32
        %dma_start3A_754 = tpu.memref_slice %arg4[%squeeze3A_749, %dma_start3A_753] : memref<4112x64xf32, #tpu.memory_space<hbm>> -> memref<1x64xf32, #tpu.memory_space<hbm>>
        %dma_start3A_755 = tpu.memref_squeeze %dma_start3A_754 : memref<1x64xf32, #tpu.memory_space<hbm>> -> memref<64xf32, #tpu.memory_space<hbm>>
        %dma_start3A_756 = arith.constant 0 : i32
        %dma_start3A_757 = tpu.memref_slice %arg4[%squeeze3A_749, %dma_start3A_756] : memref<4112x64xf32, #tpu.memory_space<hbm>> -> memref<1x64xf32, #tpu.memory_space<hbm>>
        %dma_start3A_758 = tpu.memref_squeeze %dma_start3A_757 : memref<1x64xf32, #tpu.memory_space<hbm>> -> memref<64xf32, #tpu.memory_space<hbm>>
        %dma_start3A_759 = arith.constant 0 : i32
        %dma_start3A_760 = tpu.memref_slice %arg9[%add3A_747, %dma_start3A_759] : memref<256x128xf32, #tpu.memory_space<vmem>> -> memref<1x64xf32, #tpu.memory_space<vmem>>
        %dma_start3A_761 = tpu.memref_squeeze %dma_start3A_760 : memref<1x64xf32, #tpu.memory_space<vmem>> -> memref<64xf32, #tpu.memory_space<vmem>>
        tpu.enqueue_dma source(%dma_start3A_761 : memref<64xf32, #tpu.memory_space<vmem>>) target(%dma_start3A_758 : memref<64xf32, #tpu.memory_space<hbm>>) target_semaphore(%arg12 : memref<!tpu.dma_semaphore, #tpu.memory_space<semaphore_mem>>)
        %add3A_762 = arith.constant 9 : i32
        %add3A_763 = arith.addi %mul3A_284, %add3A_762 : i32
        %slice3A_764 = vector.extract_strided_slice %select_n3A_280 {offsets = [9], sizes = [1], strides = [1]} : vector<16xi32> to vector<1xi32>
        %squeeze3A_765 = vector.extract %slice3A_764[0] : i32 from vector<1xi32>
        %dma_start3A_766 = arith.constant 0 : i32
        %dma_start3A_767 = tpu.memref_slice %arg9[%add3A_763, %dma_start3A_766] : memref<256x128xf32, #tpu.memory_space<vmem>> -> memref<1x64xf32, #tpu.memory_space<vmem>>
        %dma_start3A_768 = tpu.memref_squeeze %dma_start3A_767 : memref<1x64xf32, #tpu.memory_space<vmem>> -> memref<64xf32, #tpu.memory_space<vmem>>
        %dma_start3A_769 = arith.constant 0 : i32
        %dma_start3A_770 = tpu.memref_slice %arg4[%squeeze3A_765, %dma_start3A_769] : memref<4112x64xf32, #tpu.memory_space<hbm>> -> memref<1x64xf32, #tpu.memory_space<hbm>>
        %dma_start3A_771 = tpu.memref_squeeze %dma_start3A_770 : memref<1x64xf32, #tpu.memory_space<hbm>> -> memref<64xf32, #tpu.memory_space<hbm>>
        %dma_start3A_772 = arith.constant 0 : i32
        %dma_start3A_773 = tpu.memref_slice %arg4[%squeeze3A_765, %dma_start3A_772] : memref<4112x64xf32, #tpu.memory_space<hbm>> -> memref<1x64xf32, #tpu.memory_space<hbm>>
        %dma_start3A_774 = tpu.memref_squeeze %dma_start3A_773 : memref<1x64xf32, #tpu.memory_space<hbm>> -> memref<64xf32, #tpu.memory_space<hbm>>
        %dma_start3A_775 = arith.constant 0 : i32
        %dma_start3A_776 = tpu.memref_slice %arg9[%add3A_763, %dma_start3A_775] : memref<256x128xf32, #tpu.memory_space<vmem>> -> memref<1x64xf32, #tpu.memory_space<vmem>>
        %dma_start3A_777 = tpu.memref_squeeze %dma_start3A_776 : memref<1x64xf32, #tpu.memory_space<vmem>> -> memref<64xf32, #tpu.memory_space<vmem>>
        tpu.enqueue_dma source(%dma_start3A_777 : memref<64xf32, #tpu.memory_space<vmem>>) target(%dma_start3A_774 : memref<64xf32, #tpu.memory_space<hbm>>) target_semaphore(%arg12 : memref<!tpu.dma_semaphore, #tpu.memory_space<semaphore_mem>>)
        %add3A_778 = arith.constant 10 : i32
        %add3A_779 = arith.addi %mul3A_284, %add3A_778 : i32
        %slice3A_780 = vector.extract_strided_slice %select_n3A_280 {offsets = [10], sizes = [1], strides = [1]} : vector<16xi32> to vector<1xi32>
        %squeeze3A_781 = vector.extract %slice3A_780[0] : i32 from vector<1xi32>
        %dma_start3A_782 = arith.constant 0 : i32
        %dma_start3A_783 = tpu.memref_slice %arg9[%add3A_779, %dma_start3A_782] : memref<256x128xf32, #tpu.memory_space<vmem>> -> memref<1x64xf32, #tpu.memory_space<vmem>>
        %dma_start3A_784 = tpu.memref_squeeze %dma_start3A_783 : memref<1x64xf32, #tpu.memory_space<vmem>> -> memref<64xf32, #tpu.memory_space<vmem>>
        %dma_start3A_785 = arith.constant 0 : i32
        %dma_start3A_786 = tpu.memref_slice %arg4[%squeeze3A_781, %dma_start3A_785] : memref<4112x64xf32, #tpu.memory_space<hbm>> -> memref<1x64xf32, #tpu.memory_space<hbm>>
        %dma_start3A_787 = tpu.memref_squeeze %dma_start3A_786 : memref<1x64xf32, #tpu.memory_space<hbm>> -> memref<64xf32, #tpu.memory_space<hbm>>
        %dma_start3A_788 = arith.constant 0 : i32
        %dma_start3A_789 = tpu.memref_slice %arg4[%squeeze3A_781, %dma_start3A_788] : memref<4112x64xf32, #tpu.memory_space<hbm>> -> memref<1x64xf32, #tpu.memory_space<hbm>>
        %dma_start3A_790 = tpu.memref_squeeze %dma_start3A_789 : memref<1x64xf32, #tpu.memory_space<hbm>> -> memref<64xf32, #tpu.memory_space<hbm>>
        %dma_start3A_791 = arith.constant 0 : i32
        %dma_start3A_792 = tpu.memref_slice %arg9[%add3A_779, %dma_start3A_791] : memref<256x128xf32, #tpu.memory_space<vmem>> -> memref<1x64xf32, #tpu.memory_space<vmem>>
        %dma_start3A_793 = tpu.memref_squeeze %dma_start3A_792 : memref<1x64xf32, #tpu.memory_space<vmem>> -> memref<64xf32, #tpu.memory_space<vmem>>
        tpu.enqueue_dma source(%dma_start3A_793 : memref<64xf32, #tpu.memory_space<vmem>>) target(%dma_start3A_790 : memref<64xf32, #tpu.memory_space<hbm>>) target_semaphore(%arg12 : memref<!tpu.dma_semaphore, #tpu.memory_space<semaphore_mem>>)
        %add3A_794 = arith.constant 11 : i32
        %add3A_795 = arith.addi %mul3A_284, %add3A_794 : i32
        %slice3A_796 = vector.extract_strided_slice %select_n3A_280 {offsets = [11], sizes = [1], strides = [1]} : vector<16xi32> to vector<1xi32>
        %squeeze3A_797 = vector.extract %slice3A_796[0] : i32 from vector<1xi32>
        %dma_start3A_798 = arith.constant 0 : i32
        %dma_start3A_799 = tpu.memref_slice %arg9[%add3A_795, %dma_start3A_798] : memref<256x128xf32, #tpu.memory_space<vmem>> -> memref<1x64xf32, #tpu.memory_space<vmem>>
        %dma_start3A_800 = tpu.memref_squeeze %dma_start3A_799 : memref<1x64xf32, #tpu.memory_space<vmem>> -> memref<64xf32, #tpu.memory_space<vmem>>
        %dma_start3A_801 = arith.constant 0 : i32
        %dma_start3A_802 = tpu.memref_slice %arg4[%squeeze3A_797, %dma_start3A_801] : memref<4112x64xf32, #tpu.memory_space<hbm>> -> memref<1x64xf32, #tpu.memory_space<hbm>>
        %dma_start3A_803 = tpu.memref_squeeze %dma_start3A_802 : memref<1x64xf32, #tpu.memory_space<hbm>> -> memref<64xf32, #tpu.memory_space<hbm>>
        %dma_start3A_804 = arith.constant 0 : i32
        %dma_start3A_805 = tpu.memref_slice %arg4[%squeeze3A_797, %dma_start3A_804] : memref<4112x64xf32, #tpu.memory_space<hbm>> -> memref<1x64xf32, #tpu.memory_space<hbm>>
        %dma_start3A_806 = tpu.memref_squeeze %dma_start3A_805 : memref<1x64xf32, #tpu.memory_space<hbm>> -> memref<64xf32, #tpu.memory_space<hbm>>
        %dma_start3A_807 = arith.constant 0 : i32
        %dma_start3A_808 = tpu.memref_slice %arg9[%add3A_795, %dma_start3A_807] : memref<256x128xf32, #tpu.memory_space<vmem>> -> memref<1x64xf32, #tpu.memory_space<vmem>>
        %dma_start3A_809 = tpu.memref_squeeze %dma_start3A_808 : memref<1x64xf32, #tpu.memory_space<vmem>> -> memref<64xf32, #tpu.memory_space<vmem>>
        tpu.enqueue_dma source(%dma_start3A_809 : memref<64xf32, #tpu.memory_space<vmem>>) target(%dma_start3A_806 : memref<64xf32, #tpu.memory_space<hbm>>) target_semaphore(%arg12 : memref<!tpu.dma_semaphore, #tpu.memory_space<semaphore_mem>>)
        %add3A_810 = arith.constant 12 : i32
        %add3A_811 = arith.addi %mul3A_284, %add3A_810 : i32
        %slice3A_812 = vector.extract_strided_slice %select_n3A_280 {offsets = [12], sizes = [1], strides = [1]} : vector<16xi32> to vector<1xi32>
        %squeeze3A_813 = vector.extract %slice3A_812[0] : i32 from vector<1xi32>
        %dma_start3A_814 = arith.constant 0 : i32
        %dma_start3A_815 = tpu.memref_slice %arg9[%add3A_811, %dma_start3A_814] : memref<256x128xf32, #tpu.memory_space<vmem>> -> memref<1x64xf32, #tpu.memory_space<vmem>>
        %dma_start3A_816 = tpu.memref_squeeze %dma_start3A_815 : memref<1x64xf32, #tpu.memory_space<vmem>> -> memref<64xf32, #tpu.memory_space<vmem>>
        %dma_start3A_817 = arith.constant 0 : i32
        %dma_start3A_818 = tpu.memref_slice %arg4[%squeeze3A_813, %dma_start3A_817] : memref<4112x64xf32, #tpu.memory_space<hbm>> -> memref<1x64xf32, #tpu.memory_space<hbm>>
        %dma_start3A_819 = tpu.memref_squeeze %dma_start3A_818 : memref<1x64xf32, #tpu.memory_space<hbm>> -> memref<64xf32, #tpu.memory_space<hbm>>
        %dma_start3A_820 = arith.constant 0 : i32
        %dma_start3A_821 = tpu.memref_slice %arg4[%squeeze3A_813, %dma_start3A_820] : memref<4112x64xf32, #tpu.memory_space<hbm>> -> memref<1x64xf32, #tpu.memory_space<hbm>>
        %dma_start3A_822 = tpu.memref_squeeze %dma_start3A_821 : memref<1x64xf32, #tpu.memory_space<hbm>> -> memref<64xf32, #tpu.memory_space<hbm>>
        %dma_start3A_823 = arith.constant 0 : i32
        %dma_start3A_824 = tpu.memref_slice %arg9[%add3A_811, %dma_start3A_823] : memref<256x128xf32, #tpu.memory_space<vmem>> -> memref<1x64xf32, #tpu.memory_space<vmem>>
        %dma_start3A_825 = tpu.memref_squeeze %dma_start3A_824 : memref<1x64xf32, #tpu.memory_space<vmem>> -> memref<64xf32, #tpu.memory_space<vmem>>
        tpu.enqueue_dma source(%dma_start3A_825 : memref<64xf32, #tpu.memory_space<vmem>>) target(%dma_start3A_822 : memref<64xf32, #tpu.memory_space<hbm>>) target_semaphore(%arg12 : memref<!tpu.dma_semaphore, #tpu.memory_space<semaphore_mem>>)
        %add3A_826 = arith.constant 13 : i32
        %add3A_827 = arith.addi %mul3A_284, %add3A_826 : i32
        %slice3A_828 = vector.extract_strided_slice %select_n3A_280 {offsets = [13], sizes = [1], strides = [1]} : vector<16xi32> to vector<1xi32>
        %squeeze3A_829 = vector.extract %slice3A_828[0] : i32 from vector<1xi32>
        %dma_start3A_830 = arith.constant 0 : i32
        %dma_start3A_831 = tpu.memref_slice %arg9[%add3A_827, %dma_start3A_830] : memref<256x128xf32, #tpu.memory_space<vmem>> -> memref<1x64xf32, #tpu.memory_space<vmem>>
        %dma_start3A_832 = tpu.memref_squeeze %dma_start3A_831 : memref<1x64xf32, #tpu.memory_space<vmem>> -> memref<64xf32, #tpu.memory_space<vmem>>
        %dma_start3A_833 = arith.constant 0 : i32
        %dma_start3A_834 = tpu.memref_slice %arg4[%squeeze3A_829, %dma_start3A_833] : memref<4112x64xf32, #tpu.memory_space<hbm>> -> memref<1x64xf32, #tpu.memory_space<hbm>>
        %dma_start3A_835 = tpu.memref_squeeze %dma_start3A_834 : memref<1x64xf32, #tpu.memory_space<hbm>> -> memref<64xf32, #tpu.memory_space<hbm>>
        %dma_start3A_836 = arith.constant 0 : i32
        %dma_start3A_837 = tpu.memref_slice %arg4[%squeeze3A_829, %dma_start3A_836] : memref<4112x64xf32, #tpu.memory_space<hbm>> -> memref<1x64xf32, #tpu.memory_space<hbm>>
        %dma_start3A_838 = tpu.memref_squeeze %dma_start3A_837 : memref<1x64xf32, #tpu.memory_space<hbm>> -> memref<64xf32, #tpu.memory_space<hbm>>
        %dma_start3A_839 = arith.constant 0 : i32
        %dma_start3A_840 = tpu.memref_slice %arg9[%add3A_827, %dma_start3A_839] : memref<256x128xf32, #tpu.memory_space<vmem>> -> memref<1x64xf32, #tpu.memory_space<vmem>>
        %dma_start3A_841 = tpu.memref_squeeze %dma_start3A_840 : memref<1x64xf32, #tpu.memory_space<vmem>> -> memref<64xf32, #tpu.memory_space<vmem>>
        tpu.enqueue_dma source(%dma_start3A_841 : memref<64xf32, #tpu.memory_space<vmem>>) target(%dma_start3A_838 : memref<64xf32, #tpu.memory_space<hbm>>) target_semaphore(%arg12 : memref<!tpu.dma_semaphore, #tpu.memory_space<semaphore_mem>>)
        %add3A_842 = arith.constant 14 : i32
        %add3A_843 = arith.addi %mul3A_284, %add3A_842 : i32
        %slice3A_844 = vector.extract_strided_slice %select_n3A_280 {offsets = [14], sizes = [1], strides = [1]} : vector<16xi32> to vector<1xi32>
        %squeeze3A_845 = vector.extract %slice3A_844[0] : i32 from vector<1xi32>
        %dma_start3A_846 = arith.constant 0 : i32
        %dma_start3A_847 = tpu.memref_slice %arg9[%add3A_843, %dma_start3A_846] : memref<256x128xf32, #tpu.memory_space<vmem>> -> memref<1x64xf32, #tpu.memory_space<vmem>>
        %dma_start3A_848 = tpu.memref_squeeze %dma_start3A_847 : memref<1x64xf32, #tpu.memory_space<vmem>> -> memref<64xf32, #tpu.memory_space<vmem>>
        %dma_start3A_849 = arith.constant 0 : i32
        %dma_start3A_850 = tpu.memref_slice %arg4[%squeeze3A_845, %dma_start3A_849] : memref<4112x64xf32, #tpu.memory_space<hbm>> -> memref<1x64xf32, #tpu.memory_space<hbm>>
        %dma_start3A_851 = tpu.memref_squeeze %dma_start3A_850 : memref<1x64xf32, #tpu.memory_space<hbm>> -> memref<64xf32, #tpu.memory_space<hbm>>
        %dma_start3A_852 = arith.constant 0 : i32
        %dma_start3A_853 = tpu.memref_slice %arg4[%squeeze3A_845, %dma_start3A_852] : memref<4112x64xf32, #tpu.memory_space<hbm>> -> memref<1x64xf32, #tpu.memory_space<hbm>>
        %dma_start3A_854 = tpu.memref_squeeze %dma_start3A_853 : memref<1x64xf32, #tpu.memory_space<hbm>> -> memref<64xf32, #tpu.memory_space<hbm>>
        %dma_start3A_855 = arith.constant 0 : i32
        %dma_start3A_856 = tpu.memref_slice %arg9[%add3A_843, %dma_start3A_855] : memref<256x128xf32, #tpu.memory_space<vmem>> -> memref<1x64xf32, #tpu.memory_space<vmem>>
        %dma_start3A_857 = tpu.memref_squeeze %dma_start3A_856 : memref<1x64xf32, #tpu.memory_space<vmem>> -> memref<64xf32, #tpu.memory_space<vmem>>
        tpu.enqueue_dma source(%dma_start3A_857 : memref<64xf32, #tpu.memory_space<vmem>>) target(%dma_start3A_854 : memref<64xf32, #tpu.memory_space<hbm>>) target_semaphore(%arg12 : memref<!tpu.dma_semaphore, #tpu.memory_space<semaphore_mem>>)
        %add3A_858 = arith.constant 15 : i32
        %add3A_859 = arith.addi %mul3A_284, %add3A_858 : i32
        %slice3A_860 = vector.extract_strided_slice %select_n3A_280 {offsets = [15], sizes = [1], strides = [1]} : vector<16xi32> to vector<1xi32>
        %squeeze3A_861 = vector.extract %slice3A_860[0] : i32 from vector<1xi32>
        %dma_start3A_862 = arith.constant 0 : i32
        %dma_start3A_863 = tpu.memref_slice %arg9[%add3A_859, %dma_start3A_862] : memref<256x128xf32, #tpu.memory_space<vmem>> -> memref<1x64xf32, #tpu.memory_space<vmem>>
        %dma_start3A_864 = tpu.memref_squeeze %dma_start3A_863 : memref<1x64xf32, #tpu.memory_space<vmem>> -> memref<64xf32, #tpu.memory_space<vmem>>
        %dma_start3A_865 = arith.constant 0 : i32
        %dma_start3A_866 = tpu.memref_slice %arg4[%squeeze3A_861, %dma_start3A_865] : memref<4112x64xf32, #tpu.memory_space<hbm>> -> memref<1x64xf32, #tpu.memory_space<hbm>>
        %dma_start3A_867 = tpu.memref_squeeze %dma_start3A_866 : memref<1x64xf32, #tpu.memory_space<hbm>> -> memref<64xf32, #tpu.memory_space<hbm>>
        %dma_start3A_868 = arith.constant 0 : i32
        %dma_start3A_869 = tpu.memref_slice %arg4[%squeeze3A_861, %dma_start3A_868] : memref<4112x64xf32, #tpu.memory_space<hbm>> -> memref<1x64xf32, #tpu.memory_space<hbm>>
        %dma_start3A_870 = tpu.memref_squeeze %dma_start3A_869 : memref<1x64xf32, #tpu.memory_space<hbm>> -> memref<64xf32, #tpu.memory_space<hbm>>
        %dma_start3A_871 = arith.constant 0 : i32
        %dma_start3A_872 = tpu.memref_slice %arg9[%add3A_859, %dma_start3A_871] : memref<256x128xf32, #tpu.memory_space<vmem>> -> memref<1x64xf32, #tpu.memory_space<vmem>>
        %dma_start3A_873 = tpu.memref_squeeze %dma_start3A_872 : memref<1x64xf32, #tpu.memory_space<vmem>> -> memref<64xf32, #tpu.memory_space<vmem>>
        tpu.enqueue_dma source(%dma_start3A_873 : memref<64xf32, #tpu.memory_space<vmem>>) target(%dma_start3A_870 : memref<64xf32, #tpu.memory_space<hbm>>) target_semaphore(%arg12 : memref<!tpu.dma_semaphore, #tpu.memory_space<semaphore_mem>>)
        %add3A_874 = arith.constant 1 : i32
        %add3A_875 = arith.addi %while3A_231, %add3A_874 : i32
        scf.yield %add3A_875 : i32
      }
      %while3A_208 = arith.constant 1 : i32
      %while3A_209 = scf.for %while3A_230 = %while3A_205 to %while3A_201 step %while3A_208 iter_args(%while3A_231 = %while3A_207) -> (i32)  : i32 {
        %mul3A_232 = arith.constant 16 : i32
        %mul3A_233 = arith.muli %while3A_230, %mul3A_232 : i32
        %get3A = arith.index_cast %mul3A_233 : i32 to index
        %get3A_234 = tpu.vector_load %arg7[%get3A] {strides = array<i32>} : memref<4112xi32, #tpu.memory_space<vmem>>, vector<16xi32>,
        %mul3A_235 = arith.constant 16 : i32
        %mul3A_236 = arith.muli %while3A_230, %mul3A_235 : i32
        %add3A_237 = vector.broadcast %mul3A_236 : i32 to vector<16xi32>
        %add3A_238 = arith.addi %iota3A, %add3A_237 : vector<16xi32>
        %lt3A_239 = vector.broadcast %while3A_170 : i32 to vector<16xi32>
        %lt3A_240 = arith.cmpi slt, %add3A_238, %lt3A_239 : vector<16xi32>
        %jit3A_241 = arith.constant 4112 : i32
        %div3A_242 = vector.broadcast %jit3A_241 : i32 to vector<16xi32>
        %div3A_243 = arith.divsi %get3A_234, %div3A_242 : vector<16xi32>
        %sign3A_244 = arith.constant 0 : i32
        %sign3A_245 = vector.broadcast %sign3A_244 : i32 to vector<16xi32>
        %sign3A_246 = arith.cmpi sgt, %get3A_234, %sign3A_245 : vector<16xi32>
        %sign3A_247 = arith.extui %sign3A_246 : vector<16xi1> to vector<16xi32>
        %sign3A_248 = arith.constant 0 : i32
        %sign3A_249 = vector.broadcast %sign3A_248 : i32 to vector<16xi32>
        %sign3A_250 = arith.cmpi slt, %get3A_234, %sign3A_249 : vector<16xi32>
        %sign3A_251 = arith.extui %sign3A_250 : vector<16xi1> to vector<16xi32>
        %sign3A_252 = arith.subi %sign3A_247, %sign3A_251 : vector<16xi32>
        %sign3A_253 = arith.constant 0 : i32
        %sign3A_254 = arith.cmpi sgt, %jit3A_241, %sign3A_253 : i32
        %sign3A_255 = arith.extui %sign3A_254 : i1 to i32
        %sign3A_256 = arith.constant 0 : i32
        %sign3A_257 = arith.cmpi slt, %jit3A_241, %sign3A_256 : i32
        %sign3A_258 = arith.extui %sign3A_257 : i1 to i32
        %sign3A_259 = arith.subi %sign3A_255, %sign3A_258 : i32
        %ne3A_260 = vector.broadcast %sign3A_259 : i32 to vector<16xi32>
        %ne3A_261 = arith.cmpi ne, %sign3A_252, %ne3A_260 : vector<16xi32>
        %rem3A_262 = vector.broadcast %jit3A_241 : i32 to vector<16xi32>
        %rem3A_263 = arith.remsi %get3A_234, %rem3A_262 : vector<16xi32>
        %ne3A_264 = arith.constant 0 : i32
        %ne3A_265 = vector.broadcast %ne3A_264 : i32 to vector<16xi32>
        %ne3A_266 = arith.cmpi ne, %rem3A_263, %ne3A_265 : vector<16xi32>
        %and3A_267 = arith.andi %ne3A_261, %ne3A_266 : vector<16xi1>
        %sub3A_268 = arith.constant 1 : i32
        %sub3A_269 = vector.broadcast %sub3A_268 : i32 to vector<16xi32>
        %sub3A_270 = arith.subi %div3A_243, %sub3A_269 : vector<16xi32>
        %select_n3A_271 = arith.select %and3A_267, %sub3A_270, %div3A_243 : vector<16xi1>, vector<16xi32>
        %jit3A_272 = arith.constant 0 : i32
        %broadcast_in_dim3A = vector.broadcast %jit3A_272 : i32 to vector<16xi32>
        %select_n3A_273 = arith.select %lt3A_240, %select_n3A_271, %broadcast_in_dim3A : vector<16xi1>, vector<16xi32>
        %rem3A_274 = arith.constant 4112 : i32
        %rem3A_275 = vector.broadcast %rem3A_274 : i32 to vector<16xi32>
        %rem3A_276 = arith.remsi %get3A_234, %rem3A_275 : vector<16xi32>
        %add3A_277 = arith.constant 4096 : i32
        %add3A_278 = vector.broadcast %add3A_277 : i32 to vector<16xi32>
        %add3A_279 = arith.addi %add3A_278, %iota3A : vector<16xi32>
        %select_n3A_280 = arith.select %lt3A_240, %rem3A_276, %add3A_279 : vector<16xi1>, vector<16xi32>
        %rem3A_281 = arith.constant 16 : i32
        %rem3A_282 = arith.remsi %while3A_231, %rem3A_281 : i32
        %mul3A_283 = arith.constant 16 : i32
        %mul3A_284 = arith.muli %rem3A_282, %mul3A_283 : i32
        %gt3A_285 = arith.constant 0 : i32
        %gt3A_286 = arith.cmpi sgt, %while3A_231, %gt3A_285 : i32
        %rem3A_287 = arith.constant 16 : i32
        %rem3A_288 = arith.remsi %while3A_231, %rem3A_287 : i32
        %eq3A_289 = arith.constant 0 : i32
        %eq3A_290 = arith.cmpi eq, %rem3A_288, %eq3A_289 : i32
        %and3A_291 = arith.andi %gt3A_286, %eq3A_290 : i1
        %convert_element_type3A_292 = arith.extui %and3A_291 : i1 to i32
        %cond3A_293 = arith.constant 0 : i32
        %cond3A_294 = arith.cmpi ne, %convert_element_type3A_292, %cond3A_293 : i32
        scf.if %cond3A_294 {
          %scan3A_876 = arith.constant 0 : i32
          %scan3A_877 = arith.constant 0 : i32
          %scan3A_878 = arith.constant 256 : i32
          %scan3A_879 = arith.addi %scan3A_877, %scan3A_878 : i32
          %scan3A_880 = arith.constant 1 : i32
          scf.for %scan3A_882 = %scan3A_877 to %scan3A_879 step %scan3A_880  : i32 {
            %dma_wait3A = arith.constant 0 : i32
            %dma_wait3A_883 = arith.constant 0 : i32
            %dma_wait3A_884 = arith.constant 0 : i32
            %dma_wait3A_885 = tpu.memref_slice %arg9[%dma_wait3A_883, %dma_wait3A_884] : memref<256x128xf32, #tpu.memory_space<vmem>> -> memref<1x64xf32, #tpu.memory_space<vmem>>
            %dma_wait3A_886 = tpu.memref_squeeze %dma_wait3A_885 : memref<1x64xf32, #tpu.memory_space<vmem>> -> memref<64xf32, #tpu.memory_space<vmem>>
            %dma_wait3A_887 = arith.constant 0 : i32
            %dma_wait3A_888 = tpu.memref_slice %arg4[%dma_wait3A, %dma_wait3A_887] : memref<4112x64xf32, #tpu.memory_space<hbm>> -> memref<1x64xf32, #tpu.memory_space<hbm>>
            %dma_wait3A_889 = tpu.memref_squeeze %dma_wait3A_888 : memref<1x64xf32, #tpu.memory_space<hbm>> -> memref<64xf32, #tpu.memory_space<hbm>>
            %dma_wait3A_890 = arith.constant 0 : i32
            %dma_wait3A_891 = tpu.memref_slice %arg9[%dma_wait3A_883, %dma_wait3A_890] : memref<256x128xf32, #tpu.memory_space<vmem>> -> memref<1x64xf32, #tpu.memory_space<vmem>>
            %dma_wait3A_892 = tpu.memref_squeeze %dma_wait3A_891 : memref<1x64xf32, #tpu.memory_space<vmem>> -> memref<64xf32, #tpu.memory_space<vmem>>
            %dma_wait3A_893 = arith.constant 0 : i32
            %dma_wait3A_894 = tpu.memref_slice %arg4[%dma_wait3A, %dma_wait3A_893] : memref<4112x64xf32, #tpu.memory_space<hbm>> -> memref<1x64xf32, #tpu.memory_space<hbm>>
            %dma_wait3A_895 = tpu.memref_squeeze %dma_wait3A_894 : memref<1x64xf32, #tpu.memory_space<hbm>> -> memref<64xf32, #tpu.memory_space<hbm>>
            tpu.wait_dma2 semaphore(%arg12 : memref<!tpu.dma_semaphore, #tpu.memory_space<semaphore_mem>>) src(%dma_wait3A_895 : memref<64xf32, #tpu.memory_space<hbm>>) dst(%dma_wait3A_892 : memref<64xf32, #tpu.memory_space<vmem>>)
          }
          %scan3A_881 = arith.constant 256 : i32
        } else {
        }
        %add3A_295 = vector.broadcast %mul3A_284 : i32 to vector<16xi32>
        %add3A_296 = arith.addi %add3A_295, %iota3A : vector<16xi32>
        %broadcast_in_dim3A_297 = arith.constant 0 : i32
        %broadcast_in_dim3A_298 = vector.broadcast %broadcast_in_dim3A_297 : i32 to vector<16xi32>
        %add3A_299 = vector.broadcast %rem3A_141 : i32 to vector<16xi32>
        %add3A_300 = arith.addi %broadcast_in_dim3A_298, %add3A_299 : vector<16xi32>
        %broadcast_in_dim3A_301 = arith.constant 0 : i32
        %broadcast_in_dim3A_302 = vector.broadcast %broadcast_in_dim3A_301 : i32 to vector<16xi32>
        %gather3A = tpu.vector_load_idx %arg8[%add3A_300, %broadcast_in_dim3A_302, %select_n3A_273] : memref<2x64x640xf32, #tpu.memory_space<vmem>>[vector<16xi32>, vector<16xi32>, vector<16xi32>], vector<16xf32>,
        %broadcast_in_dim3A_303 = arith.constant 0 : i32
        %broadcast_in_dim3A_304 = vector.broadcast %broadcast_in_dim3A_303 : i32 to vector<16xi32>
        tpu.vector_store_idx %arg9[%add3A_296, %broadcast_in_dim3A_304], %gather3A : memref<256x128xf32, #tpu.memory_space<vmem>>[vector<16xi32>, vector<16xi32>], vector<16xf32>,
        %broadcast_in_dim3A_305 = arith.constant 1 : i32
        %broadcast_in_dim3A_306 = vector.broadcast %broadcast_in_dim3A_305 : i32 to vector<16xi32>
        %gather3A_307 = tpu.vector_load_idx %arg8[%add3A_300, %broadcast_in_dim3A_306, %select_n3A_273] : memref<2x64x640xf32, #tpu.memory_space<vmem>>[vector<16xi32>, vector<16xi32>, vector<16xi32>], vector<16xf32>,
        %broadcast_in_dim3A_308 = arith.constant 1 : i32
        %broadcast_in_dim3A_309 = vector.broadcast %broadcast_in_dim3A_308 : i32 to vector<16xi32>
        tpu.vector_store_idx %arg9[%add3A_296, %broadcast_in_dim3A_309], %gather3A_307 : memref<256x128xf32, #tpu.memory_space<vmem>>[vector<16xi32>, vector<16xi32>], vector<16xf32>,
        %broadcast_in_dim3A_310 = arith.constant 2 : i32
        %broadcast_in_dim3A_311 = vector.broadcast %broadcast_in_dim3A_310 : i32 to vector<16xi32>
        %gather3A_312 = tpu.vector_load_idx %arg8[%add3A_300, %broadcast_in_dim3A_311, %select_n3A_273] : memref<2x64x640xf32, #tpu.memory_space<vmem>>[vector<16xi32>, vector<16xi32>, vector<16xi32>], vector<16xf32>,
        %broadcast_in_dim3A_313 = arith.constant 2 : i32
        %broadcast_in_dim3A_314 = vector.broadcast %broadcast_in_dim3A_313 : i32 to vector<16xi32>
        tpu.vector_store_idx %arg9[%add3A_296, %broadcast_in_dim3A_314], %gather3A_312 : memref<256x128xf32, #tpu.memory_space<vmem>>[vector<16xi32>, vector<16xi32>], vector<16xf32>,
        %broadcast_in_dim3A_315 = arith.constant 3 : i32
        %broadcast_in_dim3A_316 = vector.broadcast %broadcast_in_dim3A_315 : i32 to vector<16xi32>
        %gather3A_317 = tpu.vector_load_idx %arg8[%add3A_300, %broadcast_in_dim3A_316, %select_n3A_273] : memref<2x64x640xf32, #tpu.memory_space<vmem>>[vector<16xi32>, vector<16xi32>, vector<16xi32>], vector<16xf32>,
        %broadcast_in_dim3A_318 = arith.constant 3 : i32
        %broadcast_in_dim3A_319 = vector.broadcast %broadcast_in_dim3A_318 : i32 to vector<16xi32>
        tpu.vector_store_idx %arg9[%add3A_296, %broadcast_in_dim3A_319], %gather3A_317 : memref<256x128xf32, #tpu.memory_space<vmem>>[vector<16xi32>, vector<16xi32>], vector<16xf32>,
        %broadcast_in_dim3A_320 = arith.constant 4 : i32
        %broadcast_in_dim3A_321 = vector.broadcast %broadcast_in_dim3A_320 : i32 to vector<16xi32>
        %gather3A_322 = tpu.vector_load_idx %arg8[%add3A_300, %broadcast_in_dim3A_321, %select_n3A_273] : memref<2x64x640xf32, #tpu.memory_space<vmem>>[vector<16xi32>, vector<16xi32>, vector<16xi32>], vector<16xf32>,
        %broadcast_in_dim3A_323 = arith.constant 4 : i32
        %broadcast_in_dim3A_324 = vector.broadcast %broadcast_in_dim3A_323 : i32 to vector<16xi32>
        tpu.vector_store_idx %arg9[%add3A_296, %broadcast_in_dim3A_324], %gather3A_322 : memref<256x128xf32, #tpu.memory_space<vmem>>[vector<16xi32>, vector<16xi32>], vector<16xf32>,
        %broadcast_in_dim3A_325 = arith.constant 5 : i32
        %broadcast_in_dim3A_326 = vector.broadcast %broadcast_in_dim3A_325 : i32 to vector<16xi32>
        %gather3A_327 = tpu.vector_load_idx %arg8[%add3A_300, %broadcast_in_dim3A_326, %select_n3A_273] : memref<2x64x640xf32, #tpu.memory_space<vmem>>[vector<16xi32>, vector<16xi32>, vector<16xi32>], vector<16xf32>,
        %broadcast_in_dim3A_328 = arith.constant 5 : i32
        %broadcast_in_dim3A_329 = vector.broadcast %broadcast_in_dim3A_328 : i32 to vector<16xi32>
        tpu.vector_store_idx %arg9[%add3A_296, %broadcast_in_dim3A_329], %gather3A_327 : memref<256x128xf32, #tpu.memory_space<vmem>>[vector<16xi32>, vector<16xi32>], vector<16xf32>,
        %broadcast_in_dim3A_330 = arith.constant 6 : i32
        %broadcast_in_dim3A_331 = vector.broadcast %broadcast_in_dim3A_330 : i32 to vector<16xi32>
        %gather3A_332 = tpu.vector_load_idx %arg8[%add3A_300, %broadcast_in_dim3A_331, %select_n3A_273] : memref<2x64x640xf32, #tpu.memory_space<vmem>>[vector<16xi32>, vector<16xi32>, vector<16xi32>], vector<16xf32>,
        %broadcast_in_dim3A_333 = arith.constant 6 : i32
        %broadcast_in_dim3A_334 = vector.broadcast %broadcast_in_dim3A_333 : i32 to vector<16xi32>
        tpu.vector_store_idx %arg9[%add3A_296, %broadcast_in_dim3A_334], %gather3A_332 : memref<256x128xf32, #tpu.memory_space<vmem>>[vector<16xi32>, vector<16xi32>], vector<16xf32>,
        %broadcast_in_dim3A_335 = arith.constant 7 : i32
        %broadcast_in_dim3A_336 = vector.broadcast %broadcast_in_dim3A_335 : i32 to vector<16xi32>
        %gather3A_337 = tpu.vector_load_idx %arg8[%add3A_300, %broadcast_in_dim3A_336, %select_n3A_273] : memref<2x64x640xf32, #tpu.memory_space<vmem>>[vector<16xi32>, vector<16xi32>, vector<16xi32>], vector<16xf32>,
        %broadcast_in_dim3A_338 = arith.constant 7 : i32
        %broadcast_in_dim3A_339 = vector.broadcast %broadcast_in_dim3A_338 : i32 to vector<16xi32>
        tpu.vector_store_idx %arg9[%add3A_296, %broadcast_in_dim3A_339], %gather3A_337 : memref<256x128xf32, #tpu.memory_space<vmem>>[vector<16xi32>, vector<16xi32>], vector<16xf32>,
        %broadcast_in_dim3A_340 = arith.constant 8 : i32
        %broadcast_in_dim3A_341 = vector.broadcast %broadcast_in_dim3A_340 : i32 to vector<16xi32>
        %gather3A_342 = tpu.vector_load_idx %arg8[%add3A_300, %broadcast_in_dim3A_341, %select_n3A_273] : memref<2x64x640xf32, #tpu.memory_space<vmem>>[vector<16xi32>, vector<16xi32>, vector<16xi32>], vector<16xf32>,
        %broadcast_in_dim3A_343 = arith.constant 8 : i32
        %broadcast_in_dim3A_344 = vector.broadcast %broadcast_in_dim3A_343 : i32 to vector<16xi32>
        tpu.vector_store_idx %arg9[%add3A_296, %broadcast_in_dim3A_344], %gather3A_342 : memref<256x128xf32, #tpu.memory_space<vmem>>[vector<16xi32>, vector<16xi32>], vector<16xf32>,
        %broadcast_in_dim3A_345 = arith.constant 9 : i32
        %broadcast_in_dim3A_346 = vector.broadcast %broadcast_in_dim3A_345 : i32 to vector<16xi32>
        %gather3A_347 = tpu.vector_load_idx %arg8[%add3A_300, %broadcast_in_dim3A_346, %select_n3A_273] : memref<2x64x640xf32, #tpu.memory_space<vmem>>[vector<16xi32>, vector<16xi32>, vector<16xi32>], vector<16xf32>,
        %broadcast_in_dim3A_348 = arith.constant 9 : i32
        %broadcast_in_dim3A_349 = vector.broadcast %broadcast_in_dim3A_348 : i32 to vector<16xi32>
        tpu.vector_store_idx %arg9[%add3A_296, %broadcast_in_dim3A_349], %gather3A_347 : memref<256x128xf32, #tpu.memory_space<vmem>>[vector<16xi32>, vector<16xi32>], vector<16xf32>,
        %broadcast_in_dim3A_350 = arith.constant 10 : i32
        %broadcast_in_dim3A_351 = vector.broadcast %broadcast_in_dim3A_350 : i32 to vector<16xi32>
        %gather3A_352 = tpu.vector_load_idx %arg8[%add3A_300, %broadcast_in_dim3A_351, %select_n3A_273] : memref<2x64x640xf32, #tpu.memory_space<vmem>>[vector<16xi32>, vector<16xi32>, vector<16xi32>], vector<16xf32>,
        %broadcast_in_dim3A_353 = arith.constant 10 : i32
        %broadcast_in_dim3A_354 = vector.broadcast %broadcast_in_dim3A_353 : i32 to vector<16xi32>
        tpu.vector_store_idx %arg9[%add3A_296, %broadcast_in_dim3A_354], %gather3A_352 : memref<256x128xf32, #tpu.memory_space<vmem>>[vector<16xi32>, vector<16xi32>], vector<16xf32>,
        %broadcast_in_dim3A_355 = arith.constant 11 : i32
        %broadcast_in_dim3A_356 = vector.broadcast %broadcast_in_dim3A_355 : i32 to vector<16xi32>
        %gather3A_357 = tpu.vector_load_idx %arg8[%add3A_300, %broadcast_in_dim3A_356, %select_n3A_273] : memref<2x64x640xf32, #tpu.memory_space<vmem>>[vector<16xi32>, vector<16xi32>, vector<16xi32>], vector<16xf32>,
        %broadcast_in_dim3A_358 = arith.constant 11 : i32
        %broadcast_in_dim3A_359 = vector.broadcast %broadcast_in_dim3A_358 : i32 to vector<16xi32>
        tpu.vector_store_idx %arg9[%add3A_296, %broadcast_in_dim3A_359], %gather3A_357 : memref<256x128xf32, #tpu.memory_space<vmem>>[vector<16xi32>, vector<16xi32>], vector<16xf32>,
        %broadcast_in_dim3A_360 = arith.constant 12 : i32
        %broadcast_in_dim3A_361 = vector.broadcast %broadcast_in_dim3A_360 : i32 to vector<16xi32>
        %gather3A_362 = tpu.vector_load_idx %arg8[%add3A_300, %broadcast_in_dim3A_361, %select_n3A_273] : memref<2x64x640xf32, #tpu.memory_space<vmem>>[vector<16xi32>, vector<16xi32>, vector<16xi32>], vector<16xf32>,
        %broadcast_in_dim3A_363 = arith.constant 12 : i32
        %broadcast_in_dim3A_364 = vector.broadcast %broadcast_in_dim3A_363 : i32 to vector<16xi32>
        tpu.vector_store_idx %arg9[%add3A_296, %broadcast_in_dim3A_364], %gather3A_362 : memref<256x128xf32, #tpu.memory_space<vmem>>[vector<16xi32>, vector<16xi32>], vector<16xf32>,
        %broadcast_in_dim3A_365 = arith.constant 13 : i32
        %broadcast_in_dim3A_366 = vector.broadcast %broadcast_in_dim3A_365 : i32 to vector<16xi32>
        %gather3A_367 = tpu.vector_load_idx %arg8[%add3A_300, %broadcast_in_dim3A_366, %select_n3A_273] : memref<2x64x640xf32, #tpu.memory_space<vmem>>[vector<16xi32>, vector<16xi32>, vector<16xi32>], vector<16xf32>,
        %broadcast_in_dim3A_368 = arith.constant 13 : i32
        %broadcast_in_dim3A_369 = vector.broadcast %broadcast_in_dim3A_368 : i32 to vector<16xi32>
        tpu.vector_store_idx %arg9[%add3A_296, %broadcast_in_dim3A_369], %gather3A_367 : memref<256x128xf32, #tpu.memory_space<vmem>>[vector<16xi32>, vector<16xi32>], vector<16xf32>,
        %broadcast_in_dim3A_370 = arith.constant 14 : i32
        %broadcast_in_dim3A_371 = vector.broadcast %broadcast_in_dim3A_370 : i32 to vector<16xi32>
        %gather3A_372 = tpu.vector_load_idx %arg8[%add3A_300, %broadcast_in_dim3A_371, %select_n3A_273] : memref<2x64x640xf32, #tpu.memory_space<vmem>>[vector<16xi32>, vector<16xi32>, vector<16xi32>], vector<16xf32>,
        %broadcast_in_dim3A_373 = arith.constant 14 : i32
        %broadcast_in_dim3A_374 = vector.broadcast %broadcast_in_dim3A_373 : i32 to vector<16xi32>
        tpu.vector_store_idx %arg9[%add3A_296, %broadcast_in_dim3A_374], %gather3A_372 : memref<256x128xf32, #tpu.memory_space<vmem>>[vector<16xi32>, vector<16xi32>], vector<16xf32>,
        %broadcast_in_dim3A_375 = arith.constant 15 : i32
        %broadcast_in_dim3A_376 = vector.broadcast %broadcast_in_dim3A_375 : i32 to vector<16xi32>
        %gather3A_377 = tpu.vector_load_idx %arg8[%add3A_300, %broadcast_in_dim3A_376, %select_n3A_273] : memref<2x64x640xf32, #tpu.memory_space<vmem>>[vector<16xi32>, vector<16xi32>, vector<16xi32>], vector<16xf32>,
        %broadcast_in_dim3A_378 = arith.constant 15 : i32
        %broadcast_in_dim3A_379 = vector.broadcast %broadcast_in_dim3A_378 : i32 to vector<16xi32>
        tpu.vector_store_idx %arg9[%add3A_296, %broadcast_in_dim3A_379], %gather3A_377 : memref<256x128xf32, #tpu.memory_space<vmem>>[vector<16xi32>, vector<16xi32>], vector<16xf32>,
        %broadcast_in_dim3A_380 = arith.constant 16 : i32
        %broadcast_in_dim3A_381 = vector.broadcast %broadcast_in_dim3A_380 : i32 to vector<16xi32>
        %gather3A_382 = tpu.vector_load_idx %arg8[%add3A_300, %broadcast_in_dim3A_381, %select_n3A_273] : memref<2x64x640xf32, #tpu.memory_space<vmem>>[vector<16xi32>, vector<16xi32>, vector<16xi32>], vector<16xf32>,
        %broadcast_in_dim3A_383 = arith.constant 16 : i32
        %broadcast_in_dim3A_384 = vector.broadcast %broadcast_in_dim3A_383 : i32 to vector<16xi32>
        tpu.vector_store_idx %arg9[%add3A_296, %broadcast_in_dim3A_384], %gather3A_382 : memref<256x128xf32, #tpu.memory_space<vmem>>[vector<16xi32>, vector<16xi32>], vector<16xf32>,
        %broadcast_in_dim3A_385 = arith.constant 17 : i32
        %broadcast_in_dim3A_386 = vector.broadcast %broadcast_in_dim3A_385 : i32 to vector<16xi32>
        %gather3A_387 = tpu.vector_load_idx %arg8[%add3A_300, %broadcast_in_dim3A_386, %select_n3A_273] : memref<2x64x640xf32, #tpu.memory_space<vmem>>[vector<16xi32>, vector<16xi32>, vector<16xi32>], vector<16xf32>,
        %broadcast_in_dim3A_388 = arith.constant 17 : i32
        %broadcast_in_dim3A_389 = vector.broadcast %broadcast_in_dim3A_388 : i32 to vector<16xi32>
        tpu.vector_store_idx %arg9[%add3A_296, %broadcast_in_dim3A_389], %gather3A_387 : memref<256x128xf32, #tpu.memory_space<vmem>>[vector<16xi32>, vector<16xi32>], vector<16xf32>,
        %broadcast_in_dim3A_390 = arith.constant 18 : i32
        %broadcast_in_dim3A_391 = vector.broadcast %broadcast_in_dim3A_390 : i32 to vector<16xi32>
        %gather3A_392 = tpu.vector_load_idx %arg8[%add3A_300, %broadcast_in_dim3A_391, %select_n3A_273] : memref<2x64x640xf32, #tpu.memory_space<vmem>>[vector<16xi32>, vector<16xi32>, vector<16xi32>], vector<16xf32>,
        %broadcast_in_dim3A_393 = arith.constant 18 : i32
        %broadcast_in_dim3A_394 = vector.broadcast %broadcast_in_dim3A_393 : i32 to vector<16xi32>
        tpu.vector_store_idx %arg9[%add3A_296, %broadcast_in_dim3A_394], %gather3A_392 : memref<256x128xf32, #tpu.memory_space<vmem>>[vector<16xi32>, vector<16xi32>], vector<16xf32>,
        %broadcast_in_dim3A_395 = arith.constant 19 : i32
        %broadcast_in_dim3A_396 = vector.broadcast %broadcast_in_dim3A_395 : i32 to vector<16xi32>
        %gather3A_397 = tpu.vector_load_idx %arg8[%add3A_300, %broadcast_in_dim3A_396, %select_n3A_273] : memref<2x64x640xf32, #tpu.memory_space<vmem>>[vector<16xi32>, vector<16xi32>, vector<16xi32>], vector<16xf32>,
        %broadcast_in_dim3A_398 = arith.constant 19 : i32
        %broadcast_in_dim3A_399 = vector.broadcast %broadcast_in_dim3A_398 : i32 to vector<16xi32>
        tpu.vector_store_idx %arg9[%add3A_296, %broadcast_in_dim3A_399], %gather3A_397 : memref<256x128xf32, #tpu.memory_space<vmem>>[vector<16xi32>, vector<16xi32>], vector<16xf32>,
        %broadcast_in_dim3A_400 = arith.constant 20 : i32
        %broadcast_in_dim3A_401 = vector.broadcast %broadcast_in_dim3A_400 : i32 to vector<16xi32>
        %gather3A_402 = tpu.vector_load_idx %arg8[%add3A_300, %broadcast_in_dim3A_401, %select_n3A_273] : memref<2x64x640xf32, #tpu.memory_space<vmem>>[vector<16xi32>, vector<16xi32>, vector<16xi32>], vector<16xf32>,
        %broadcast_in_dim3A_403 = arith.constant 20 : i32
        %broadcast_in_dim3A_404 = vector.broadcast %broadcast_in_dim3A_403 : i32 to vector<16xi32>
        tpu.vector_store_idx %arg9[%add3A_296, %broadcast_in_dim3A_404], %gather3A_402 : memref<256x128xf32, #tpu.memory_space<vmem>>[vector<16xi32>, vector<16xi32>], vector<16xf32>,
        %broadcast_in_dim3A_405 = arith.constant 21 : i32
        %broadcast_in_dim3A_406 = vector.broadcast %broadcast_in_dim3A_405 : i32 to vector<16xi32>
        %gather3A_407 = tpu.vector_load_idx %arg8[%add3A_300, %broadcast_in_dim3A_406, %select_n3A_273] : memref<2x64x640xf32, #tpu.memory_space<vmem>>[vector<16xi32>, vector<16xi32>, vector<16xi32>], vector<16xf32>,
        %broadcast_in_dim3A_408 = arith.constant 21 : i32
        %broadcast_in_dim3A_409 = vector.broadcast %broadcast_in_dim3A_408 : i32 to vector<16xi32>
        tpu.vector_store_idx %arg9[%add3A_296, %broadcast_in_dim3A_409], %gather3A_407 : memref<256x128xf32, #tpu.memory_space<vmem>>[vector<16xi32>, vector<16xi32>], vector<16xf32>,
        %broadcast_in_dim3A_410 = arith.constant 22 : i32
        %broadcast_in_dim3A_411 = vector.broadcast %broadcast_in_dim3A_410 : i32 to vector<16xi32>
        %gather3A_412 = tpu.vector_load_idx %arg8[%add3A_300, %broadcast_in_dim3A_411, %select_n3A_273] : memref<2x64x640xf32, #tpu.memory_space<vmem>>[vector<16xi32>, vector<16xi32>, vector<16xi32>], vector<16xf32>,
        %broadcast_in_dim3A_413 = arith.constant 22 : i32
        %broadcast_in_dim3A_414 = vector.broadcast %broadcast_in_dim3A_413 : i32 to vector<16xi32>
        tpu.vector_store_idx %arg9[%add3A_296, %broadcast_in_dim3A_414], %gather3A_412 : memref<256x128xf32, #tpu.memory_space<vmem>>[vector<16xi32>, vector<16xi32>], vector<16xf32>,
        %broadcast_in_dim3A_415 = arith.constant 23 : i32
        %broadcast_in_dim3A_416 = vector.broadcast %broadcast_in_dim3A_415 : i32 to vector<16xi32>
        %gather3A_417 = tpu.vector_load_idx %arg8[%add3A_300, %broadcast_in_dim3A_416, %select_n3A_273] : memref<2x64x640xf32, #tpu.memory_space<vmem>>[vector<16xi32>, vector<16xi32>, vector<16xi32>], vector<16xf32>,
        %broadcast_in_dim3A_418 = arith.constant 23 : i32
        %broadcast_in_dim3A_419 = vector.broadcast %broadcast_in_dim3A_418 : i32 to vector<16xi32>
        tpu.vector_store_idx %arg9[%add3A_296, %broadcast_in_dim3A_419], %gather3A_417 : memref<256x128xf32, #tpu.memory_space<vmem>>[vector<16xi32>, vector<16xi32>], vector<16xf32>,
        %broadcast_in_dim3A_420 = arith.constant 24 : i32
        %broadcast_in_dim3A_421 = vector.broadcast %broadcast_in_dim3A_420 : i32 to vector<16xi32>
        %gather3A_422 = tpu.vector_load_idx %arg8[%add3A_300, %broadcast_in_dim3A_421, %select_n3A_273] : memref<2x64x640xf32, #tpu.memory_space<vmem>>[vector<16xi32>, vector<16xi32>, vector<16xi32>], vector<16xf32>,
        %broadcast_in_dim3A_423 = arith.constant 24 : i32
        %broadcast_in_dim3A_424 = vector.broadcast %broadcast_in_dim3A_423 : i32 to vector<16xi32>
        tpu.vector_store_idx %arg9[%add3A_296, %broadcast_in_dim3A_424], %gather3A_422 : memref<256x128xf32, #tpu.memory_space<vmem>>[vector<16xi32>, vector<16xi32>], vector<16xf32>,
        %broadcast_in_dim3A_425 = arith.constant 25 : i32
        %broadcast_in_dim3A_426 = vector.broadcast %broadcast_in_dim3A_425 : i32 to vector<16xi32>
        %gather3A_427 = tpu.vector_load_idx %arg8[%add3A_300, %broadcast_in_dim3A_426, %select_n3A_273] : memref<2x64x640xf32, #tpu.memory_space<vmem>>[vector<16xi32>, vector<16xi32>, vector<16xi32>], vector<16xf32>,
        %broadcast_in_dim3A_428 = arith.constant 25 : i32
        %broadcast_in_dim3A_429 = vector.broadcast %broadcast_in_dim3A_428 : i32 to vector<16xi32>
        tpu.vector_store_idx %arg9[%add3A_296, %broadcast_in_dim3A_429], %gather3A_427 : memref<256x128xf32, #tpu.memory_space<vmem>>[vector<16xi32>, vector<16xi32>], vector<16xf32>,
        %broadcast_in_dim3A_430 = arith.constant 26 : i32
        %broadcast_in_dim3A_431 = vector.broadcast %broadcast_in_dim3A_430 : i32 to vector<16xi32>
        %gather3A_432 = tpu.vector_load_idx %arg8[%add3A_300, %broadcast_in_dim3A_431, %select_n3A_273] : memref<2x64x640xf32, #tpu.memory_space<vmem>>[vector<16xi32>, vector<16xi32>, vector<16xi32>], vector<16xf32>,
        %broadcast_in_dim3A_433 = arith.constant 26 : i32
        %broadcast_in_dim3A_434 = vector.broadcast %broadcast_in_dim3A_433 : i32 to vector<16xi32>
        tpu.vector_store_idx %arg9[%add3A_296, %broadcast_in_dim3A_434], %gather3A_432 : memref<256x128xf32, #tpu.memory_space<vmem>>[vector<16xi32>, vector<16xi32>], vector<16xf32>,
        %broadcast_in_dim3A_435 = arith.constant 27 : i32
        %broadcast_in_dim3A_436 = vector.broadcast %broadcast_in_dim3A_435 : i32 to vector<16xi32>
        %gather3A_437 = tpu.vector_load_idx %arg8[%add3A_300, %broadcast_in_dim3A_436, %select_n3A_273] : memref<2x64x640xf32, #tpu.memory_space<vmem>>[vector<16xi32>, vector<16xi32>, vector<16xi32>], vector<16xf32>,
        %broadcast_in_dim3A_438 = arith.constant 27 : i32
        %broadcast_in_dim3A_439 = vector.broadcast %broadcast_in_dim3A_438 : i32 to vector<16xi32>
        tpu.vector_store_idx %arg9[%add3A_296, %broadcast_in_dim3A_439], %gather3A_437 : memref<256x128xf32, #tpu.memory_space<vmem>>[vector<16xi32>, vector<16xi32>], vector<16xf32>,
        %broadcast_in_dim3A_440 = arith.constant 28 : i32
        %broadcast_in_dim3A_441 = vector.broadcast %broadcast_in_dim3A_440 : i32 to vector<16xi32>
        %gather3A_442 = tpu.vector_load_idx %arg8[%add3A_300, %broadcast_in_dim3A_441, %select_n3A_273] : memref<2x64x640xf32, #tpu.memory_space<vmem>>[vector<16xi32>, vector<16xi32>, vector<16xi32>], vector<16xf32>,
        %broadcast_in_dim3A_443 = arith.constant 28 : i32
        %broadcast_in_dim3A_444 = vector.broadcast %broadcast_in_dim3A_443 : i32 to vector<16xi32>
        tpu.vector_store_idx %arg9[%add3A_296, %broadcast_in_dim3A_444], %gather3A_442 : memref<256x128xf32, #tpu.memory_space<vmem>>[vector<16xi32>, vector<16xi32>], vector<16xf32>,
        %broadcast_in_dim3A_445 = arith.constant 29 : i32
        %broadcast_in_dim3A_446 = vector.broadcast %broadcast_in_dim3A_445 : i32 to vector<16xi32>
        %gather3A_447 = tpu.vector_load_idx %arg8[%add3A_300, %broadcast_in_dim3A_446, %select_n3A_273] : memref<2x64x640xf32, #tpu.memory_space<vmem>>[vector<16xi32>, vector<16xi32>, vector<16xi32>], vector<16xf32>,
        %broadcast_in_dim3A_448 = arith.constant 29 : i32
        %broadcast_in_dim3A_449 = vector.broadcast %broadcast_in_dim3A_448 : i32 to vector<16xi32>
        tpu.vector_store_idx %arg9[%add3A_296, %broadcast_in_dim3A_449], %gather3A_447 : memref<256x128xf32, #tpu.memory_space<vmem>>[vector<16xi32>, vector<16xi32>], vector<16xf32>,
        %broadcast_in_dim3A_450 = arith.constant 30 : i32
        %broadcast_in_dim3A_451 = vector.broadcast %broadcast_in_dim3A_450 : i32 to vector<16xi32>
        %gather3A_452 = tpu.vector_load_idx %arg8[%add3A_300, %broadcast_in_dim3A_451, %select_n3A_273] : memref<2x64x640xf32, #tpu.memory_space<vmem>>[vector<16xi32>, vector<16xi32>, vector<16xi32>], vector<16xf32>,
        %broadcast_in_dim3A_453 = arith.constant 30 : i32
        %broadcast_in_dim3A_454 = vector.broadcast %broadcast_in_dim3A_453 : i32 to vector<16xi32>
        tpu.vector_store_idx %arg9[%add3A_296, %broadcast_in_dim3A_454], %gather3A_452 : memref<256x128xf32, #tpu.memory_space<vmem>>[vector<16xi32>, vector<16xi32>], vector<16xf32>,
        %broadcast_in_dim3A_455 = arith.constant 31 : i32
        %broadcast_in_dim3A_456 = vector.broadcast %broadcast_in_dim3A_455 : i32 to vector<16xi32>
        %gather3A_457 = tpu.vector_load_idx %arg8[%add3A_300, %broadcast_in_dim3A_456, %select_n3A_273] : memref<2x64x640xf32, #tpu.memory_space<vmem>>[vector<16xi32>, vector<16xi32>, vector<16xi32>], vector<16xf32>,
        %broadcast_in_dim3A_458 = arith.constant 31 : i32
        %broadcast_in_dim3A_459 = vector.broadcast %broadcast_in_dim3A_458 : i32 to vector<16xi32>
        tpu.vector_store_idx %arg9[%add3A_296, %broadcast_in_dim3A_459], %gather3A_457 : memref<256x128xf32, #tpu.memory_space<vmem>>[vector<16xi32>, vector<16xi32>], vector<16xf32>,
        %broadcast_in_dim3A_460 = arith.constant 32 : i32
        %broadcast_in_dim3A_461 = vector.broadcast %broadcast_in_dim3A_460 : i32 to vector<16xi32>
        %gather3A_462 = tpu.vector_load_idx %arg8[%add3A_300, %broadcast_in_dim3A_461, %select_n3A_273] : memref<2x64x640xf32, #tpu.memory_space<vmem>>[vector<16xi32>, vector<16xi32>, vector<16xi32>], vector<16xf32>,
        %broadcast_in_dim3A_463 = arith.constant 32 : i32
        %broadcast_in_dim3A_464 = vector.broadcast %broadcast_in_dim3A_463 : i32 to vector<16xi32>
        tpu.vector_store_idx %arg9[%add3A_296, %broadcast_in_dim3A_464], %gather3A_462 : memref<256x128xf32, #tpu.memory_space<vmem>>[vector<16xi32>, vector<16xi32>], vector<16xf32>,
        %broadcast_in_dim3A_465 = arith.constant 33 : i32
        %broadcast_in_dim3A_466 = vector.broadcast %broadcast_in_dim3A_465 : i32 to vector<16xi32>
        %gather3A_467 = tpu.vector_load_idx %arg8[%add3A_300, %broadcast_in_dim3A_466, %select_n3A_273] : memref<2x64x640xf32, #tpu.memory_space<vmem>>[vector<16xi32>, vector<16xi32>, vector<16xi32>], vector<16xf32>,
        %broadcast_in_dim3A_468 = arith.constant 33 : i32
        %broadcast_in_dim3A_469 = vector.broadcast %broadcast_in_dim3A_468 : i32 to vector<16xi32>
        tpu.vector_store_idx %arg9[%add3A_296, %broadcast_in_dim3A_469], %gather3A_467 : memref<256x128xf32, #tpu.memory_space<vmem>>[vector<16xi32>, vector<16xi32>], vector<16xf32>,
        %broadcast_in_dim3A_470 = arith.constant 34 : i32
        %broadcast_in_dim3A_471 = vector.broadcast %broadcast_in_dim3A_470 : i32 to vector<16xi32>
        %gather3A_472 = tpu.vector_load_idx %arg8[%add3A_300, %broadcast_in_dim3A_471, %select_n3A_273] : memref<2x64x640xf32, #tpu.memory_space<vmem>>[vector<16xi32>, vector<16xi32>, vector<16xi32>], vector<16xf32>,
        %broadcast_in_dim3A_473 = arith.constant 34 : i32
        %broadcast_in_dim3A_474 = vector.broadcast %broadcast_in_dim3A_473 : i32 to vector<16xi32>
        tpu.vector_store_idx %arg9[%add3A_296, %broadcast_in_dim3A_474], %gather3A_472 : memref<256x128xf32, #tpu.memory_space<vmem>>[vector<16xi32>, vector<16xi32>], vector<16xf32>,
        %broadcast_in_dim3A_475 = arith.constant 35 : i32
        %broadcast_in_dim3A_476 = vector.broadcast %broadcast_in_dim3A_475 : i32 to vector<16xi32>
        %gather3A_477 = tpu.vector_load_idx %arg8[%add3A_300, %broadcast_in_dim3A_476, %select_n3A_273] : memref<2x64x640xf32, #tpu.memory_space<vmem>>[vector<16xi32>, vector<16xi32>, vector<16xi32>], vector<16xf32>,
        %broadcast_in_dim3A_478 = arith.constant 35 : i32
        %broadcast_in_dim3A_479 = vector.broadcast %broadcast_in_dim3A_478 : i32 to vector<16xi32>
        tpu.vector_store_idx %arg9[%add3A_296, %broadcast_in_dim3A_479], %gather3A_477 : memref<256x128xf32, #tpu.memory_space<vmem>>[vector<16xi32>, vector<16xi32>], vector<16xf32>,
        %broadcast_in_dim3A_480 = arith.constant 36 : i32
        %broadcast_in_dim3A_481 = vector.broadcast %broadcast_in_dim3A_480 : i32 to vector<16xi32>
        %gather3A_482 = tpu.vector_load_idx %arg8[%add3A_300, %broadcast_in_dim3A_481, %select_n3A_273] : memref<2x64x640xf32, #tpu.memory_space<vmem>>[vector<16xi32>, vector<16xi32>, vector<16xi32>], vector<16xf32>,
        %broadcast_in_dim3A_483 = arith.constant 36 : i32
        %broadcast_in_dim3A_484 = vector.broadcast %broadcast_in_dim3A_483 : i32 to vector<16xi32>
        tpu.vector_store_idx %arg9[%add3A_296, %broadcast_in_dim3A_484], %gather3A_482 : memref<256x128xf32, #tpu.memory_space<vmem>>[vector<16xi32>, vector<16xi32>], vector<16xf32>,
        %broadcast_in_dim3A_485 = arith.constant 37 : i32
        %broadcast_in_dim3A_486 = vector.broadcast %broadcast_in_dim3A_485 : i32 to vector<16xi32>
        %gather3A_487 = tpu.vector_load_idx %arg8[%add3A_300, %broadcast_in_dim3A_486, %select_n3A_273] : memref<2x64x640xf32, #tpu.memory_space<vmem>>[vector<16xi32>, vector<16xi32>, vector<16xi32>], vector<16xf32>,
        %broadcast_in_dim3A_488 = arith.constant 37 : i32
        %broadcast_in_dim3A_489 = vector.broadcast %broadcast_in_dim3A_488 : i32 to vector<16xi32>
        tpu.vector_store_idx %arg9[%add3A_296, %broadcast_in_dim3A_489], %gather3A_487 : memref<256x128xf32, #tpu.memory_space<vmem>>[vector<16xi32>, vector<16xi32>], vector<16xf32>,
        %broadcast_in_dim3A_490 = arith.constant 38 : i32
        %broadcast_in_dim3A_491 = vector.broadcast %broadcast_in_dim3A_490 : i32 to vector<16xi32>
        %gather3A_492 = tpu.vector_load_idx %arg8[%add3A_300, %broadcast_in_dim3A_491, %select_n3A_273] : memref<2x64x640xf32, #tpu.memory_space<vmem>>[vector<16xi32>, vector<16xi32>, vector<16xi32>], vector<16xf32>,
        %broadcast_in_dim3A_493 = arith.constant 38 : i32
        %broadcast_in_dim3A_494 = vector.broadcast %broadcast_in_dim3A_493 : i32 to vector<16xi32>
        tpu.vector_store_idx %arg9[%add3A_296, %broadcast_in_dim3A_494], %gather3A_492 : memref<256x128xf32, #tpu.memory_space<vmem>>[vector<16xi32>, vector<16xi32>], vector<16xf32>,
        %broadcast_in_dim3A_495 = arith.constant 39 : i32
        %broadcast_in_dim3A_496 = vector.broadcast %broadcast_in_dim3A_495 : i32 to vector<16xi32>
        %gather3A_497 = tpu.vector_load_idx %arg8[%add3A_300, %broadcast_in_dim3A_496, %select_n3A_273] : memref<2x64x640xf32, #tpu.memory_space<vmem>>[vector<16xi32>, vector<16xi32>, vector<16xi32>], vector<16xf32>,
        %broadcast_in_dim3A_498 = arith.constant 39 : i32
        %broadcast_in_dim3A_499 = vector.broadcast %broadcast_in_dim3A_498 : i32 to vector<16xi32>
        tpu.vector_store_idx %arg9[%add3A_296, %broadcast_in_dim3A_499], %gather3A_497 : memref<256x128xf32, #tpu.memory_space<vmem>>[vector<16xi32>, vector<16xi32>], vector<16xf32>,
        %broadcast_in_dim3A_500 = arith.constant 40 : i32
        %broadcast_in_dim3A_501 = vector.broadcast %broadcast_in_dim3A_500 : i32 to vector<16xi32>
        %gather3A_502 = tpu.vector_load_idx %arg8[%add3A_300, %broadcast_in_dim3A_501, %select_n3A_273] : memref<2x64x640xf32, #tpu.memory_space<vmem>>[vector<16xi32>, vector<16xi32>, vector<16xi32>], vector<16xf32>,
        %broadcast_in_dim3A_503 = arith.constant 40 : i32
        %broadcast_in_dim3A_504 = vector.broadcast %broadcast_in_dim3A_503 : i32 to vector<16xi32>
        tpu.vector_store_idx %arg9[%add3A_296, %broadcast_in_dim3A_504], %gather3A_502 : memref<256x128xf32, #tpu.memory_space<vmem>>[vector<16xi32>, vector<16xi32>], vector<16xf32>,
        %broadcast_in_dim3A_505 = arith.constant 41 : i32
        %broadcast_in_dim3A_506 = vector.broadcast %broadcast_in_dim3A_505 : i32 to vector<16xi32>
        %gather3A_507 = tpu.vector_load_idx %arg8[%add3A_300, %broadcast_in_dim3A_506, %select_n3A_273] : memref<2x64x640xf32, #tpu.memory_space<vmem>>[vector<16xi32>, vector<16xi32>, vector<16xi32>], vector<16xf32>,
        %broadcast_in_dim3A_508 = arith.constant 41 : i32
        %broadcast_in_dim3A_509 = vector.broadcast %broadcast_in_dim3A_508 : i32 to vector<16xi32>
        tpu.vector_store_idx %arg9[%add3A_296, %broadcast_in_dim3A_509], %gather3A_507 : memref<256x128xf32, #tpu.memory_space<vmem>>[vector<16xi32>, vector<16xi32>], vector<16xf32>,
        %broadcast_in_dim3A_510 = arith.constant 42 : i32
        %broadcast_in_dim3A_511 = vector.broadcast %broadcast_in_dim3A_510 : i32 to vector<16xi32>
        %gather3A_512 = tpu.vector_load_idx %arg8[%add3A_300, %broadcast_in_dim3A_511, %select_n3A_273] : memref<2x64x640xf32, #tpu.memory_space<vmem>>[vector<16xi32>, vector<16xi32>, vector<16xi32>], vector<16xf32>,
        %broadcast_in_dim3A_513 = arith.constant 42 : i32
        %broadcast_in_dim3A_514 = vector.broadcast %broadcast_in_dim3A_513 : i32 to vector<16xi32>
        tpu.vector_store_idx %arg9[%add3A_296, %broadcast_in_dim3A_514], %gather3A_512 : memref<256x128xf32, #tpu.memory_space<vmem>>[vector<16xi32>, vector<16xi32>], vector<16xf32>,
        %broadcast_in_dim3A_515 = arith.constant 43 : i32
        %broadcast_in_dim3A_516 = vector.broadcast %broadcast_in_dim3A_515 : i32 to vector<16xi32>
        %gather3A_517 = tpu.vector_load_idx %arg8[%add3A_300, %broadcast_in_dim3A_516, %select_n3A_273] : memref<2x64x640xf32, #tpu.memory_space<vmem>>[vector<16xi32>, vector<16xi32>, vector<16xi32>], vector<16xf32>,
        %broadcast_in_dim3A_518 = arith.constant 43 : i32
        %broadcast_in_dim3A_519 = vector.broadcast %broadcast_in_dim3A_518 : i32 to vector<16xi32>
        tpu.vector_store_idx %arg9[%add3A_296, %broadcast_in_dim3A_519], %gather3A_517 : memref<256x128xf32, #tpu.memory_space<vmem>>[vector<16xi32>, vector<16xi32>], vector<16xf32>,
        %broadcast_in_dim3A_520 = arith.constant 44 : i32
        %broadcast_in_dim3A_521 = vector.broadcast %broadcast_in_dim3A_520 : i32 to vector<16xi32>
        %gather3A_522 = tpu.vector_load_idx %arg8[%add3A_300, %broadcast_in_dim3A_521, %select_n3A_273] : memref<2x64x640xf32, #tpu.memory_space<vmem>>[vector<16xi32>, vector<16xi32>, vector<16xi32>], vector<16xf32>,
        %broadcast_in_dim3A_523 = arith.constant 44 : i32
        %broadcast_in_dim3A_524 = vector.broadcast %broadcast_in_dim3A_523 : i32 to vector<16xi32>
        tpu.vector_store_idx %arg9[%add3A_296, %broadcast_in_dim3A_524], %gather3A_522 : memref<256x128xf32, #tpu.memory_space<vmem>>[vector<16xi32>, vector<16xi32>], vector<16xf32>,
        %broadcast_in_dim3A_525 = arith.constant 45 : i32
        %broadcast_in_dim3A_526 = vector.broadcast %broadcast_in_dim3A_525 : i32 to vector<16xi32>
        %gather3A_527 = tpu.vector_load_idx %arg8[%add3A_300, %broadcast_in_dim3A_526, %select_n3A_273] : memref<2x64x640xf32, #tpu.memory_space<vmem>>[vector<16xi32>, vector<16xi32>, vector<16xi32>], vector<16xf32>,
        %broadcast_in_dim3A_528 = arith.constant 45 : i32
        %broadcast_in_dim3A_529 = vector.broadcast %broadcast_in_dim3A_528 : i32 to vector<16xi32>
        tpu.vector_store_idx %arg9[%add3A_296, %broadcast_in_dim3A_529], %gather3A_527 : memref<256x128xf32, #tpu.memory_space<vmem>>[vector<16xi32>, vector<16xi32>], vector<16xf32>,
        %broadcast_in_dim3A_530 = arith.constant 46 : i32
        %broadcast_in_dim3A_531 = vector.broadcast %broadcast_in_dim3A_530 : i32 to vector<16xi32>
        %gather3A_532 = tpu.vector_load_idx %arg8[%add3A_300, %broadcast_in_dim3A_531, %select_n3A_273] : memref<2x64x640xf32, #tpu.memory_space<vmem>>[vector<16xi32>, vector<16xi32>, vector<16xi32>], vector<16xf32>,
        %broadcast_in_dim3A_533 = arith.constant 46 : i32
        %broadcast_in_dim3A_534 = vector.broadcast %broadcast_in_dim3A_533 : i32 to vector<16xi32>
        tpu.vector_store_idx %arg9[%add3A_296, %broadcast_in_dim3A_534], %gather3A_532 : memref<256x128xf32, #tpu.memory_space<vmem>>[vector<16xi32>, vector<16xi32>], vector<16xf32>,
        %broadcast_in_dim3A_535 = arith.constant 47 : i32
        %broadcast_in_dim3A_536 = vector.broadcast %broadcast_in_dim3A_535 : i32 to vector<16xi32>
        %gather3A_537 = tpu.vector_load_idx %arg8[%add3A_300, %broadcast_in_dim3A_536, %select_n3A_273] : memref<2x64x640xf32, #tpu.memory_space<vmem>>[vector<16xi32>, vector<16xi32>, vector<16xi32>], vector<16xf32>,
        %broadcast_in_dim3A_538 = arith.constant 47 : i32
        %broadcast_in_dim3A_539 = vector.broadcast %broadcast_in_dim3A_538 : i32 to vector<16xi32>
        tpu.vector_store_idx %arg9[%add3A_296, %broadcast_in_dim3A_539], %gather3A_537 : memref<256x128xf32, #tpu.memory_space<vmem>>[vector<16xi32>, vector<16xi32>], vector<16xf32>,
        %broadcast_in_dim3A_540 = arith.constant 48 : i32
        %broadcast_in_dim3A_541 = vector.broadcast %broadcast_in_dim3A_540 : i32 to vector<16xi32>
        %gather3A_542 = tpu.vector_load_idx %arg8[%add3A_300, %broadcast_in_dim3A_541, %select_n3A_273] : memref<2x64x640xf32, #tpu.memory_space<vmem>>[vector<16xi32>, vector<16xi32>, vector<16xi32>], vector<16xf32>,
        %broadcast_in_dim3A_543 = arith.constant 48 : i32
        %broadcast_in_dim3A_544 = vector.broadcast %broadcast_in_dim3A_543 : i32 to vector<16xi32>
        tpu.vector_store_idx %arg9[%add3A_296, %broadcast_in_dim3A_544], %gather3A_542 : memref<256x128xf32, #tpu.memory_space<vmem>>[vector<16xi32>, vector<16xi32>], vector<16xf32>,
        %broadcast_in_dim3A_545 = arith.constant 49 : i32
        %broadcast_in_dim3A_546 = vector.broadcast %broadcast_in_dim3A_545 : i32 to vector<16xi32>
        %gather3A_547 = tpu.vector_load_idx %arg8[%add3A_300, %broadcast_in_dim3A_546, %select_n3A_273] : memref<2x64x640xf32, #tpu.memory_space<vmem>>[vector<16xi32>, vector<16xi32>, vector<16xi32>], vector<16xf32>,
        %broadcast_in_dim3A_548 = arith.constant 49 : i32
        %broadcast_in_dim3A_549 = vector.broadcast %broadcast_in_dim3A_548 : i32 to vector<16xi32>
        tpu.vector_store_idx %arg9[%add3A_296, %broadcast_in_dim3A_549], %gather3A_547 : memref<256x128xf32, #tpu.memory_space<vmem>>[vector<16xi32>, vector<16xi32>], vector<16xf32>,
        %broadcast_in_dim3A_550 = arith.constant 50 : i32
        %broadcast_in_dim3A_551 = vector.broadcast %broadcast_in_dim3A_550 : i32 to vector<16xi32>
        %gather3A_552 = tpu.vector_load_idx %arg8[%add3A_300, %broadcast_in_dim3A_551, %select_n3A_273] : memref<2x64x640xf32, #tpu.memory_space<vmem>>[vector<16xi32>, vector<16xi32>, vector<16xi32>], vector<16xf32>,
        %broadcast_in_dim3A_553 = arith.constant 50 : i32
        %broadcast_in_dim3A_554 = vector.broadcast %broadcast_in_dim3A_553 : i32 to vector<16xi32>
        tpu.vector_store_idx %arg9[%add3A_296, %broadcast_in_dim3A_554], %gather3A_552 : memref<256x128xf32, #tpu.memory_space<vmem>>[vector<16xi32>, vector<16xi32>], vector<16xf32>,
        %broadcast_in_dim3A_555 = arith.constant 51 : i32
        %broadcast_in_dim3A_556 = vector.broadcast %broadcast_in_dim3A_555 : i32 to vector<16xi32>
        %gather3A_557 = tpu.vector_load_idx %arg8[%add3A_300, %broadcast_in_dim3A_556, %select_n3A_273] : memref<2x64x640xf32, #tpu.memory_space<vmem>>[vector<16xi32>, vector<16xi32>, vector<16xi32>], vector<16xf32>,
        %broadcast_in_dim3A_558 = arith.constant 51 : i32
        %broadcast_in_dim3A_559 = vector.broadcast %broadcast_in_dim3A_558 : i32 to vector<16xi32>
        tpu.vector_store_idx %arg9[%add3A_296, %broadcast_in_dim3A_559], %gather3A_557 : memref<256x128xf32, #tpu.memory_space<vmem>>[vector<16xi32>, vector<16xi32>], vector<16xf32>,
        %broadcast_in_dim3A_560 = arith.constant 52 : i32
        %broadcast_in_dim3A_561 = vector.broadcast %broadcast_in_dim3A_560 : i32 to vector<16xi32>
        %gather3A_562 = tpu.vector_load_idx %arg8[%add3A_300, %broadcast_in_dim3A_561, %select_n3A_273] : memref<2x64x640xf32, #tpu.memory_space<vmem>>[vector<16xi32>, vector<16xi32>, vector<16xi32>], vector<16xf32>,
        %broadcast_in_dim3A_563 = arith.constant 52 : i32
        %broadcast_in_dim3A_564 = vector.broadcast %broadcast_in_dim3A_563 : i32 to vector<16xi32>
        tpu.vector_store_idx %arg9[%add3A_296, %broadcast_in_dim3A_564], %gather3A_562 : memref<256x128xf32, #tpu.memory_space<vmem>>[vector<16xi32>, vector<16xi32>], vector<16xf32>,
        %broadcast_in_dim3A_565 = arith.constant 53 : i32
        %broadcast_in_dim3A_566 = vector.broadcast %broadcast_in_dim3A_565 : i32 to vector<16xi32>
        %gather3A_567 = tpu.vector_load_idx %arg8[%add3A_300, %broadcast_in_dim3A_566, %select_n3A_273] : memref<2x64x640xf32, #tpu.memory_space<vmem>>[vector<16xi32>, vector<16xi32>, vector<16xi32>], vector<16xf32>,
        %broadcast_in_dim3A_568 = arith.constant 53 : i32
        %broadcast_in_dim3A_569 = vector.broadcast %broadcast_in_dim3A_568 : i32 to vector<16xi32>
        tpu.vector_store_idx %arg9[%add3A_296, %broadcast_in_dim3A_569], %gather3A_567 : memref<256x128xf32, #tpu.memory_space<vmem>>[vector<16xi32>, vector<16xi32>], vector<16xf32>,
        %broadcast_in_dim3A_570 = arith.constant 54 : i32
        %broadcast_in_dim3A_571 = vector.broadcast %broadcast_in_dim3A_570 : i32 to vector<16xi32>
        %gather3A_572 = tpu.vector_load_idx %arg8[%add3A_300, %broadcast_in_dim3A_571, %select_n3A_273] : memref<2x64x640xf32, #tpu.memory_space<vmem>>[vector<16xi32>, vector<16xi32>, vector<16xi32>], vector<16xf32>,
        %broadcast_in_dim3A_573 = arith.constant 54 : i32
        %broadcast_in_dim3A_574 = vector.broadcast %broadcast_in_dim3A_573 : i32 to vector<16xi32>
        tpu.vector_store_idx %arg9[%add3A_296, %broadcast_in_dim3A_574], %gather3A_572 : memref<256x128xf32, #tpu.memory_space<vmem>>[vector<16xi32>, vector<16xi32>], vector<16xf32>,
        %broadcast_in_dim3A_575 = arith.constant 55 : i32
        %broadcast_in_dim3A_576 = vector.broadcast %broadcast_in_dim3A_575 : i32 to vector<16xi32>
        %gather3A_577 = tpu.vector_load_idx %arg8[%add3A_300, %broadcast_in_dim3A_576, %select_n3A_273] : memref<2x64x640xf32, #tpu.memory_space<vmem>>[vector<16xi32>, vector<16xi32>, vector<16xi32>], vector<16xf32>,
        %broadcast_in_dim3A_578 = arith.constant 55 : i32
        %broadcast_in_dim3A_579 = vector.broadcast %broadcast_in_dim3A_578 : i32 to vector<16xi32>
        tpu.vector_store_idx %arg9[%add3A_296, %broadcast_in_dim3A_579], %gather3A_577 : memref<256x128xf32, #tpu.memory_space<vmem>>[vector<16xi32>, vector<16xi32>], vector<16xf32>,
        %broadcast_in_dim3A_580 = arith.constant 56 : i32
        %broadcast_in_dim3A_581 = vector.broadcast %broadcast_in_dim3A_580 : i32 to vector<16xi32>
        %gather3A_582 = tpu.vector_load_idx %arg8[%add3A_300, %broadcast_in_dim3A_581, %select_n3A_273] : memref<2x64x640xf32, #tpu.memory_space<vmem>>[vector<16xi32>, vector<16xi32>, vector<16xi32>], vector<16xf32>,
        %broadcast_in_dim3A_583 = arith.constant 56 : i32
        %broadcast_in_dim3A_584 = vector.broadcast %broadcast_in_dim3A_583 : i32 to vector<16xi32>
        tpu.vector_store_idx %arg9[%add3A_296, %broadcast_in_dim3A_584], %gather3A_582 : memref<256x128xf32, #tpu.memory_space<vmem>>[vector<16xi32>, vector<16xi32>], vector<16xf32>,
        %broadcast_in_dim3A_585 = arith.constant 57 : i32
        %broadcast_in_dim3A_586 = vector.broadcast %broadcast_in_dim3A_585 : i32 to vector<16xi32>
        %gather3A_587 = tpu.vector_load_idx %arg8[%add3A_300, %broadcast_in_dim3A_586, %select_n3A_273] : memref<2x64x640xf32, #tpu.memory_space<vmem>>[vector<16xi32>, vector<16xi32>, vector<16xi32>], vector<16xf32>,
        %broadcast_in_dim3A_588 = arith.constant 57 : i32
        %broadcast_in_dim3A_589 = vector.broadcast %broadcast_in_dim3A_588 : i32 to vector<16xi32>
        tpu.vector_store_idx %arg9[%add3A_296, %broadcast_in_dim3A_589], %gather3A_587 : memref<256x128xf32, #tpu.memory_space<vmem>>[vector<16xi32>, vector<16xi32>], vector<16xf32>,
        %broadcast_in_dim3A_590 = arith.constant 58 : i32
        %broadcast_in_dim3A_591 = vector.broadcast %broadcast_in_dim3A_590 : i32 to vector<16xi32>
        %gather3A_592 = tpu.vector_load_idx %arg8[%add3A_300, %broadcast_in_dim3A_591, %select_n3A_273] : memref<2x64x640xf32, #tpu.memory_space<vmem>>[vector<16xi32>, vector<16xi32>, vector<16xi32>], vector<16xf32>,
        %broadcast_in_dim3A_593 = arith.constant 58 : i32
        %broadcast_in_dim3A_594 = vector.broadcast %broadcast_in_dim3A_593 : i32 to vector<16xi32>
        tpu.vector_store_idx %arg9[%add3A_296, %broadcast_in_dim3A_594], %gather3A_592 : memref<256x128xf32, #tpu.memory_space<vmem>>[vector<16xi32>, vector<16xi32>], vector<16xf32>,
        %broadcast_in_dim3A_595 = arith.constant 59 : i32
        %broadcast_in_dim3A_596 = vector.broadcast %broadcast_in_dim3A_595 : i32 to vector<16xi32>
        %gather3A_597 = tpu.vector_load_idx %arg8[%add3A_300, %broadcast_in_dim3A_596, %select_n3A_273] : memref<2x64x640xf32, #tpu.memory_space<vmem>>[vector<16xi32>, vector<16xi32>, vector<16xi32>], vector<16xf32>,
        %broadcast_in_dim3A_598 = arith.constant 59 : i32
        %broadcast_in_dim3A_599 = vector.broadcast %broadcast_in_dim3A_598 : i32 to vector<16xi32>
        tpu.vector_store_idx %arg9[%add3A_296, %broadcast_in_dim3A_599], %gather3A_597 : memref<256x128xf32, #tpu.memory_space<vmem>>[vector<16xi32>, vector<16xi32>], vector<16xf32>,
        %broadcast_in_dim3A_600 = arith.constant 60 : i32
        %broadcast_in_dim3A_601 = vector.broadcast %broadcast_in_dim3A_600 : i32 to vector<16xi32>
        %gather3A_602 = tpu.vector_load_idx %arg8[%add3A_300, %broadcast_in_dim3A_601, %select_n3A_273] : memref<2x64x640xf32, #tpu.memory_space<vmem>>[vector<16xi32>, vector<16xi32>, vector<16xi32>], vector<16xf32>,
        %broadcast_in_dim3A_603 = arith.constant 60 : i32
        %broadcast_in_dim3A_604 = vector.broadcast %broadcast_in_dim3A_603 : i32 to vector<16xi32>
        tpu.vector_store_idx %arg9[%add3A_296, %broadcast_in_dim3A_604], %gather3A_602 : memref<256x128xf32, #tpu.memory_space<vmem>>[vector<16xi32>, vector<16xi32>], vector<16xf32>,
        %broadcast_in_dim3A_605 = arith.constant 61 : i32
        %broadcast_in_dim3A_606 = vector.broadcast %broadcast_in_dim3A_605 : i32 to vector<16xi32>
        %gather3A_607 = tpu.vector_load_idx %arg8[%add3A_300, %broadcast_in_dim3A_606, %select_n3A_273] : memref<2x64x640xf32, #tpu.memory_space<vmem>>[vector<16xi32>, vector<16xi32>, vector<16xi32>], vector<16xf32>,
        %broadcast_in_dim3A_608 = arith.constant 61 : i32
        %broadcast_in_dim3A_609 = vector.broadcast %broadcast_in_dim3A_608 : i32 to vector<16xi32>
        tpu.vector_store_idx %arg9[%add3A_296, %broadcast_in_dim3A_609], %gather3A_607 : memref<256x128xf32, #tpu.memory_space<vmem>>[vector<16xi32>, vector<16xi32>], vector<16xf32>,
        %broadcast_in_dim3A_610 = arith.constant 62 : i32
        %broadcast_in_dim3A_611 = vector.broadcast %broadcast_in_dim3A_610 : i32 to vector<16xi32>
        %gather3A_612 = tpu.vector_load_idx %arg8[%add3A_300, %broadcast_in_dim3A_611, %select_n3A_273] : memref<2x64x640xf32, #tpu.memory_space<vmem>>[vector<16xi32>, vector<16xi32>, vector<16xi32>], vector<16xf32>,
        %broadcast_in_dim3A_613 = arith.constant 62 : i32
        %broadcast_in_dim3A_614 = vector.broadcast %broadcast_in_dim3A_613 : i32 to vector<16xi32>
        tpu.vector_store_idx %arg9[%add3A_296, %broadcast_in_dim3A_614], %gather3A_612 : memref<256x128xf32, #tpu.memory_space<vmem>>[vector<16xi32>, vector<16xi32>], vector<16xf32>,
        %broadcast_in_dim3A_615 = arith.constant 63 : i32
        %broadcast_in_dim3A_616 = vector.broadcast %broadcast_in_dim3A_615 : i32 to vector<16xi32>
        %gather3A_617 = tpu.vector_load_idx %arg8[%add3A_300, %broadcast_in_dim3A_616, %select_n3A_273] : memref<2x64x640xf32, #tpu.memory_space<vmem>>[vector<16xi32>, vector<16xi32>, vector<16xi32>], vector<16xf32>,
        %broadcast_in_dim3A_618 = arith.constant 63 : i32
        %broadcast_in_dim3A_619 = vector.broadcast %broadcast_in_dim3A_618 : i32 to vector<16xi32>
        tpu.vector_store_idx %arg9[%add3A_296, %broadcast_in_dim3A_619], %gather3A_617 : memref<256x128xf32, #tpu.memory_space<vmem>>[vector<16xi32>, vector<16xi32>], vector<16xf32>,
        %add3A_620 = arith.constant 0 : i32
        %add3A_621 = arith.addi %mul3A_284, %add3A_620 : i32
        %slice3A = vector.extract_strided_slice %select_n3A_280 {offsets = [0], sizes = [1], strides = [1]} : vector<16xi32> to vector<1xi32>
        %squeeze3A = vector.extract %slice3A[0] : i32 from vector<1xi32>
        %dma_start3A_622 = arith.constant 0 : i32
        %dma_start3A_623 = tpu.memref_slice %arg9[%add3A_621, %dma_start3A_622] : memref<256x128xf32, #tpu.memory_space<vmem>> -> memref<1x64xf32, #tpu.memory_space<vmem>>
        %dma_start3A_624 = tpu.memref_squeeze %dma_start3A_623 : memref<1x64xf32, #tpu.memory_space<vmem>> -> memref<64xf32, #tpu.memory_space<vmem>>
        %dma_start3A_625 = arith.constant 0 : i32
        %dma_start3A_626 = tpu.memref_slice %arg4[%squeeze3A, %dma_start3A_625] : memref<4112x64xf32, #tpu.memory_space<hbm>> -> memref<1x64xf32, #tpu.memory_space<hbm>>
        %dma_start3A_627 = tpu.memref_squeeze %dma_start3A_626 : memref<1x64xf32, #tpu.memory_space<hbm>> -> memref<64xf32, #tpu.memory_space<hbm>>
        %dma_start3A_628 = arith.constant 0 : i32
        %dma_start3A_629 = tpu.memref_slice %arg4[%squeeze3A, %dma_start3A_628] : memref<4112x64xf32, #tpu.memory_space<hbm>> -> memref<1x64xf32, #tpu.memory_space<hbm>>
        %dma_start3A_630 = tpu.memref_squeeze %dma_start3A_629 : memref<1x64xf32, #tpu.memory_space<hbm>> -> memref<64xf32, #tpu.memory_space<hbm>>
        %dma_start3A_631 = arith.constant 0 : i32
        %dma_start3A_632 = tpu.memref_slice %arg9[%add3A_621, %dma_start3A_631] : memref<256x128xf32, #tpu.memory_space<vmem>> -> memref<1x64xf32, #tpu.memory_space<vmem>>
        %dma_start3A_633 = tpu.memref_squeeze %dma_start3A_632 : memref<1x64xf32, #tpu.memory_space<vmem>> -> memref<64xf32, #tpu.memory_space<vmem>>
        tpu.enqueue_dma source(%dma_start3A_633 : memref<64xf32, #tpu.memory_space<vmem>>) target(%dma_start3A_630 : memref<64xf32, #tpu.memory_space<hbm>>) target_semaphore(%arg12 : memref<!tpu.dma_semaphore, #tpu.memory_space<semaphore_mem>>)
        %add3A_634 = arith.constant 1 : i32
        %add3A_635 = arith.addi %mul3A_284, %add3A_634 : i32
        %slice3A_636 = vector.extract_strided_slice %select_n3A_280 {offsets = [1], sizes = [1], strides = [1]} : vector<16xi32> to vector<1xi32>
        %squeeze3A_637 = vector.extract %slice3A_636[0] : i32 from vector<1xi32>
        %dma_start3A_638 = arith.constant 0 : i32
        %dma_start3A_639 = tpu.memref_slice %arg9[%add3A_635, %dma_start3A_638] : memref<256x128xf32, #tpu.memory_space<vmem>> -> memref<1x64xf32, #tpu.memory_space<vmem>>
        %dma_start3A_640 = tpu.memref_squeeze %dma_start3A_639 : memref<1x64xf32, #tpu.memory_space<vmem>> -> memref<64xf32, #tpu.memory_space<vmem>>
        %dma_start3A_641 = arith.constant 0 : i32
        %dma_start3A_642 = tpu.memref_slice %arg4[%squeeze3A_637, %dma_start3A_641] : memref<4112x64xf32, #tpu.memory_space<hbm>> -> memref<1x64xf32, #tpu.memory_space<hbm>>
        %dma_start3A_643 = tpu.memref_squeeze %dma_start3A_642 : memref<1x64xf32, #tpu.memory_space<hbm>> -> memref<64xf32, #tpu.memory_space<hbm>>
        %dma_start3A_644 = arith.constant 0 : i32
        %dma_start3A_645 = tpu.memref_slice %arg4[%squeeze3A_637, %dma_start3A_644] : memref<4112x64xf32, #tpu.memory_space<hbm>> -> memref<1x64xf32, #tpu.memory_space<hbm>>
        %dma_start3A_646 = tpu.memref_squeeze %dma_start3A_645 : memref<1x64xf32, #tpu.memory_space<hbm>> -> memref<64xf32, #tpu.memory_space<hbm>>
        %dma_start3A_647 = arith.constant 0 : i32
        %dma_start3A_648 = tpu.memref_slice %arg9[%add3A_635, %dma_start3A_647] : memref<256x128xf32, #tpu.memory_space<vmem>> -> memref<1x64xf32, #tpu.memory_space<vmem>>
        %dma_start3A_649 = tpu.memref_squeeze %dma_start3A_648 : memref<1x64xf32, #tpu.memory_space<vmem>> -> memref<64xf32, #tpu.memory_space<vmem>>
        tpu.enqueue_dma source(%dma_start3A_649 : memref<64xf32, #tpu.memory_space<vmem>>) target(%dma_start3A_646 : memref<64xf32, #tpu.memory_space<hbm>>) target_semaphore(%arg12 : memref<!tpu.dma_semaphore, #tpu.memory_space<semaphore_mem>>)
        %add3A_650 = arith.constant 2 : i32
        %add3A_651 = arith.addi %mul3A_284, %add3A_650 : i32
        %slice3A_652 = vector.extract_strided_slice %select_n3A_280 {offsets = [2], sizes = [1], strides = [1]} : vector<16xi32> to vector<1xi32>
        %squeeze3A_653 = vector.extract %slice3A_652[0] : i32 from vector<1xi32>
        %dma_start3A_654 = arith.constant 0 : i32
        %dma_start3A_655 = tpu.memref_slice %arg9[%add3A_651, %dma_start3A_654] : memref<256x128xf32, #tpu.memory_space<vmem>> -> memref<1x64xf32, #tpu.memory_space<vmem>>
        %dma_start3A_656 = tpu.memref_squeeze %dma_start3A_655 : memref<1x64xf32, #tpu.memory_space<vmem>> -> memref<64xf32, #tpu.memory_space<vmem>>
        %dma_start3A_657 = arith.constant 0 : i32
        %dma_start3A_658 = tpu.memref_slice %arg4[%squeeze3A_653, %dma_start3A_657] : memref<4112x64xf32, #tpu.memory_space<hbm>> -> memref<1x64xf32, #tpu.memory_space<hbm>>
        %dma_start3A_659 = tpu.memref_squeeze %dma_start3A_658 : memref<1x64xf32, #tpu.memory_space<hbm>> -> memref<64xf32, #tpu.memory_space<hbm>>
        %dma_start3A_660 = arith.constant 0 : i32
        %dma_start3A_661 = tpu.memref_slice %arg4[%squeeze3A_653, %dma_start3A_660] : memref<4112x64xf32, #tpu.memory_space<hbm>> -> memref<1x64xf32, #tpu.memory_space<hbm>>
        %dma_start3A_662 = tpu.memref_squeeze %dma_start3A_661 : memref<1x64xf32, #tpu.memory_space<hbm>> -> memref<64xf32, #tpu.memory_space<hbm>>
        %dma_start3A_663 = arith.constant 0 : i32
        %dma_start3A_664 = tpu.memref_slice %arg9[%add3A_651, %dma_start3A_663] : memref<256x128xf32, #tpu.memory_space<vmem>> -> memref<1x64xf32, #tpu.memory_space<vmem>>
        %dma_start3A_665 = tpu.memref_squeeze %dma_start3A_664 : memref<1x64xf32, #tpu.memory_space<vmem>> -> memref<64xf32, #tpu.memory_space<vmem>>
        tpu.enqueue_dma source(%dma_start3A_665 : memref<64xf32, #tpu.memory_space<vmem>>) target(%dma_start3A_662 : memref<64xf32, #tpu.memory_space<hbm>>) target_semaphore(%arg12 : memref<!tpu.dma_semaphore, #tpu.memory_space<semaphore_mem>>)
        %add3A_666 = arith.constant 3 : i32
        %add3A_667 = arith.addi %mul3A_284, %add3A_666 : i32
        %slice3A_668 = vector.extract_strided_slice %select_n3A_280 {offsets = [3], sizes = [1], strides = [1]} : vector<16xi32> to vector<1xi32>
        %squeeze3A_669 = vector.extract %slice3A_668[0] : i32 from vector<1xi32>
        %dma_start3A_670 = arith.constant 0 : i32
        %dma_start3A_671 = tpu.memref_slice %arg9[%add3A_667, %dma_start3A_670] : memref<256x128xf32, #tpu.memory_space<vmem>> -> memref<1x64xf32, #tpu.memory_space<vmem>>
        %dma_start3A_672 = tpu.memref_squeeze %dma_start3A_671 : memref<1x64xf32, #tpu.memory_space<vmem>> -> memref<64xf32, #tpu.memory_space<vmem>>
        %dma_start3A_673 = arith.constant 0 : i32
        %dma_start3A_674 = tpu.memref_slice %arg4[%squeeze3A_669, %dma_start3A_673] : memref<4112x64xf32, #tpu.memory_space<hbm>> -> memref<1x64xf32, #tpu.memory_space<hbm>>
        %dma_start3A_675 = tpu.memref_squeeze %dma_start3A_674 : memref<1x64xf32, #tpu.memory_space<hbm>> -> memref<64xf32, #tpu.memory_space<hbm>>
        %dma_start3A_676 = arith.constant 0 : i32
        %dma_start3A_677 = tpu.memref_slice %arg4[%squeeze3A_669, %dma_start3A_676] : memref<4112x64xf32, #tpu.memory_space<hbm>> -> memref<1x64xf32, #tpu.memory_space<hbm>>
        %dma_start3A_678 = tpu.memref_squeeze %dma_start3A_677 : memref<1x64xf32, #tpu.memory_space<hbm>> -> memref<64xf32, #tpu.memory_space<hbm>>
        %dma_start3A_679 = arith.constant 0 : i32
        %dma_start3A_680 = tpu.memref_slice %arg9[%add3A_667, %dma_start3A_679] : memref<256x128xf32, #tpu.memory_space<vmem>> -> memref<1x64xf32, #tpu.memory_space<vmem>>
        %dma_start3A_681 = tpu.memref_squeeze %dma_start3A_680 : memref<1x64xf32, #tpu.memory_space<vmem>> -> memref<64xf32, #tpu.memory_space<vmem>>
        tpu.enqueue_dma source(%dma_start3A_681 : memref<64xf32, #tpu.memory_space<vmem>>) target(%dma_start3A_678 : memref<64xf32, #tpu.memory_space<hbm>>) target_semaphore(%arg12 : memref<!tpu.dma_semaphore, #tpu.memory_space<semaphore_mem>>)
        %add3A_682 = arith.constant 4 : i32
        %add3A_683 = arith.addi %mul3A_284, %add3A_682 : i32
        %slice3A_684 = vector.extract_strided_slice %select_n3A_280 {offsets = [4], sizes = [1], strides = [1]} : vector<16xi32> to vector<1xi32>
        %squeeze3A_685 = vector.extract %slice3A_684[0] : i32 from vector<1xi32>
        %dma_start3A_686 = arith.constant 0 : i32
        %dma_start3A_687 = tpu.memref_slice %arg9[%add3A_683, %dma_start3A_686] : memref<256x128xf32, #tpu.memory_space<vmem>> -> memref<1x64xf32, #tpu.memory_space<vmem>>
        %dma_start3A_688 = tpu.memref_squeeze %dma_start3A_687 : memref<1x64xf32, #tpu.memory_space<vmem>> -> memref<64xf32, #tpu.memory_space<vmem>>
        %dma_start3A_689 = arith.constant 0 : i32
        %dma_start3A_690 = tpu.memref_slice %arg4[%squeeze3A_685, %dma_start3A_689] : memref<4112x64xf32, #tpu.memory_space<hbm>> -> memref<1x64xf32, #tpu.memory_space<hbm>>
        %dma_start3A_691 = tpu.memref_squeeze %dma_start3A_690 : memref<1x64xf32, #tpu.memory_space<hbm>> -> memref<64xf32, #tpu.memory_space<hbm>>
        %dma_start3A_692 = arith.constant 0 : i32
        %dma_start3A_693 = tpu.memref_slice %arg4[%squeeze3A_685, %dma_start3A_692] : memref<4112x64xf32, #tpu.memory_space<hbm>> -> memref<1x64xf32, #tpu.memory_space<hbm>>
        %dma_start3A_694 = tpu.memref_squeeze %dma_start3A_693 : memref<1x64xf32, #tpu.memory_space<hbm>> -> memref<64xf32, #tpu.memory_space<hbm>>
        %dma_start3A_695 = arith.constant 0 : i32
        %dma_start3A_696 = tpu.memref_slice %arg9[%add3A_683, %dma_start3A_695] : memref<256x128xf32, #tpu.memory_space<vmem>> -> memref<1x64xf32, #tpu.memory_space<vmem>>
        %dma_start3A_697 = tpu.memref_squeeze %dma_start3A_696 : memref<1x64xf32, #tpu.memory_space<vmem>> -> memref<64xf32, #tpu.memory_space<vmem>>
        tpu.enqueue_dma source(%dma_start3A_697 : memref<64xf32, #tpu.memory_space<vmem>>) target(%dma_start3A_694 : memref<64xf32, #tpu.memory_space<hbm>>) target_semaphore(%arg12 : memref<!tpu.dma_semaphore, #tpu.memory_space<semaphore_mem>>)
        %add3A_698 = arith.constant 5 : i32
        %add3A_699 = arith.addi %mul3A_284, %add3A_698 : i32
        %slice3A_700 = vector.extract_strided_slice %select_n3A_280 {offsets = [5], sizes = [1], strides = [1]} : vector<16xi32> to vector<1xi32>
        %squeeze3A_701 = vector.extract %slice3A_700[0] : i32 from vector<1xi32>
        %dma_start3A_702 = arith.constant 0 : i32
        %dma_start3A_703 = tpu.memref_slice %arg9[%add3A_699, %dma_start3A_702] : memref<256x128xf32, #tpu.memory_space<vmem>> -> memref<1x64xf32, #tpu.memory_space<vmem>>
        %dma_start3A_704 = tpu.memref_squeeze %dma_start3A_703 : memref<1x64xf32, #tpu.memory_space<vmem>> -> memref<64xf32, #tpu.memory_space<vmem>>
        %dma_start3A_705 = arith.constant 0 : i32
        %dma_start3A_706 = tpu.memref_slice %arg4[%squeeze3A_701, %dma_start3A_705] : memref<4112x64xf32, #tpu.memory_space<hbm>> -> memref<1x64xf32, #tpu.memory_space<hbm>>
        %dma_start3A_707 = tpu.memref_squeeze %dma_start3A_706 : memref<1x64xf32, #tpu.memory_space<hbm>> -> memref<64xf32, #tpu.memory_space<hbm>>
        %dma_start3A_708 = arith.constant 0 : i32
        %dma_start3A_709 = tpu.memref_slice %arg4[%squeeze3A_701, %dma_start3A_708] : memref<4112x64xf32, #tpu.memory_space<hbm>> -> memref<1x64xf32, #tpu.memory_space<hbm>>
        %dma_start3A_710 = tpu.memref_squeeze %dma_start3A_709 : memref<1x64xf32, #tpu.memory_space<hbm>> -> memref<64xf32, #tpu.memory_space<hbm>>
        %dma_start3A_711 = arith.constant 0 : i32
        %dma_start3A_712 = tpu.memref_slice %arg9[%add3A_699, %dma_start3A_711] : memref<256x128xf32, #tpu.memory_space<vmem>> -> memref<1x64xf32, #tpu.memory_space<vmem>>
        %dma_start3A_713 = tpu.memref_squeeze %dma_start3A_712 : memref<1x64xf32, #tpu.memory_space<vmem>> -> memref<64xf32, #tpu.memory_space<vmem>>
        tpu.enqueue_dma source(%dma_start3A_713 : memref<64xf32, #tpu.memory_space<vmem>>) target(%dma_start3A_710 : memref<64xf32, #tpu.memory_space<hbm>>) target_semaphore(%arg12 : memref<!tpu.dma_semaphore, #tpu.memory_space<semaphore_mem>>)
        %add3A_714 = arith.constant 6 : i32
        %add3A_715 = arith.addi %mul3A_284, %add3A_714 : i32
        %slice3A_716 = vector.extract_strided_slice %select_n3A_280 {offsets = [6], sizes = [1], strides = [1]} : vector<16xi32> to vector<1xi32>
        %squeeze3A_717 = vector.extract %slice3A_716[0] : i32 from vector<1xi32>
        %dma_start3A_718 = arith.constant 0 : i32
        %dma_start3A_719 = tpu.memref_slice %arg9[%add3A_715, %dma_start3A_718] : memref<256x128xf32, #tpu.memory_space<vmem>> -> memref<1x64xf32, #tpu.memory_space<vmem>>
        %dma_start3A_720 = tpu.memref_squeeze %dma_start3A_719 : memref<1x64xf32, #tpu.memory_space<vmem>> -> memref<64xf32, #tpu.memory_space<vmem>>
        %dma_start3A_721 = arith.constant 0 : i32
        %dma_start3A_722 = tpu.memref_slice %arg4[%squeeze3A_717, %dma_start3A_721] : memref<4112x64xf32, #tpu.memory_space<hbm>> -> memref<1x64xf32, #tpu.memory_space<hbm>>
        %dma_start3A_723 = tpu.memref_squeeze %dma_start3A_722 : memref<1x64xf32, #tpu.memory_space<hbm>> -> memref<64xf32, #tpu.memory_space<hbm>>
        %dma_start3A_724 = arith.constant 0 : i32
        %dma_start3A_725 = tpu.memref_slice %arg4[%squeeze3A_717, %dma_start3A_724] : memref<4112x64xf32, #tpu.memory_space<hbm>> -> memref<1x64xf32, #tpu.memory_space<hbm>>
        %dma_start3A_726 = tpu.memref_squeeze %dma_start3A_725 : memref<1x64xf32, #tpu.memory_space<hbm>> -> memref<64xf32, #tpu.memory_space<hbm>>
        %dma_start3A_727 = arith.constant 0 : i32
        %dma_start3A_728 = tpu.memref_slice %arg9[%add3A_715, %dma_start3A_727] : memref<256x128xf32, #tpu.memory_space<vmem>> -> memref<1x64xf32, #tpu.memory_space<vmem>>
        %dma_start3A_729 = tpu.memref_squeeze %dma_start3A_728 : memref<1x64xf32, #tpu.memory_space<vmem>> -> memref<64xf32, #tpu.memory_space<vmem>>
        tpu.enqueue_dma source(%dma_start3A_729 : memref<64xf32, #tpu.memory_space<vmem>>) target(%dma_start3A_726 : memref<64xf32, #tpu.memory_space<hbm>>) target_semaphore(%arg12 : memref<!tpu.dma_semaphore, #tpu.memory_space<semaphore_mem>>)
        %add3A_730 = arith.constant 7 : i32
        %add3A_731 = arith.addi %mul3A_284, %add3A_730 : i32
        %slice3A_732 = vector.extract_strided_slice %select_n3A_280 {offsets = [7], sizes = [1], strides = [1]} : vector<16xi32> to vector<1xi32>
        %squeeze3A_733 = vector.extract %slice3A_732[0] : i32 from vector<1xi32>
        %dma_start3A_734 = arith.constant 0 : i32
        %dma_start3A_735 = tpu.memref_slice %arg9[%add3A_731, %dma_start3A_734] : memref<256x128xf32, #tpu.memory_space<vmem>> -> memref<1x64xf32, #tpu.memory_space<vmem>>
        %dma_start3A_736 = tpu.memref_squeeze %dma_start3A_735 : memref<1x64xf32, #tpu.memory_space<vmem>> -> memref<64xf32, #tpu.memory_space<vmem>>
        %dma_start3A_737 = arith.constant 0 : i32
        %dma_start3A_738 = tpu.memref_slice %arg4[%squeeze3A_733, %dma_start3A_737] : memref<4112x64xf32, #tpu.memory_space<hbm>> -> memref<1x64xf32, #tpu.memory_space<hbm>>
        %dma_start3A_739 = tpu.memref_squeeze %dma_start3A_738 : memref<1x64xf32, #tpu.memory_space<hbm>> -> memref<64xf32, #tpu.memory_space<hbm>>
        %dma_start3A_740 = arith.constant 0 : i32
        %dma_start3A_741 = tpu.memref_slice %arg4[%squeeze3A_733, %dma_start3A_740] : memref<4112x64xf32, #tpu.memory_space<hbm>> -> memref<1x64xf32, #tpu.memory_space<hbm>>
        %dma_start3A_742 = tpu.memref_squeeze %dma_start3A_741 : memref<1x64xf32, #tpu.memory_space<hbm>> -> memref<64xf32, #tpu.memory_space<hbm>>
        %dma_start3A_743 = arith.constant 0 : i32
        %dma_start3A_744 = tpu.memref_slice %arg9[%add3A_731, %dma_start3A_743] : memref<256x128xf32, #tpu.memory_space<vmem>> -> memref<1x64xf32, #tpu.memory_space<vmem>>
        %dma_start3A_745 = tpu.memref_squeeze %dma_start3A_744 : memref<1x64xf32, #tpu.memory_space<vmem>> -> memref<64xf32, #tpu.memory_space<vmem>>
        tpu.enqueue_dma source(%dma_start3A_745 : memref<64xf32, #tpu.memory_space<vmem>>) target(%dma_start3A_742 : memref<64xf32, #tpu.memory_space<hbm>>) target_semaphore(%arg12 : memref<!tpu.dma_semaphore, #tpu.memory_space<semaphore_mem>>)
        %add3A_746 = arith.constant 8 : i32
        %add3A_747 = arith.addi %mul3A_284, %add3A_746 : i32
        %slice3A_748 = vector.extract_strided_slice %select_n3A_280 {offsets = [8], sizes = [1], strides = [1]} : vector<16xi32> to vector<1xi32>
        %squeeze3A_749 = vector.extract %slice3A_748[0] : i32 from vector<1xi32>
        %dma_start3A_750 = arith.constant 0 : i32
        %dma_start3A_751 = tpu.memref_slice %arg9[%add3A_747, %dma_start3A_750] : memref<256x128xf32, #tpu.memory_space<vmem>> -> memref<1x64xf32, #tpu.memory_space<vmem>>
        %dma_start3A_752 = tpu.memref_squeeze %dma_start3A_751 : memref<1x64xf32, #tpu.memory_space<vmem>> -> memref<64xf32, #tpu.memory_space<vmem>>
        %dma_start3A_753 = arith.constant 0 : i32
        %dma_start3A_754 = tpu.memref_slice %arg4[%squeeze3A_749, %dma_start3A_753] : memref<4112x64xf32, #tpu.memory_space<hbm>> -> memref<1x64xf32, #tpu.memory_space<hbm>>
        %dma_start3A_755 = tpu.memref_squeeze %dma_start3A_754 : memref<1x64xf32, #tpu.memory_space<hbm>> -> memref<64xf32, #tpu.memory_space<hbm>>
        %dma_start3A_756 = arith.constant 0 : i32
        %dma_start3A_757 = tpu.memref_slice %arg4[%squeeze3A_749, %dma_start3A_756] : memref<4112x64xf32, #tpu.memory_space<hbm>> -> memref<1x64xf32, #tpu.memory_space<hbm>>
        %dma_start3A_758 = tpu.memref_squeeze %dma_start3A_757 : memref<1x64xf32, #tpu.memory_space<hbm>> -> memref<64xf32, #tpu.memory_space<hbm>>
        %dma_start3A_759 = arith.constant 0 : i32
        %dma_start3A_760 = tpu.memref_slice %arg9[%add3A_747, %dma_start3A_759] : memref<256x128xf32, #tpu.memory_space<vmem>> -> memref<1x64xf32, #tpu.memory_space<vmem>>
        %dma_start3A_761 = tpu.memref_squeeze %dma_start3A_760 : memref<1x64xf32, #tpu.memory_space<vmem>> -> memref<64xf32, #tpu.memory_space<vmem>>
        tpu.enqueue_dma source(%dma_start3A_761 : memref<64xf32, #tpu.memory_space<vmem>>) target(%dma_start3A_758 : memref<64xf32, #tpu.memory_space<hbm>>) target_semaphore(%arg12 : memref<!tpu.dma_semaphore, #tpu.memory_space<semaphore_mem>>)
        %add3A_762 = arith.constant 9 : i32
        %add3A_763 = arith.addi %mul3A_284, %add3A_762 : i32
        %slice3A_764 = vector.extract_strided_slice %select_n3A_280 {offsets = [9], sizes = [1], strides = [1]} : vector<16xi32> to vector<1xi32>
        %squeeze3A_765 = vector.extract %slice3A_764[0] : i32 from vector<1xi32>
        %dma_start3A_766 = arith.constant 0 : i32
        %dma_start3A_767 = tpu.memref_slice %arg9[%add3A_763, %dma_start3A_766] : memref<256x128xf32, #tpu.memory_space<vmem>> -> memref<1x64xf32, #tpu.memory_space<vmem>>
        %dma_start3A_768 = tpu.memref_squeeze %dma_start3A_767 : memref<1x64xf32, #tpu.memory_space<vmem>> -> memref<64xf32, #tpu.memory_space<vmem>>
        %dma_start3A_769 = arith.constant 0 : i32
        %dma_start3A_770 = tpu.memref_slice %arg4[%squeeze3A_765, %dma_start3A_769] : memref<4112x64xf32, #tpu.memory_space<hbm>> -> memref<1x64xf32, #tpu.memory_space<hbm>>
        %dma_start3A_771 = tpu.memref_squeeze %dma_start3A_770 : memref<1x64xf32, #tpu.memory_space<hbm>> -> memref<64xf32, #tpu.memory_space<hbm>>
        %dma_start3A_772 = arith.constant 0 : i32
        %dma_start3A_773 = tpu.memref_slice %arg4[%squeeze3A_765, %dma_start3A_772] : memref<4112x64xf32, #tpu.memory_space<hbm>> -> memref<1x64xf32, #tpu.memory_space<hbm>>
        %dma_start3A_774 = tpu.memref_squeeze %dma_start3A_773 : memref<1x64xf32, #tpu.memory_space<hbm>> -> memref<64xf32, #tpu.memory_space<hbm>>
        %dma_start3A_775 = arith.constant 0 : i32
        %dma_start3A_776 = tpu.memref_slice %arg9[%add3A_763, %dma_start3A_775] : memref<256x128xf32, #tpu.memory_space<vmem>> -> memref<1x64xf32, #tpu.memory_space<vmem>>
        %dma_start3A_777 = tpu.memref_squeeze %dma_start3A_776 : memref<1x64xf32, #tpu.memory_space<vmem>> -> memref<64xf32, #tpu.memory_space<vmem>>
        tpu.enqueue_dma source(%dma_start3A_777 : memref<64xf32, #tpu.memory_space<vmem>>) target(%dma_start3A_774 : memref<64xf32, #tpu.memory_space<hbm>>) target_semaphore(%arg12 : memref<!tpu.dma_semaphore, #tpu.memory_space<semaphore_mem>>)
        %add3A_778 = arith.constant 10 : i32
        %add3A_779 = arith.addi %mul3A_284, %add3A_778 : i32
        %slice3A_780 = vector.extract_strided_slice %select_n3A_280 {offsets = [10], sizes = [1], strides = [1]} : vector<16xi32> to vector<1xi32>
        %squeeze3A_781 = vector.extract %slice3A_780[0] : i32 from vector<1xi32>
        %dma_start3A_782 = arith.constant 0 : i32
        %dma_start3A_783 = tpu.memref_slice %arg9[%add3A_779, %dma_start3A_782] : memref<256x128xf32, #tpu.memory_space<vmem>> -> memref<1x64xf32, #tpu.memory_space<vmem>>
        %dma_start3A_784 = tpu.memref_squeeze %dma_start3A_783 : memref<1x64xf32, #tpu.memory_space<vmem>> -> memref<64xf32, #tpu.memory_space<vmem>>
        %dma_start3A_785 = arith.constant 0 : i32
        %dma_start3A_786 = tpu.memref_slice %arg4[%squeeze3A_781, %dma_start3A_785] : memref<4112x64xf32, #tpu.memory_space<hbm>> -> memref<1x64xf32, #tpu.memory_space<hbm>>
        %dma_start3A_787 = tpu.memref_squeeze %dma_start3A_786 : memref<1x64xf32, #tpu.memory_space<hbm>> -> memref<64xf32, #tpu.memory_space<hbm>>
        %dma_start3A_788 = arith.constant 0 : i32
        %dma_start3A_789 = tpu.memref_slice %arg4[%squeeze3A_781, %dma_start3A_788] : memref<4112x64xf32, #tpu.memory_space<hbm>> -> memref<1x64xf32, #tpu.memory_space<hbm>>
        %dma_start3A_790 = tpu.memref_squeeze %dma_start3A_789 : memref<1x64xf32, #tpu.memory_space<hbm>> -> memref<64xf32, #tpu.memory_space<hbm>>
        %dma_start3A_791 = arith.constant 0 : i32
        %dma_start3A_792 = tpu.memref_slice %arg9[%add3A_779, %dma_start3A_791] : memref<256x128xf32, #tpu.memory_space<vmem>> -> memref<1x64xf32, #tpu.memory_space<vmem>>
        %dma_start3A_793 = tpu.memref_squeeze %dma_start3A_792 : memref<1x64xf32, #tpu.memory_space<vmem>> -> memref<64xf32, #tpu.memory_space<vmem>>
        tpu.enqueue_dma source(%dma_start3A_793 : memref<64xf32, #tpu.memory_space<vmem>>) target(%dma_start3A_790 : memref<64xf32, #tpu.memory_space<hbm>>) target_semaphore(%arg12 : memref<!tpu.dma_semaphore, #tpu.memory_space<semaphore_mem>>)
        %add3A_794 = arith.constant 11 : i32
        %add3A_795 = arith.addi %mul3A_284, %add3A_794 : i32
        %slice3A_796 = vector.extract_strided_slice %select_n3A_280 {offsets = [11], sizes = [1], strides = [1]} : vector<16xi32> to vector<1xi32>
        %squeeze3A_797 = vector.extract %slice3A_796[0] : i32 from vector<1xi32>
        %dma_start3A_798 = arith.constant 0 : i32
        %dma_start3A_799 = tpu.memref_slice %arg9[%add3A_795, %dma_start3A_798] : memref<256x128xf32, #tpu.memory_space<vmem>> -> memref<1x64xf32, #tpu.memory_space<vmem>>
        %dma_start3A_800 = tpu.memref_squeeze %dma_start3A_799 : memref<1x64xf32, #tpu.memory_space<vmem>> -> memref<64xf32, #tpu.memory_space<vmem>>
        %dma_start3A_801 = arith.constant 0 : i32
        %dma_start3A_802 = tpu.memref_slice %arg4[%squeeze3A_797, %dma_start3A_801] : memref<4112x64xf32, #tpu.memory_space<hbm>> -> memref<1x64xf32, #tpu.memory_space<hbm>>
        %dma_start3A_803 = tpu.memref_squeeze %dma_start3A_802 : memref<1x64xf32, #tpu.memory_space<hbm>> -> memref<64xf32, #tpu.memory_space<hbm>>
        %dma_start3A_804 = arith.constant 0 : i32
        %dma_start3A_805 = tpu.memref_slice %arg4[%squeeze3A_797, %dma_start3A_804] : memref<4112x64xf32, #tpu.memory_space<hbm>> -> memref<1x64xf32, #tpu.memory_space<hbm>>
        %dma_start3A_806 = tpu.memref_squeeze %dma_start3A_805 : memref<1x64xf32, #tpu.memory_space<hbm>> -> memref<64xf32, #tpu.memory_space<hbm>>
        %dma_start3A_807 = arith.constant 0 : i32
        %dma_start3A_808 = tpu.memref_slice %arg9[%add3A_795, %dma_start3A_807] : memref<256x128xf32, #tpu.memory_space<vmem>> -> memref<1x64xf32, #tpu.memory_space<vmem>>
        %dma_start3A_809 = tpu.memref_squeeze %dma_start3A_808 : memref<1x64xf32, #tpu.memory_space<vmem>> -> memref<64xf32, #tpu.memory_space<vmem>>
        tpu.enqueue_dma source(%dma_start3A_809 : memref<64xf32, #tpu.memory_space<vmem>>) target(%dma_start3A_806 : memref<64xf32, #tpu.memory_space<hbm>>) target_semaphore(%arg12 : memref<!tpu.dma_semaphore, #tpu.memory_space<semaphore_mem>>)
        %add3A_810 = arith.constant 12 : i32
        %add3A_811 = arith.addi %mul3A_284, %add3A_810 : i32
        %slice3A_812 = vector.extract_strided_slice %select_n3A_280 {offsets = [12], sizes = [1], strides = [1]} : vector<16xi32> to vector<1xi32>
        %squeeze3A_813 = vector.extract %slice3A_812[0] : i32 from vector<1xi32>
        %dma_start3A_814 = arith.constant 0 : i32
        %dma_start3A_815 = tpu.memref_slice %arg9[%add3A_811, %dma_start3A_814] : memref<256x128xf32, #tpu.memory_space<vmem>> -> memref<1x64xf32, #tpu.memory_space<vmem>>
        %dma_start3A_816 = tpu.memref_squeeze %dma_start3A_815 : memref<1x64xf32, #tpu.memory_space<vmem>> -> memref<64xf32, #tpu.memory_space<vmem>>
        %dma_start3A_817 = arith.constant 0 : i32
        %dma_start3A_818 = tpu.memref_slice %arg4[%squeeze3A_813, %dma_start3A_817] : memref<4112x64xf32, #tpu.memory_space<hbm>> -> memref<1x64xf32, #tpu.memory_space<hbm>>
        %dma_start3A_819 = tpu.memref_squeeze %dma_start3A_818 : memref<1x64xf32, #tpu.memory_space<hbm>> -> memref<64xf32, #tpu.memory_space<hbm>>
        %dma_start3A_820 = arith.constant 0 : i32
        %dma_start3A_821 = tpu.memref_slice %arg4[%squeeze3A_813, %dma_start3A_820] : memref<4112x64xf32, #tpu.memory_space<hbm>> -> memref<1x64xf32, #tpu.memory_space<hbm>>
        %dma_start3A_822 = tpu.memref_squeeze %dma_start3A_821 : memref<1x64xf32, #tpu.memory_space<hbm>> -> memref<64xf32, #tpu.memory_space<hbm>>
        %dma_start3A_823 = arith.constant 0 : i32
        %dma_start3A_824 = tpu.memref_slice %arg9[%add3A_811, %dma_start3A_823] : memref<256x128xf32, #tpu.memory_space<vmem>> -> memref<1x64xf32, #tpu.memory_space<vmem>>
        %dma_start3A_825 = tpu.memref_squeeze %dma_start3A_824 : memref<1x64xf32, #tpu.memory_space<vmem>> -> memref<64xf32, #tpu.memory_space<vmem>>
        tpu.enqueue_dma source(%dma_start3A_825 : memref<64xf32, #tpu.memory_space<vmem>>) target(%dma_start3A_822 : memref<64xf32, #tpu.memory_space<hbm>>) target_semaphore(%arg12 : memref<!tpu.dma_semaphore, #tpu.memory_space<semaphore_mem>>)
        %add3A_826 = arith.constant 13 : i32
        %add3A_827 = arith.addi %mul3A_284, %add3A_826 : i32
        %slice3A_828 = vector.extract_strided_slice %select_n3A_280 {offsets = [13], sizes = [1], strides = [1]} : vector<16xi32> to vector<1xi32>
        %squeeze3A_829 = vector.extract %slice3A_828[0] : i32 from vector<1xi32>
        %dma_start3A_830 = arith.constant 0 : i32
        %dma_start3A_831 = tpu.memref_slice %arg9[%add3A_827, %dma_start3A_830] : memref<256x128xf32, #tpu.memory_space<vmem>> -> memref<1x64xf32, #tpu.memory_space<vmem>>
        %dma_start3A_832 = tpu.memref_squeeze %dma_start3A_831 : memref<1x64xf32, #tpu.memory_space<vmem>> -> memref<64xf32, #tpu.memory_space<vmem>>
        %dma_start3A_833 = arith.constant 0 : i32
        %dma_start3A_834 = tpu.memref_slice %arg4[%squeeze3A_829, %dma_start3A_833] : memref<4112x64xf32, #tpu.memory_space<hbm>> -> memref<1x64xf32, #tpu.memory_space<hbm>>
        %dma_start3A_835 = tpu.memref_squeeze %dma_start3A_834 : memref<1x64xf32, #tpu.memory_space<hbm>> -> memref<64xf32, #tpu.memory_space<hbm>>
        %dma_start3A_836 = arith.constant 0 : i32
        %dma_start3A_837 = tpu.memref_slice %arg4[%squeeze3A_829, %dma_start3A_836] : memref<4112x64xf32, #tpu.memory_space<hbm>> -> memref<1x64xf32, #tpu.memory_space<hbm>>
        %dma_start3A_838 = tpu.memref_squeeze %dma_start3A_837 : memref<1x64xf32, #tpu.memory_space<hbm>> -> memref<64xf32, #tpu.memory_space<hbm>>
        %dma_start3A_839 = arith.constant 0 : i32
        %dma_start3A_840 = tpu.memref_slice %arg9[%add3A_827, %dma_start3A_839] : memref<256x128xf32, #tpu.memory_space<vmem>> -> memref<1x64xf32, #tpu.memory_space<vmem>>
        %dma_start3A_841 = tpu.memref_squeeze %dma_start3A_840 : memref<1x64xf32, #tpu.memory_space<vmem>> -> memref<64xf32, #tpu.memory_space<vmem>>
        tpu.enqueue_dma source(%dma_start3A_841 : memref<64xf32, #tpu.memory_space<vmem>>) target(%dma_start3A_838 : memref<64xf32, #tpu.memory_space<hbm>>) target_semaphore(%arg12 : memref<!tpu.dma_semaphore, #tpu.memory_space<semaphore_mem>>)
        %add3A_842 = arith.constant 14 : i32
        %add3A_843 = arith.addi %mul3A_284, %add3A_842 : i32
        %slice3A_844 = vector.extract_strided_slice %select_n3A_280 {offsets = [14], sizes = [1], strides = [1]} : vector<16xi32> to vector<1xi32>
        %squeeze3A_845 = vector.extract %slice3A_844[0] : i32 from vector<1xi32>
        %dma_start3A_846 = arith.constant 0 : i32
        %dma_start3A_847 = tpu.memref_slice %arg9[%add3A_843, %dma_start3A_846] : memref<256x128xf32, #tpu.memory_space<vmem>> -> memref<1x64xf32, #tpu.memory_space<vmem>>
        %dma_start3A_848 = tpu.memref_squeeze %dma_start3A_847 : memref<1x64xf32, #tpu.memory_space<vmem>> -> memref<64xf32, #tpu.memory_space<vmem>>
        %dma_start3A_849 = arith.constant 0 : i32
        %dma_start3A_850 = tpu.memref_slice %arg4[%squeeze3A_845, %dma_start3A_849] : memref<4112x64xf32, #tpu.memory_space<hbm>> -> memref<1x64xf32, #tpu.memory_space<hbm>>
        %dma_start3A_851 = tpu.memref_squeeze %dma_start3A_850 : memref<1x64xf32, #tpu.memory_space<hbm>> -> memref<64xf32, #tpu.memory_space<hbm>>
        %dma_start3A_852 = arith.constant 0 : i32
        %dma_start3A_853 = tpu.memref_slice %arg4[%squeeze3A_845, %dma_start3A_852] : memref<4112x64xf32, #tpu.memory_space<hbm>> -> memref<1x64xf32, #tpu.memory_space<hbm>>
        %dma_start3A_854 = tpu.memref_squeeze %dma_start3A_853 : memref<1x64xf32, #tpu.memory_space<hbm>> -> memref<64xf32, #tpu.memory_space<hbm>>
        %dma_start3A_855 = arith.constant 0 : i32
        %dma_start3A_856 = tpu.memref_slice %arg9[%add3A_843, %dma_start3A_855] : memref<256x128xf32, #tpu.memory_space<vmem>> -> memref<1x64xf32, #tpu.memory_space<vmem>>
        %dma_start3A_857 = tpu.memref_squeeze %dma_start3A_856 : memref<1x64xf32, #tpu.memory_space<vmem>> -> memref<64xf32, #tpu.memory_space<vmem>>
        tpu.enqueue_dma source(%dma_start3A_857 : memref<64xf32, #tpu.memory_space<vmem>>) target(%dma_start3A_854 : memref<64xf32, #tpu.memory_space<hbm>>) target_semaphore(%arg12 : memref<!tpu.dma_semaphore, #tpu.memory_space<semaphore_mem>>)
        %add3A_858 = arith.constant 15 : i32
        %add3A_859 = arith.addi %mul3A_284, %add3A_858 : i32
        %slice3A_860 = vector.extract_strided_slice %select_n3A_280 {offsets = [15], sizes = [1], strides = [1]} : vector<16xi32> to vector<1xi32>
        %squeeze3A_861 = vector.extract %slice3A_860[0] : i32 from vector<1xi32>
        %dma_start3A_862 = arith.constant 0 : i32
        %dma_start3A_863 = tpu.memref_slice %arg9[%add3A_859, %dma_start3A_862] : memref<256x128xf32, #tpu.memory_space<vmem>> -> memref<1x64xf32, #tpu.memory_space<vmem>>
        %dma_start3A_864 = tpu.memref_squeeze %dma_start3A_863 : memref<1x64xf32, #tpu.memory_space<vmem>> -> memref<64xf32, #tpu.memory_space<vmem>>
        %dma_start3A_865 = arith.constant 0 : i32
        %dma_start3A_866 = tpu.memref_slice %arg4[%squeeze3A_861, %dma_start3A_865] : memref<4112x64xf32, #tpu.memory_space<hbm>> -> memref<1x64xf32, #tpu.memory_space<hbm>>
        %dma_start3A_867 = tpu.memref_squeeze %dma_start3A_866 : memref<1x64xf32, #tpu.memory_space<hbm>> -> memref<64xf32, #tpu.memory_space<hbm>>
        %dma_start3A_868 = arith.constant 0 : i32
        %dma_start3A_869 = tpu.memref_slice %arg4[%squeeze3A_861, %dma_start3A_868] : memref<4112x64xf32, #tpu.memory_space<hbm>> -> memref<1x64xf32, #tpu.memory_space<hbm>>
        %dma_start3A_870 = tpu.memref_squeeze %dma_start3A_869 : memref<1x64xf32, #tpu.memory_space<hbm>> -> memref<64xf32, #tpu.memory_space<hbm>>
        %dma_start3A_871 = arith.constant 0 : i32
        %dma_start3A_872 = tpu.memref_slice %arg9[%add3A_859, %dma_start3A_871] : memref<256x128xf32, #tpu.memory_space<vmem>> -> memref<1x64xf32, #tpu.memory_space<vmem>>
        %dma_start3A_873 = tpu.memref_squeeze %dma_start3A_872 : memref<1x64xf32, #tpu.memory_space<vmem>> -> memref<64xf32, #tpu.memory_space<vmem>>
        tpu.enqueue_dma source(%dma_start3A_873 : memref<64xf32, #tpu.memory_space<vmem>>) target(%dma_start3A_870 : memref<64xf32, #tpu.memory_space<hbm>>) target_semaphore(%arg12 : memref<!tpu.dma_semaphore, #tpu.memory_space<semaphore_mem>>)
        %add3A_874 = arith.constant 1 : i32
        %add3A_875 = arith.addi %while3A_231, %add3A_874 : i32
        scf.yield %add3A_875 : i32
      }
      %add3A_210 = arith.constant 2 : i32
      %add3A_211 = arith.addi %scan3A_138, %add3A_210 : i32
      %lt3A_212 = arith.constant 5 : i32
      %lt3A_213 = arith.cmpi slt, %add3A_211, %lt3A_212 : i32
      %eq3A_214 = arith.constant 0 : i32
      %eq3A_215 = arith.cmpi eq, %rem3A_141, %eq3A_214 : i32
      %and3A_216 = arith.andi %lt3A_213, %eq3A_215 : i1
      %convert_element_type3A_217 = arith.extui %and3A_216 : i1 to i32
      %cond3A_218 = arith.constant 0 : i32
      %cond3A_219 = arith.cmpi ne, %convert_element_type3A_217, %cond3A_218 : i32
      scf.if %cond3A_219 {
        %add3A_230 = arith.constant 2 : i32
        %add3A_231 = arith.addi %scan3A_138, %add3A_230 : i32
        %mul3A_232 = arith.constant 5 : i32
        %mul3A_233 = arith.muli %add3A_231, %mul3A_232 : i32
        %add3A_234 = arith.addi %select_n3A_11, %mul3A_233 : i32
        %mul3A_235 = arith.constant 128 : i32
        %mul3A_236 = arith.muli %add3A_234, %mul3A_235 : i32
        %min3A_237 = arith.constant 99456 : i32
        %min3A_238 = arith.minsi %mul3A_236, %min3A_237 : i32
        %multiple_of3A_239 = tpu.assume_multiple %min3A_238, 128 : i32
        %dma_start3A_240 = arith.constant 0 : i32
        %dma_start3A_241 = arith.constant 0 : i32
        %dma_start3A_242 = arith.constant 0 : i32
        %dma_start3A_243 = tpu.memref_slice %arg8[%dma_start3A_240, %dma_start3A_241, %dma_start3A_242] : memref<2x64x640xf32, #tpu.memory_space<vmem>> -> memref<1x64x640xf32, #tpu.memory_space<vmem>>
        %dma_start3A_244 = tpu.memref_squeeze %dma_start3A_243 : memref<1x64x640xf32, #tpu.memory_space<vmem>> -> memref<64x640xf32, #tpu.memory_space<vmem>>
        %dma_start3A_245 = arith.constant 0 : i32
        %dma_start3A_246 = tpu.memref_slice %arg3[%dma_start3A_245, %multiple_of3A_239] : memref<64x100000xf32, #tpu.memory_space<hbm>> -> memref<64x640xf32, #tpu.memory_space<hbm>>
        %dma_start3A_247 = arith.constant 0 : i32
        %dma_start3A_248 = arith.constant 0 : i32
        %dma_start3A_249 = tpu.memref_slice %arg8[%dma_start3A_240, %dma_start3A_247, %dma_start3A_248] : memref<2x64x640xf32, #tpu.memory_space<vmem>> -> memref<1x64x640xf32, #tpu.memory_space<vmem>>
        %dma_start3A_250 = tpu.memref_squeeze %dma_start3A_249 : memref<1x64x640xf32, #tpu.memory_space<vmem>> -> memref<64x640xf32, #tpu.memory_space<vmem>>
        %dma_start3A_251 = arith.constant 0 : i32
        %dma_start3A_252 = tpu.memref_slice %arg3[%dma_start3A_251, %multiple_of3A_239] : memref<64x100000xf32, #tpu.memory_space<hbm>> -> memref<64x640xf32, #tpu.memory_space<hbm>>
        tpu.enqueue_dma source(%dma_start3A_252 : memref<64x640xf32, #tpu.memory_space<hbm>>) target(%dma_start3A_250 : memref<64x640xf32, #tpu.memory_space<vmem>>) target_semaphore(%arg10 : memref<!tpu.dma_semaphore, #tpu.memory_space<semaphore_mem>>)
      } else {
      }
      %add3A_220 = arith.constant 2 : i32
      %add3A_221 = arith.addi %scan3A_138, %add3A_220 : i32
      %lt3A_222 = arith.constant 5 : i32
      %lt3A_223 = arith.cmpi slt, %add3A_221, %lt3A_222 : i32
      %eq3A_224 = arith.constant 1 : i32
      %eq3A_225 = arith.cmpi eq, %rem3A_141, %eq3A_224 : i32
      %and3A_226 = arith.andi %lt3A_223, %eq3A_225 : i1
      %convert_element_type3A_227 = arith.extui %and3A_226 : i1 to i32
      %cond3A_228 = arith.constant 0 : i32
      %cond3A_229 = arith.cmpi ne, %convert_element_type3A_227, %cond3A_228 : i32
      scf.if %cond3A_229 {
        %add3A_230 = arith.constant 2 : i32
        %add3A_231 = arith.addi %scan3A_138, %add3A_230 : i32
        %mul3A_232 = arith.constant 5 : i32
        %mul3A_233 = arith.muli %add3A_231, %mul3A_232 : i32
        %add3A_234 = arith.addi %select_n3A_11, %mul3A_233 : i32
        %mul3A_235 = arith.constant 128 : i32
        %mul3A_236 = arith.muli %add3A_234, %mul3A_235 : i32
        %min3A_237 = arith.constant 99456 : i32
        %min3A_238 = arith.minsi %mul3A_236, %min3A_237 : i32
        %multiple_of3A_239 = tpu.assume_multiple %min3A_238, 128 : i32
        %dma_start3A_240 = arith.constant 1 : i32
        %dma_start3A_241 = arith.constant 0 : i32
        %dma_start3A_242 = arith.constant 0 : i32
        %dma_start3A_243 = tpu.memref_slice %arg8[%dma_start3A_240, %dma_start3A_241, %dma_start3A_242] : memref<2x64x640xf32, #tpu.memory_space<vmem>> -> memref<1x64x640xf32, #tpu.memory_space<vmem>>
        %dma_start3A_244 = tpu.memref_squeeze %dma_start3A_243 : memref<1x64x640xf32, #tpu.memory_space<vmem>> -> memref<64x640xf32, #tpu.memory_space<vmem>>
        %dma_start3A_245 = arith.constant 0 : i32
        %dma_start3A_246 = tpu.memref_slice %arg3[%dma_start3A_245, %multiple_of3A_239] : memref<64x100000xf32, #tpu.memory_space<hbm>> -> memref<64x640xf32, #tpu.memory_space<hbm>>
        %dma_start3A_247 = arith.constant 0 : i32
        %dma_start3A_248 = arith.constant 0 : i32
        %dma_start3A_249 = tpu.memref_slice %arg8[%dma_start3A_240, %dma_start3A_247, %dma_start3A_248] : memref<2x64x640xf32, #tpu.memory_space<vmem>> -> memref<1x64x640xf32, #tpu.memory_space<vmem>>
        %dma_start3A_250 = tpu.memref_squeeze %dma_start3A_249 : memref<1x64x640xf32, #tpu.memory_space<vmem>> -> memref<64x640xf32, #tpu.memory_space<vmem>>
        %dma_start3A_251 = arith.constant 0 : i32
        %dma_start3A_252 = tpu.memref_slice %arg3[%dma_start3A_251, %multiple_of3A_239] : memref<64x100000xf32, #tpu.memory_space<hbm>> -> memref<64x640xf32, #tpu.memory_space<hbm>>
        tpu.enqueue_dma source(%dma_start3A_252 : memref<64x640xf32, #tpu.memory_space<hbm>>) target(%dma_start3A_250 : memref<64x640xf32, #tpu.memory_space<vmem>>) target_semaphore(%arg11 : memref<!tpu.dma_semaphore, #tpu.memory_space<semaphore_mem>>)
      } else {
      }
      scf.yield %while3A_209 : i32
    }
    %scan3A_94 = arith.constant 5 : i32
    %gt3A = arith.constant 0 : i32
    %gt3A_95 = arith.cmpi sgt, %scan3A_93, %gt3A : i32
    %sub3A_96 = arith.constant 1 : i32
    %sub3A_97 = arith.subi %scan3A_93, %sub3A_96 : i32
    %jit3A_98 = arith.constant 16 : i32
    %div3A_99 = arith.divsi %sub3A_97, %jit3A_98 : i32
    %sign3A_100 = arith.constant 0 : i32
    %sign3A_101 = arith.cmpi sgt, %sub3A_97, %sign3A_100 : i32
    %sign3A_102 = arith.extui %sign3A_101 : i1 to i32
    %sign3A_103 = arith.constant 0 : i32
    %sign3A_104 = arith.cmpi slt, %sub3A_97, %sign3A_103 : i32
    %sign3A_105 = arith.extui %sign3A_104 : i1 to i32
    %sign3A_106 = arith.subi %sign3A_102, %sign3A_105 : i32
    %sign3A_107 = arith.constant 0 : i32
    %sign3A_108 = arith.cmpi sgt, %jit3A_98, %sign3A_107 : i32
    %sign3A_109 = arith.extui %sign3A_108 : i1 to i32
    %sign3A_110 = arith.constant 0 : i32
    %sign3A_111 = arith.cmpi slt, %jit3A_98, %sign3A_110 : i32
    %sign3A_112 = arith.extui %sign3A_111 : i1 to i32
    %sign3A_113 = arith.subi %sign3A_109, %sign3A_112 : i32
    %ne3A_114 = arith.cmpi ne, %sign3A_106, %sign3A_113 : i32
    %rem3A_115 = arith.remsi %sub3A_97, %jit3A_98 : i32
    %ne3A_116 = arith.constant 0 : i32
    %ne3A_117 = arith.cmpi ne, %rem3A_115, %ne3A_116 : i32
    %and3A_118 = arith.andi %ne3A_114, %ne3A_117 : i1
    %sub3A_119 = arith.constant 1 : i32
    %sub3A_120 = arith.subi %div3A_99, %sub3A_119 : i32
    %select_n3A_121 = arith.select %and3A_118, %sub3A_120, %div3A_99 : i32
    %mul3A_122 = arith.constant 16 : i32
    %mul3A_123 = arith.muli %select_n3A_121, %mul3A_122 : i32
    %sub3A_124 = arith.subi %scan3A_93, %mul3A_123 : i32
    %jit3A_125 = arith.constant 0 : i32
    %select_n3A_126 = arith.select %gt3A_95, %sub3A_124, %jit3A_125 : i32
    %mul3A_127 = arith.constant 16 : i32
    %mul3A_128 = arith.muli %select_n3A_126, %mul3A_127 : i32
    %while3A = arith.constant 0 : i32
    %while3A_129 = arith.constant 0 : i32
    %while3A_130 = arith.subi %mul3A_128, %while3A_129 : i32
    %while3A_131 = arith.addi %while3A_129, %while3A_130 : i32
    %while3A_132 = arith.constant 1 : i32
    %while3A_133 = arith.divsi %while3A_130, %while3A_132 : i32
    %while3A_134 = arith.muli %while3A_133, %while3A_132 : i32
    %while3A_135 = arith.addi %while3A_129, %while3A_134 : i32
    %while3A_136 = arith.constant 1 : i32
    scf.for %while3A_138 = %while3A_129 to %while3A_135 step %while3A_136  : i32 {
      %dma_wait3A = arith.constant 0 : i32
      %dma_wait3A_139 = arith.constant 0 : i32
      %dma_wait3A_140 = arith.constant 0 : i32
      %dma_wait3A_141 = tpu.memref_slice %arg9[%dma_wait3A_139, %dma_wait3A_140] : memref<256x128xf32, #tpu.memory_space<vmem>> -> memref<1x64xf32, #tpu.memory_space<vmem>>
      %dma_wait3A_142 = tpu.memref_squeeze %dma_wait3A_141 : memref<1x64xf32, #tpu.memory_space<vmem>> -> memref<64xf32, #tpu.memory_space<vmem>>
      %dma_wait3A_143 = arith.constant 0 : i32
      %dma_wait3A_144 = tpu.memref_slice %arg4[%dma_wait3A, %dma_wait3A_143] : memref<4112x64xf32, #tpu.memory_space<hbm>> -> memref<1x64xf32, #tpu.memory_space<hbm>>
      %dma_wait3A_145 = tpu.memref_squeeze %dma_wait3A_144 : memref<1x64xf32, #tpu.memory_space<hbm>> -> memref<64xf32, #tpu.memory_space<hbm>>
      %dma_wait3A_146 = arith.constant 0 : i32
      %dma_wait3A_147 = tpu.memref_slice %arg9[%dma_wait3A_139, %dma_wait3A_146] : memref<256x128xf32, #tpu.memory_space<vmem>> -> memref<1x64xf32, #tpu.memory_space<vmem>>
      %dma_wait3A_148 = tpu.memref_squeeze %dma_wait3A_147 : memref<1x64xf32, #tpu.memory_space<vmem>> -> memref<64xf32, #tpu.memory_space<vmem>>
      %dma_wait3A_149 = arith.constant 0 : i32
      %dma_wait3A_150 = tpu.memref_slice %arg4[%dma_wait3A, %dma_wait3A_149] : memref<4112x64xf32, #tpu.memory_space<hbm>> -> memref<1x64xf32, #tpu.memory_space<hbm>>
      %dma_wait3A_151 = tpu.memref_squeeze %dma_wait3A_150 : memref<1x64xf32, #tpu.memory_space<hbm>> -> memref<64xf32, #tpu.memory_space<hbm>>
      tpu.wait_dma2 semaphore(%arg12 : memref<!tpu.dma_semaphore, #tpu.memory_space<semaphore_mem>>) src(%dma_wait3A_151 : memref<64xf32, #tpu.memory_space<hbm>>) dst(%dma_wait3A_148 : memref<64xf32, #tpu.memory_space<vmem>>)
    }
    %while3A_137 = arith.constant 1 : i32
    scf.for %while3A_138 = %while3A_135 to %while3A_131 step %while3A_137  : i32 {
      %dma_wait3A = arith.constant 0 : i32
      %dma_wait3A_139 = arith.constant 0 : i32
      %dma_wait3A_140 = arith.constant 0 : i32
      %dma_wait3A_141 = tpu.memref_slice %arg9[%dma_wait3A_139, %dma_wait3A_140] : memref<256x128xf32, #tpu.memory_space<vmem>> -> memref<1x64xf32, #tpu.memory_space<vmem>>
      %dma_wait3A_142 = tpu.memref_squeeze %dma_wait3A_141 : memref<1x64xf32, #tpu.memory_space<vmem>> -> memref<64xf32, #tpu.memory_space<vmem>>
      %dma_wait3A_143 = arith.constant 0 : i32
      %dma_wait3A_144 = tpu.memref_slice %arg4[%dma_wait3A, %dma_wait3A_143] : memref<4112x64xf32, #tpu.memory_space<hbm>> -> memref<1x64xf32, #tpu.memory_space<hbm>>
      %dma_wait3A_145 = tpu.memref_squeeze %dma_wait3A_144 : memref<1x64xf32, #tpu.memory_space<hbm>> -> memref<64xf32, #tpu.memory_space<hbm>>
      %dma_wait3A_146 = arith.constant 0 : i32
      %dma_wait3A_147 = tpu.memref_slice %arg9[%dma_wait3A_139, %dma_wait3A_146] : memref<256x128xf32, #tpu.memory_space<vmem>> -> memref<1x64xf32, #tpu.memory_space<vmem>>
      %dma_wait3A_148 = tpu.memref_squeeze %dma_wait3A_147 : memref<1x64xf32, #tpu.memory_space<vmem>> -> memref<64xf32, #tpu.memory_space<vmem>>
      %dma_wait3A_149 = arith.constant 0 : i32
      %dma_wait3A_150 = tpu.memref_slice %arg4[%dma_wait3A, %dma_wait3A_149] : memref<4112x64xf32, #tpu.memory_space<hbm>> -> memref<1x64xf32, #tpu.memory_space<hbm>>
      %dma_wait3A_151 = tpu.memref_squeeze %dma_wait3A_150 : memref<1x64xf32, #tpu.memory_space<hbm>> -> memref<64xf32, #tpu.memory_space<hbm>>
      tpu.wait_dma2 semaphore(%arg12 : memref<!tpu.dma_semaphore, #tpu.memory_space<semaphore_mem>>) src(%dma_wait3A_151 : memref<64xf32, #tpu.memory_space<hbm>>) dst(%dma_wait3A_148 : memref<64xf32, #tpu.memory_space<vmem>>)
    }
    return
  }
}

</mosaic_0001>

<sc_bundles>
// kernel: kernel.3.cloned.1.call-start
scs
__scs_entry_jumppad:
0x0: {  	(pc) =	sbr.rel $0x88, $3  }
0x1: {  	(tag) =	ssettag $0x0;
	lr =	simm.s32 $0x1  }
0x2: {  	[smem:$0x3F9F] =	sst lr;
	_ =	strace $0xD0000000  }
0x3: {  	_ = 	snop  }
0x4: {  	_ = 	snop  }
0x5: {  	_ = 	snop  }
0x6: {  	_ = 	snop  }
0x7: {  	_ = 	snop  }
__scs_overlays_trampoline_lowered:
0x8: {  	[smem:$0x3FAE] =	sst s0  }
0x9: {  	[smem:$0x3FAF] =	sst s1  }
0xa: {  	[smem:$0x3FB0] =	sst s2  }
0xb: {  	[smem:$0x3FB1] =	sst s3  }
0xc: {  	[smem:$0x3FB2] =	sst s4  }
0xd: {  	[smem:$0x3FB3] =	sst s5  }
0xe: {  	[smem:$0x3FB4] =	sst s6  }
0xf: {  	[smem:$0x3FB5] =	sst s7  }
0x10: {  	[smem:$0x3FB6] =	sst s8  }
0x11: {  	[smem:$0x3FB7] =	sst s9;
	s0 =	simm.s32 @!p0 $0x0  }
0x12: {  	s1 =	sld [smem:$0x3F9D];
	s0 =	simm.s32 @p0 $0x1  }
0x13: {  	[smem:$0x3FB8] =	sst s0;
	s0 =	simm.s32 @!p1 $0x0  }
0x14: {  	s2 =	sld [smem:$0x3F9C];
	s0 =	simm.s32 @p1 $0x1  }
0x15: {  	[smem:$0x3FB9] =	sst s0;
	s0 =	simm.s32 @!p2 $0x0  }
0x16: {  	s3 =	sld [smem:$0x3FDB];
	s0 =	simm.s32 @p2 $0x1  }
0x17: {  	s4 =	simm.s32 $0x1BF5;
	[smem:$0x3FBB] =	sst s0  }
0x18: {  	s0 =	sld [smem:$0x3F9E];
	_ =	swait.ge [sflag:s4], $0x0  }
0x19: {  	s7 =	sld [smem:$0x3F9F]  }
0x1a: {  	s8 =	sadd.s32 $0xFFFFE003, lr  }
0x1b: {  	s9 =	sadd.s32 $0xFFFFFEF7, lr;
	s5 =	simm.s32 $0xFFFFFFFF;
	p2 =	slt.u32 s8, $0xFFFFF086  }
0x1c: {  	p1 =	slt.u32 s9, $0xF7A;
	s5 =	simm.s32 @!p2 $0x0  }
0x1d: {  	s5 =	simm.s32 @p1 $0x1;
	p0 =	seq.s32 s7, s2  }
0x1e: {  	s7 =	smul.u32 @!p0 $0xF7A, s2;
	p2 =	seq.s32 @!p0 s5, $0x0  }
0x1f: {  	s9 =	smul.u32 $0xF7A, s1;
	s8 =	simm.s32 @!p0 $0x1BF5;
	p2 =	por !p2, p0  }
0x20: {  	[sflag:s8] =	ssyncset.s32 @!p0 $0xFFFFF086;
	s6 =	sadd.s32 @!p0 s3, s7;
	s7 =	simm.s32 @!p0 $0x108  }
0x21: {  	s3 =	sadd.s32 s3, s9;
	s6 =	sadd.s32 @!p0 $0x88, s6;
	s7 =	simm.s32 @p2 $0x1082  }
0x22: {  	[simem:s7], [sflag:s8] =	dma.local @!p0 [hbm:s6], $0xF7A  }
0x23: {  	s9 =	sor.u32 $0xD0000000, s2;
	s6 =	simm.s32 $0x108;
	_ =	swait.ge @!p0 [sflag:s8], $0x0  }
0x24: {  	s3 =	sadd.s32 $0x88, s3;
	s6 =	simm.s32 @!p1 $0x1082;
	[sflag:s4] =	ssyncset.s32 $0xFFFFF086  }
0x25: {  	[simem:s6], [sflag:s4] =	dma.local [hbm:s3], $0xF7A  }
0x26: {  	[smem:$0x3F9F] =	sst s1;
	(tag) =	ssettag s2;
	_ =	strace s9  }
0x27: {  	s1 =	sld [smem:$0x3FAF]  }
0x28: {  	s2 =	sld [smem:$0x3FB0]  }
0x29: {  	s4 =	sld [smem:$0x3FB2]  }
0x2a: {  	p0 =	seq.s32 s5, $0x0;
	s5 =	sld [smem:$0x3FB3]  }
0x2b: {  	s6 =	sld [smem:$0x3FB4]  }
0x2c: {  	s7 =	sld [smem:$0x3FB5]  }
0x2d: {  	s3 =	simm.s32 $0x108;
	s8 =	sld [smem:$0x3FB6]  }
0x2e: {  	s3 =	simm.s32 @!p0 $0x1082;
	s9 =	sld [smem:$0x3FB7]  }
0x2f: {  	lr =	sadd.s32 s0, s3;
	s0 =	sld [smem:$0x3FAE]  }
0x30: {  	s3 =	sld [smem:$0x3FB1]  }
0x31: {  	[smem:$0x3FBA] =	sst s10  }
0x32: {  	s10 =	sld [smem:$0x3FB8];
	_ =	sdelay $0x3  }
0x33: {  	p0 =	seq.s32 s10, $0x1;
	s10 =	sld [smem:$0x3FBA];
	_ =	sdelay $0x3  }
0x34: {  	[smem:$0x3FBA] =	sst s10  }
0x35: {  	s10 =	sld [smem:$0x3FB9];
	_ =	sdelay $0x3  }
0x36: {  	p1 =	seq.s32 s10, $0x1;
	s10 =	sld [smem:$0x3FBA];
	_ =	sdelay $0x3  }
0x37: {  	[smem:$0x3FBA] =	sst s10  }
0x38: {  	s10 =	sld [smem:$0x3FBB]  }
0x39: {  	_ = 	snop;
	(pc) =	sbr.ind lr, $3  }
0x3a: {  	_ = 	snop  }
0x3b: {  	_ = 	snop  }
0x3c: {  	p2 =	seq.s32 s10, $0x1;
	s10 =	sld [smem:$0x3FBA]  }
0x3d: {  	_ =	shalt  }
0x3e: {  	_ =	shalt  }
0x3f: {  	_ =	shalt  }
0x40: {  	_ =	shalt  }
0x41: {  	_ =	shalt  }
0x42: {  	_ =	shalt  }
0x43: {  	_ =	shalt  }
0x44: {  	_ =	shalt  }
0x45: {  	_ =	shalt  }
0x46: {  	_ =	shalt  }
0x47: {  	_ =	shalt  }
0x48: {  	_ =	shalt  }
0x49: {  	_ =	shalt  }
0x4a: {  	_ =	shalt  }
0x4b: {  	_ =	shalt  }
0x4c: {  	_ =	shalt  }
0x4d: {  	_ =	shalt  }
0x4e: {  	_ =	shalt  }
0x4f: {  	_ =	shalt  }
0x50: {  	_ =	shalt  }
0x51: {  	_ =	shalt  }
0x52: {  	_ =	shalt  }
0x53: {  	_ =	shalt  }
0x54: {  	_ =	shalt  }
0x55: {  	_ =	shalt  }
0x56: {  	_ =	shalt  }
0x57: {  	_ =	shalt  }
0x58: {  	_ =	shalt  }
0x59: {  	_ =	shalt  }
0x5a: {  	_ =	shalt  }
0x5b: {  	_ =	shalt  }
0x5c: {  	_ =	shalt  }
0x5d: {  	_ =	shalt  }
0x5e: {  	_ =	shalt  }
0x5f: {  	_ =	shalt  }
0x60: {  	_ =	shalt  }
0x61: {  	_ =	shalt  }
0x62: {  	_ =	shalt  }
0x63: {  	_ =	shalt  }
0x64: {  	_ =	shalt  }
0x65: {  	_ =	shalt  }
0x66: {  	_ =	shalt  }
0x67: {  	_ =	shalt  }
0x68: {  	_ =	shalt  }
0x69: {  	_ =	shalt  }
0x6a: {  	_ =	shalt  }
0x6b: {  	_ =	shalt  }
0x6c: {  	_ =	shalt  }
0x6d: {  	_ =	shalt  }
0x6e: {  	_ =	shalt  }
0x6f: {  	_ =	shalt  }
0x70: {  	_ =	shalt  }
0x71: {  	_ =	shalt  }
0x72: {  	_ =	shalt  }
0x73: {  	_ =	shalt  }
0x74: {  	_ =	shalt  }
0x75: {  	_ =	shalt  }
0x76: {  	_ =	shalt  }
0x77: {  	_ =	shalt  }
0x78: {  	_ =	shalt  }
0x79: {  	_ =	shalt  }
0x7a: {  	_ =	shalt  }
0x7b: {  	_ =	shalt  }
0x7c: {  	_ =	shalt  }
0x7d: {  	_ =	shalt  }
0x7e: {  	_ =	shalt  }
0x7f: {  	_ =	shalt  }
0x80: {  	_ =	shalt  }
0x81: {  	_ =	shalt  }
0x82: {  	_ =	shalt  }
0x83: {  	_ =	shalt  }
0x84: {  	_ =	shalt  }
0x85: {  	_ =	shalt  }
0x86: {  	_ =	shalt  }
0x87: {  	_ =	shalt  }
.Lfunc_end0:
.L_simem_size_0:
called_computation_lowered:
.L_overlay_start_0:
0x88: {  	s2 =	sld [smem:$0x3FD9]  }
0x89: {  	s3 =	sld [smem:$0x3FFE];
	_ =	sdelay $0x1  }
0x8a: {  	s1 =	srdreg.scid  }
0x8b: {  	s0 =	sand.u32 $0x1, s1  }
0x8c: {  	s17 =	sshll.u32 s0, $0xA;
	s2 =	sadd.s32 s3, s2  }
0x8d: {  	s2 =	sadd.s32 s2, s17  }
0x8e: {  	[smem:$0x3FC6] =	sst s2  }
0x8f: {  	_ = 	snop  }
0x90: {  	s2 =	sld [smem:$0x3FC9]  }
0x91: {  	s18 =	sld [smem:$0x3FC8];
	(tm) =	ssettm $0x1  }
0x92: {  	s4 =	sld [smem:$0x3FFB];
	_ =	sdelay $0x3  }
0x93: {  	_ =	strace s4  }
0x94: {  	s4 =	sld [smem:$0x3FFC];
	_ =	sdelay $0x3  }
0x95: {  	_ =	strace s4  }
0x96: {  	s4 =	sld [smem:$0x3FFD];
	_ =	sdelay $0x3  }
0x97: {  	_ =	strace s4  }
0x98: {  	_ =	strace $0x8FFFFFFF  }
0x99: {  	s19 =	sld [smem:$0x3FDB];
	_ =	sdelay $0x1  }
0x9a: {  	s5 =	simm.s32 $_scs_section_size  }
0x9b: {  	s6 =	simm.s32 $_size__tile_overlayer_lowered;
	s7 =	simm.s32 $_tile_overlayer_lowered  }
0x9c: {  	s22 =	simm.s32 $0x1BFF;
	s21 =	sshll.u32 s7, $0x1;
	s4 =	sadd.s32 s5, s19  }
0x9d: {  	s8 =	simm.s32 $0x0;
	s20 =	sshll.u32 s6, $0x1;
	s6 =	sadd.s32 s21, s4  }
0x9e: {  	[timem:s8], [sflag:s22] =	dma.local [hbm:s6], s20  }
0x9f: {  	_ =	swait.ge [sflag:s22], s20  }
0xa0: {  	s5 =	ssub.s32 $0x0, s20;
	[sflag:s22] =	ssyncset.done $0x0  }
0xa1: {  	[sflag:s22] =	ssyncadd.s32 s5;
	_ =	sdelay $0x1  }
0xa2: {  	s23 =	simm.s32 $0x1B8B  }
0xa3: {  	_ =	swait.ge [sflag:s23], $0x1  }
0xa4: {  	[sflag:s23] =	ssyncset.done $0x0  }
0xa5: {  	s25 =	simm.s32 $0x1B8E;
	s24 =	sld [smem:$0x3FFE];
	[sflag:s23] =	ssyncadd.s32 $0xFFFFFFFF  }
0xa6: {  	s26 =	simm.s32 $execute0_lowered;
	[smem:$0x3FD2] =	sst s25  }
0xa7: {  	s6 =	sshll.u32 s26, $0x1;
	_ =	strace $0x80000046;
	[dreg:$0x1] =	wrdreg $0xFFFFFFFF  }
0xa8: {  	s28 =	simm.s32 $_size_execute0_lowered;
	s4 =	sadd.s32 s4, s6;
	[dreg:$0x0] =	wrdreg $0x0  }
0xa9: {  	s6 =	sshll.u32 s28, $0x1;
	[dreg:$0x2] =	wrdreg s4  }
0xaa: {  	[dreg:$0x3] =	wrdreg s6  }
0xab: {  	[dreg:$0x4] =	wrdreg $0xC0  }
0xac: {  	_ =	task [dreg:s8], $0x5FFFF  }
0xad: {  	[dreg:$0x1] =	wrdreg $0xFFFFFFFF  }
0xae: {  	[dreg:$0x0] =	wrdreg $0x60  }
0xaf: {  	[dreg:$0x2] =	wrdreg s2  }
0xb0: {  	[dreg:$0x3] =	wrdreg s18  }
0xb1: {  	[dreg:$0x4] =	wrdreg s24  }
0xb2: {  	[dreg:$0x5] =	wrdreg $0x9  }
0xb3: {  	_ =	task.clear_ibuf [dreg:s8], $0x6FFFF;
	_ =	strace $0x90000046  }
0xb4: {  	s29 =	simm.s32 $0x9;
	_ =	strace $0x80000048  }
0xb5: {  	_ =	swait.ge [sflag:s29], $0x1  }
0xb6: {  	[sflag:s29] =	ssyncadd.s32 $0xFFFFFFFF  }
0xb7: {  	_ =	strace $0x90000048  }
0xb8: {  	_ =	sfence  }
0xb9: {  	s30 =	sld [smem:$0x0];
	_ =	sdelay $0x2  }
0xba: {  	s31 =	sshll.u32 s1, $0xD;
	s1 =	sshrl.u32 s1, $0x2  }
0xbb: {  	s3 =	sand.u32 $0x4000, s31;
	s1 =	sadd.s32 s1, s30  }
0xbc: {  	s0 =	sor.u32 s3, s0;
	s1 =	sshll.u32 s1, $0x11  }
0xbd: {  	s0 =	sor.u32 s1, s0  }
0xbe: {  	s0 =	sadd.s32 $0x8F2B, s0  }
0xbf: {  	[sflag:s0] =	ssyncadd.remote.s32 $0x1  }
0xc0: {  	_ =	sfence.sel $0xFFFF  }
0xc1: {  	[dreg:$0x0] =	wrdreg $0xFFFFFFFF;
	(pc) =	sbr.abs _section_cstart, $3  }
0xc2: {  	[dreg:$0x1] =	wrdreg $0xFFFFFFFF  }
0xc3: {  	_ =	task.clear_ibuf [dreg:s8], $0x2FFFF;
	_ =	strace $0x9FFFFFFF  }
0xc4: {  	(tm) =	ssettm $0x7FFFFFFF  }
0xc5: {  	_ =	shalt  }
tec
execute0_lowered:
.L_overlay_start_1:
0x0: {  	(tag) =	ssettag $0x1  }
0x1: {  	s0 =	srdreg.scid;
	s4 =	stileid.u32  }
0x2: {  	s5 =	rddreg [dreg:$0x1];
	s0 =	sand.u32 $0x1, s0;
	s1 =	sshll.u32 s4, $0x1  }
0x3: {  	s3 =	rddreg [dreg:$0x2];
	s24 =	simm.s32 $0x0;
	s1 =	sor.u32 s0, s1  }
0x4: {  	s31 =	simm.s32 $0x2080;
	s0 =	ssub.s32 $0x2, s0;
	s2 =	smul.u32 $0x19, s1  }
0x5: {  	p0 =	slt.u32 s4, $0x7;
	s1 =	smul.u32 $0x18, s1;
	s26 =	sshrl.u32 s0, $0x1  }
0x6: {  	v3 =	vimm.s32 $0xECA86420;
	[smem:$0x7FF] =	sst s24;
	s25 =	sadd.s32 $0x800, s3;
	s0 =	ssub.s32 s0, s26  }
0x7: {  	v2 =	vlaneseq.u32;
	vm0 =	vcmask $0xB08;
	s6 =	sadd.s32 $0xE, s1;
	s4 =	sadd.s32 $0x19, s2;
	s1 =	sadd.s32 $0x26, s1  }
0x8: {  	vm1 =	vcmask $0x1310;
	vm2 =	vcmask $0x1B18;
	vm3 =	vcmask $0x300;
	s0 =	smax.u32 s0, $0x1;
	s6 =	smov.u32 @p0 s2;
	s1 =	smov.u32 @p0 s4  }
0x9: {  	vm4 =	vcmask $0x2320;
	vm5 =	vcmask $0x2B28;
	vm6 =	vcmask $0x3330;
	[dreg:$0x7] =	wrdreg s6;
	s2 =	sshll.u32 s6, $0x7;
	s1 =	sshll.u32 s1, $0x7  }
.Ltmp0:
0xa: {  	vm7 =	vcmask $0x3B38;
	vm8 =	vmmov $0xff;
	vm11 =	vcmask $0x704;
	_ =	strace $0x80000047;
	[dreg:$0x8] =	wrdreg s25;
	(pc) =	sbr.rel .LBB2_1-.Ltmp0, $4  }
0xb: {  	vm12 =	vcmask $0xF0C;
	vm13 =	vcmask $0x1714;
	vm14 =	vcmask $0x1F1C;
	s1 =	smin.u32 s1, $0x186A0;
	s28 =	smin.u32 s2, $0x18200;
	[dreg:$0xb] =	wrdreg s0  }
0xc: {  	vm15 =	vcmask $0x2724;
	v4 =	vunpack.c.l.s4.s8 v3;
	v3 =	vimm.s32 $0x0;
	s29 =	sadd.s32 s5, s2;
	[dreg:$0x4] =	wrdreg s31;
	s30 =	sadd.s32 s28, s5  }
0xd: {  	s16 =	simm.s32 $0x3;
	v5 =	vmul.u32 $0x2, v2;
	v6 =	vor.u32 $0x1000, v2;
	v1 =	vmov s1;
	[dreg:$0x9] =	wrdreg s29;
	s1 =	sadd.s32 $0x280, s30  }
0xe: {  	v7 =	vmul.u32 $0x80, v2;
	v4 =	vunpack.c.0.s8.s32 v4;
	s4 =	simm.s32 $0x1000;
	v0 =	vmov s2;
	s2 =	simm.s32 $0x0;
	[dreg:$0xa] =	wrdreg s1  }
.LBB2_19:
0xf: {  	[sflag:s16] =	ssyncadd.s32 $0xFFFFFFC0;
	s2 =	rddreg [dreg:$0xc]  }
.LBB2_20:
0x10: {  	s2 =	sadd.s32 $0x1, s2;
	s0 =	rddreg [dreg:$0xb]  }
0x11: {  	p0 =	sne.s32 s2, s0  }
.Ltmp1:
0x12: {  	_ = 	snop;
	(pc) =	sbr.rel @!p0 .LBB2_21-.Ltmp1, $1  }
0x13: {  	_ =	sdelay $0x3  }
.LBB2_1:
0x14: {  	[dreg:$0xc] =	wrdreg s2  }
0x15: {  	s0 =	rddreg [dreg:$0x9]  }
0x16: {  	s1 =	simm.s32 $0x1400;
	s18 =	simm.s32 $0xC3800;
	s3 =	simm.s32 $0x3100  }
0x17: {  	[tilespmem:s3], [sflag:$0x1] =	stream.strided.gather [hbm4b:s0+s1], $0xA000, s18, s1, $0x38;
	[tilespmem:$0x1F100] =	vst v63  }
0x18: {  	s19 =	rddreg [dreg:$0xa];
	s20 =	simm.s32 $0xD100  }
0x19: {  	[tilespmem:s20], [sflag:$0x2] =	stream.strided.gather [hbm4b:s19+s1], $0xA000, s18, s1, $0x38;
	[tilespmem:$0x1F100] =	vst v63  }
0x1a: {  	s21 =	rddreg [dreg:$0x0];
	s22 =	simm.s32 $0x0;
	s23 =	simm.s32 $0x4  }
0x1b: {  	[tilespmem:s22], [sflag:$0x4] =	stream.linear.gather [hbm4b:s21+s22], $0x1000, $0x38;
	[tilespmem:$0x1F100] =	vst v63  }
0x1c: {  	_ =	swait.ge [sflag:s23], $0x1000  }
0x1d: {  	[sflag:s23] =	ssyncset.done $0x0  }
0x1e: {  	s24 =	simm.s32 $0x20;
	[sflag:s23] =	ssyncadd.s32 $0xFFFFF000  }
0x1f: {  	v8 =	vld [tilespmem:s24+$0xFFFFFFE0];
	_ =	sdelay $0x4  }
0x20: {  	vm10 =	vge.s32 v8, v0;
	vm9 =	vlt.s32 v8, v1  }
0x21: {  	vm9 =	vmand vm10, vm9  }
0x22: {  	v9 =	vsel vm9, $0x1, v3  }
0x23: {  	(xrf0) =	vadd.scan.msk.s32 $0xffff, v9;
	_ =	sdelay $0x2  }
0x24: {  	v9 =	vmov s22  }
0x25: {  	v9 =	vadd.s32 $0xFFFFFFFF, v9  }
0x26: {  	v9 =	vbroadcast v9, $0x0  }
0x27: {  	v10, _, _ =	vpop (xrf0)  }
0x28: {  	v9 =	vadd.s32 v10, v9;
	(v2sf) =	vpush v10, $0xF  }
0x29: {  	v8 =	vmul.u32 $0x1010, v8;
	_ =	sdelay $0x1  }
0x2a: {  	v8 =	vadd.s32 s22, v8  }
0x2b: {  	v8 =	vadd.s32 v2, v8  }
0x2c: {  	[tilespmem:v9+s4+$0x0] =	vst.idx.msk vm9, v8  }
0x2d: {  	v8 =	vld [tilespmem:s24+$0xFFFFFFF0];
	_ =	sdelay $0x4  }
0x2e: {  	vm10 =	vge.s32 v8, v0;
	vm9 =	vlt.s32 v8, v1  }
0x2f: {  	vm9 =	vmand vm10, vm9  }
0x30: {  	v9 =	vsel vm9, $0x1, v3  }
0x31: {  	(xrf0) =	vadd.scan.msk.s32 $0xffff, v9  }
0x32: {  	s25 =	spop (v2sf)  }
0x33: {  	s1 =	sadd.s32 $0x0, s25  }
0x34: {  	v9 =	vmov s1  }
0x35: {  	v9 =	vadd.s32 $0xFFFFFFFF, v9  }
0x36: {  	v9 =	vbroadcast v9, $0x0  }
0x37: {  	v10, _, _ =	vpop (xrf0)  }
0x38: {  	v9 =	vadd.s32 v10, v9;
	(v2sf) =	vpush v10, $0xF  }
0x39: {  	v8 =	vmul.u32 $0x1010, v8  }
0x3a: {  	s26 =	simm.s32 $0x10  }
0x3b: {  	v8 =	vadd.s32 s26, v8  }
0x3c: {  	v8 =	vadd.s32 v2, v8  }
0x3d: {  	[tilespmem:v9+s4+$0x0] =	vst.idx.msk vm9, v8  }
0x3e: {  	v8 =	vld [tilespmem:s24+$0x0];
	_ =	sdelay $0x4  }
0x3f: {  	vm10 =	vge.s32 v8, v0;
	vm9 =	vlt.s32 v8, v1  }
0x40: {  	vm9 =	vmand vm10, vm9  }
0x41: {  	v9 =	vsel vm9, $0x1, v3  }
0x42: {  	(xrf0) =	vadd.scan.msk.s32 $0xffff, v9  }
0x43: {  	s28 =	spop (v2sf)  }
0x44: {  	s1 =	sadd.s32 s1, s28  }
0x45: {  	v9 =	vmov s1  }
0x46: {  	v9 =	vadd.s32 $0xFFFFFFFF, v9  }
0x47: {  	v9 =	vbroadcast v9, $0x0  }
0x48: {  	v10, _, _ =	vpop (xrf0)  }
0x49: {  	v9 =	vadd.s32 v10, v9  }
0x4a: {  	v8 =	vmul.u32 $0x1010, v8;
	(v2sf) =	vpush v10, $0xF  }
0x4b: {  	s29 =	simm.s32 $0x20  }
0x4c: {  	v8 =	vadd.s32 s29, v8  }
0x4d: {  	v8 =	vadd.s32 v2, v8  }
0x4e: {  	[tilespmem:v9+s4+$0x0] =	vst.idx.msk vm9, v8  }
0x4f: {  	v8 =	vld [tilespmem:s24+$0x10];
	_ =	sdelay $0x4  }
0x50: {  	vm10 =	vge.s32 v8, v0;
	vm9 =	vlt.s32 v8, v1  }
0x51: {  	vm9 =	vmand vm10, vm9  }
0x52: {  	v9 =	vsel vm9, $0x1, v3  }
0x53: {  	(xrf0) =	vadd.scan.msk.s32 $0xffff, v9;
	_ =	sdelay $0x1  }
0x54: {  	s30 =	spop (v2sf)  }
0x55: {  	s0 =	sadd.s32 s1, s30  }
0x56: {  	v9 =	vmov s0  }
0x57: {  	v9 =	vadd.s32 $0xFFFFFFFF, v9  }
0x58: {  	v9 =	vbroadcast v9, $0x0;
	v10, _, _ =	vpop (xrf0)  }
0x59: {  	(v2sf) =	vpush v10, $0xF  }
0x5a: {  	v9 =	vadd.s32 v10, v9  }
0x5b: {  	v8 =	vmul.u32 $0x1010, v8  }
0x5c: {  	s31 =	simm.s32 $0x30  }
0x5d: {  	v8 =	vadd.s32 s31, v8  }
0x5e: {  	v8 =	vadd.s32 v2, v8  }
0x5f: {  	s22 =	simm.s32 $0x60;
	[tilespmem:v9+s4+$0x0] =	vst.idx.msk vm9, v8  }
0x60: {  	v8 =	vld [tilespmem:s22+$0xFFFFFFE0];
	_ =	sdelay $0x4  }
0x61: {  	vm10 =	vge.s32 v8, v0;
	vm9 =	vlt.s32 v8, v1  }
0x62: {  	v8 =	vmul.u32 $0x1010, v8;
	vm9 =	vmand vm10, vm9  }
0x63: {  	s21 =	simm.s32 $0x40;
	v9 =	vsel vm9, $0x1, v3  }
0x64: {  	s23 =	simm.s32 $0x80;
	v8 =	vadd.s32 s21, v8;
	(xrf0) =	vadd.scan.msk.s32 $0xffff, v9;
	s1 =	spop (v2sf)  }
.LBB2_2:
0x65: {  	p0 =	sne.s32 s23, $0xFC0  }
0x66: {  	s1 =	sadd.s32 s0, s1;
	s0 =	smov.u32 s23;
	s23 =	sadd.s32 $0x40, s23  }
0x67: {  	v9 =	vmov s1  }
0x68: {  	v9 =	vadd.s32 $0xFFFFFFFF, v9  }
0x69: {  	v9 =	vbroadcast v9, $0x0  }
0x6a: {  	v10, _, _ =	vpop (xrf0)  }
0x6b: {  	v9 =	vadd.s32 v10, v9;
	(v2sf) =	vpush v10, $0xF;
	_ =	sdelay $0x3  }
0x6c: {  	v8 =	vadd.s32 v2, v8  }
0x6d: {  	[tilespmem:v9+s4+$0x0] =	vst.idx.msk vm9, v8  }
0x6e: {  	v8 =	vld [tilespmem:s22+$0xFFFFFFF0];
	_ =	sdelay $0x4  }
0x6f: {  	vm9 =	vge.s32 v8, v0;
	vm10 =	vlt.s32 v8, v1;
	v8 =	vmul.u32 $0x1010, v8  }
0x70: {  	s2 =	sadd.s32 $0x10, s21;
	vm9 =	vmand vm9, vm10  }
0x71: {  	v8 =	vadd.s32 s2, v8;
	v9 =	vsel vm9, $0x1, v3  }
0x72: {  	(xrf0) =	vadd.scan.msk.s32 $0xffff, v9  }
0x73: {  	s2 =	spop (v2sf)  }
0x74: {  	s1 =	sadd.s32 s1, s2  }
0x75: {  	v9 =	vmov s1  }
0x76: {  	v9 =	vadd.s32 $0xFFFFFFFF, v9  }
0x77: {  	v9 =	vbroadcast v9, $0x0  }
0x78: {  	v10, _, _ =	vpop (xrf0)  }
0x79: {  	v9 =	vadd.s32 v10, v9;
	(v2sf) =	vpush v10, $0xF;
	_ =	sdelay $0x3  }
0x7a: {  	v8 =	vadd.s32 v2, v8  }
0x7b: {  	[tilespmem:v9+s4+$0x0] =	vst.idx.msk vm9, v8  }
0x7c: {  	v8 =	vld [tilespmem:s22+$0x0];
	_ =	sdelay $0x4  }
0x7d: {  	vm9 =	vge.s32 v8, v0;
	vm10 =	vlt.s32 v8, v1;
	v8 =	vmul.u32 $0x1010, v8  }
0x7e: {  	s2 =	sadd.s32 $0x20, s21;
	vm9 =	vmand vm9, vm10  }
0x7f: {  	v8 =	vadd.s32 s2, v8;
	v9 =	vsel vm9, $0x1, v3  }
0x80: {  	(xrf0) =	vadd.scan.msk.s32 $0xffff, v9  }
0x81: {  	s2 =	spop (v2sf)  }
0x82: {  	s1 =	sadd.s32 s1, s2  }
0x83: {  	v9 =	vmov s1  }
0x84: {  	v9 =	vadd.s32 $0xFFFFFFFF, v9  }
0x85: {  	v9 =	vbroadcast v9, $0x0  }
0x86: {  	v10, _, _ =	vpop (xrf0)  }
0x87: {  	v9 =	vadd.s32 v10, v9;
	(v2sf) =	vpush v10, $0xF;
	_ =	sdelay $0x3  }
0x88: {  	v8 =	vadd.s32 v2, v8  }
0x89: {  	[tilespmem:v9+s4+$0x0] =	vst.idx.msk vm9, v8  }
0x8a: {  	v8 =	vld [tilespmem:s22+$0x10];
	_ =	sdelay $0x4  }
0x8b: {  	vm9 =	vge.s32 v8, v0;
	vm10 =	vlt.s32 v8, v1;
	v8 =	vmul.u32 $0x1010, v8  }
0x8c: {  	s2 =	sadd.s32 $0x30, s21;
	s21 =	smov.u32 s0;
	vm9 =	vmand vm9, vm10  }
0x8d: {  	v8 =	vadd.s32 s2, v8;
	v9 =	vsel vm9, $0x1, v3  }
0x8e: {  	(xrf0) =	vadd.scan.msk.s32 $0xffff, v9  }
0x8f: {  	s0 =	spop (v2sf)  }
0x90: {  	s0 =	sadd.s32 s1, s0  }
0x91: {  	v9 =	vmov s0  }
0x92: {  	v9 =	vadd.s32 $0xFFFFFFFF, v9  }
0x93: {  	v9 =	vbroadcast v9, $0x0  }
0x94: {  	v10, _, _ =	vpop (xrf0)  }
0x95: {  	v9 =	vadd.s32 v10, v9;
	(v2sf) =	vpush v10, $0xF;
	_ =	sdelay $0x3  }
0x96: {  	v8 =	vadd.s32 v2, v8  }
0x97: {  	s22 =	sadd.s32 $0x40, s22;
	[tilespmem:v9+s4+$0x0] =	vst.idx.msk vm9, v8  }
0x98: {  	v8 =	vld [tilespmem:s22+$0xFFFFFFE0];
	_ =	sdelay $0x4  }
.Ltmp2:
0x99: {  	vm9 =	vge.s32 v8, v0;
	vm10 =	vlt.s32 v8, v1;
	v8 =	vmul.u32 $0x1010, v8;
	(pc) =	sbr.rel @p0 .LBB2_2-.Ltmp2, $4  }
0x9a: {  	vm9 =	vmand vm9, vm10  }
0x9b: {  	v8 =	vadd.s32 s21, v8;
	v9 =	vsel vm9, $0x1, v3  }
0x9c: {  	(xrf0) =	vadd.scan.msk.s32 $0xffff, v9  }
0x9d: {  	s1 =	spop (v2sf)  }
0x9e: {  	s0 =	sadd.s32 s0, s1  }
0x9f: {  	v9 =	vmov s0  }
0xa0: {  	v9 =	vadd.s32 $0xFFFFFFFF, v9  }
0xa1: {  	v9 =	vbroadcast v9, $0x0  }
0xa2: {  	v10, _, _ =	vpop (xrf0)  }
0xa3: {  	v9 =	vadd.s32 v10, v9;
	(v2sf) =	vpush v10, $0xF;
	_ =	sdelay $0x3  }
0xa4: {  	v8 =	vadd.s32 v2, v8  }
0xa5: {  	[tilespmem:v9+s4+$0x0] =	vst.idx.msk vm9, v8  }
0xa6: {  	v8 =	vld [tilespmem:s22+$0xFFFFFFF0];
	_ =	sdelay $0x4  }
0xa7: {  	vm9 =	vge.s32 v8, v0;
	vm10 =	vlt.s32 v8, v1  }
0xa8: {  	vm9 =	vmand vm9, vm10  }
0xa9: {  	v9 =	vsel vm9, $0x1, v3  }
0xaa: {  	(xrf0) =	vadd.scan.msk.s32 $0xffff, v9  }
0xab: {  	s24 =	spop (v2sf)  }
0xac: {  	s0 =	sadd.s32 s0, s24  }
0xad: {  	v9 =	vmov s0  }
0xae: {  	v9 =	vadd.s32 $0xFFFFFFFF, v9  }
0xaf: {  	v9 =	vbroadcast v9, $0x0  }
0xb0: {  	v10, _, _ =	vpop (xrf0)  }
0xb1: {  	v9 =	vadd.s32 v10, v9;
	(v2sf) =	vpush v10, $0xF  }
0xb2: {  	v8 =	vmul.u32 $0x1010, v8  }
0xb3: {  	s25 =	sadd.s32 $0x10, s21  }
0xb4: {  	v8 =	vadd.s32 s25, v8  }
0xb5: {  	v8 =	vadd.s32 v2, v8  }
0xb6: {  	[tilespmem:v9+s4+$0x0] =	vst.idx.msk vm9, v8  }
0xb7: {  	v8 =	vld [tilespmem:s22+$0x0];
	_ =	sdelay $0x4  }
0xb8: {  	vm9 =	vge.s32 v8, v0;
	vm10 =	vlt.s32 v8, v1  }
0xb9: {  	vm9 =	vmand vm9, vm10  }
0xba: {  	v9 =	vsel vm9, $0x1, v3  }
0xbb: {  	(xrf0) =	vadd.scan.msk.s32 $0xffff, v9  }
0xbc: {  	s26 =	spop (v2sf)  }
0xbd: {  	s0 =	sadd.s32 s0, s26  }
0xbe: {  	v9 =	vmov s0  }
0xbf: {  	v9 =	vadd.s32 $0xFFFFFFFF, v9  }
0xc0: {  	v9 =	vbroadcast v9, $0x0  }
0xc1: {  	v10, _, _ =	vpop (xrf0)  }
0xc2: {  	v9 =	vadd.s32 v10, v9  }
0xc3: {  	v8 =	vmul.u32 $0x1010, v8  }
0xc4: {  	s28 =	sadd.s32 $0x20, s21  }
0xc5: {  	v8 =	vadd.s32 s28, v8  }
0xc6: {  	v8 =	vadd.s32 v2, v8  }
0xc7: {  	[tilespmem:v9+s4+$0x0] =	vst.idx.msk vm9, v8  }
0xc8: {  	v8 =	vld [tilespmem:s22+$0x10];
	_ =	sdelay $0x4  }
0xc9: {  	vm9 =	vge.s32 v8, v0;
	vm10 =	vlt.s32 v8, v1  }
0xca: {  	vm9 =	vmand vm9, vm10  }
0xcb: {  	v9 =	vsel vm9, $0x1, v3  }
0xcc: {  	(xrf0) =	vadd.scan.msk.s32 $0xffff, v9;
	_ =	sdelay $0x4  }
0xcd: {  	(v2sf) =	vpush v10, $0xF  }
0xce: {  	v9, _, _ =	vpop (xrf0)  }
0xcf: {  	(v2sf) =	vpush v9, $0xF;
	_ =	sdelay $0xc  }
0xd0: {  	s29 =	spop (v2sf)  }
0xd1: {  	s0 =	sadd.s32 s0, s29  }
0xd2: {  	v10 =	vmov s0;
	s30 =	spop (v2sf)  }
0xd3: {  	v10 =	vadd.s32 $0xFFFFFFFF, v10;
	s0 =	sadd.s32 s0, s30  }
0xd4: {  	v10 =	vbroadcast v10, $0x0;
	s1 =	sadd.s32 $0xF, s0  }
0xd5: {  	s3 =	sadd.s32 $0x30, s21;
	s2 =	sand.u32 $0xF, s1  }
0xd6: {  	v9 =	vadd.s32 v9, v10;
	s31 =	sshra.s32 s1, $0x1F;
	p1 =	slt.s32 s1, $0x1;
	p0 =	sne.s32 s2, $0x0  }
.Ltmp3:
0xd7: {  	v8 =	vmul.u32 $0x1010, v8;
	s2 =	sshrl.u32 s31, $0x1C;
	p0 =	por !p1, !p0;
	(pc) =	sbr.rel .LBB2_4-.Ltmp3, $4  }
0xd8: {  	s1 =	sadd.s32 s2, s1;
	s2 =	simm.s32 $0x1;
	p0 =	por !p0, !p0  }
0xd9: {  	v8 =	vadd.s32 s3, v8;
	s1 =	sshra.s32 s1, $0x4;
	s2 =	simm.s32 @!p0 $0x0  }
0xda: {  	s12 =	simm.s32 $0x0;
	v8 =	vadd.s32 v2, v8;
	s1 =	ssub.s32 s1, s2  }
0xdb: {  	s7 =	simm.s32 $0x0;
	[tilespmem:v9+s4+$0x0] =	vst.idx.msk vm9, v8;
	vm9 =	vcmask $0x2F2C;
	v8 =	vmov s0;
	[dreg:$0xe] =	wrdreg s1;
	p0 =	slt.s32 s1, $0x1  }
.LBB2_15:
0xdc: {  	s7 =	rddreg [dreg:$0xf]  }
0xdd: {  	s0 =	rddreg [dreg:$0x10];
	p3 =	sgt.u32 s7, $0x2  }
0xde: {  	p4 =	sne.s32 @!p3 s0, $0x0  }
0xdf: {  	s0 =	sadd.s32 $0x2, s7;
	p2 =	por p4, p3  }
0xe0: {  	s1 =	smul.u32 @!p2 $0x5, s0  }
0xe1: {  	s6 =	rddreg [dreg:$0x7]  }
0xe2: {  	s1 =	sadd.s32 @!p2 s6, s1  }
0xe3: {  	p1 =	por !p1, !p1;
	s1 =	sshll.u32 @!p2 s1, $0x7  }
0xe4: {  	p1 =	por p3, p1;
	p5 =	slt.s32 @!p2 s1, $0x18480  }
0xe5: {  	s0 =	smul.u32 @!p1 $0x5, s0;
	p4 =	por @!p3 !p5, p4  }
0xe6: {  	s5 =	rddreg [dreg:$0x1];
	s2 =	simm.s32 @!p2 $0x1400;
	p4 =	por !p4, p3  }
0xe7: {  	s3 =	simm.s32 @!p2 $0xC3800;
	s0 =	sadd.s32 @!p1 s6, s0;
	s1 =	simm.s32 @!p4 $0x18480  }
0xe8: {  	s4 =	simm.s32 @!p2 $0x3100;
	s0 =	sshll.u32 @!p1 s0, $0x7;
	s1 =	sadd.s32 @!p2 s5, s1  }
0xe9: {  	[tilespmem:s4], [sflag:$0x1] =	stream.strided.gather @!p2 [hbm4b:s1+s2], $0xA000, s3, s2, $0x38;
	[tilespmem:$0x1F100] =	vst v63  }
0xea: {  	p2 =	slt.s32 @!p1 s0, $0x18480  }
0xeb: {  	p2 =	por !p2, p1  }
0xec: {  	s7 =	sadd.s32 $0x1, s7;
	s1 =	simm.s32 @!p1 $0x1400;
	s0 =	simm.s32 @p2 $0x18480  }
0xed: {  	s2 =	simm.s32 @!p1 $0xC3800;
	s3 =	simm.s32 @!p1 $0xD100;
	s0 =	sadd.s32 @!p1 s5, s0  }
0xee: {  	[tilespmem:s3], [sflag:$0x2] =	stream.strided.gather @!p1 [hbm4b:s0+s1], $0xA000, s2, s1, $0x38;
	[tilespmem:$0x1F100] =	vst v63  }
0xef: {  	p1 =	sne.s32 s7, $0x5  }
.Ltmp4:
0xf0: {  	_ = 	snop;
	(pc) =	sbr.rel @!p1 .LBB2_16-.Ltmp4, $1  }
0xf1: {  	_ =	sdelay $0x3  }
.LBB2_4:
0xf2: {  	s1 =	sand.u32 $0x1, s7  }
0xf3: {  	p1 =	seq.s32 s1, $0x1  }
0xf4: {  	[dreg:$0xf] =	wrdreg s7;
	s0 =	simm.s32 @!p1 $0x1  }
0xf5: {  	_ =	swait.ge @!p1 [sflag:s0], $0xA000  }
.Ltmp5:
0xf6: {  	p2 =	seq.s32 s1, $0x0;
	[sflag:s0] =	ssyncset.done @!p1 $0x0;
	(pc) =	sbr.rel @p0 .LBB2_8-.Ltmp5, $4  }
0xf7: {  	[dreg:$0x10] =	wrdreg s1;
	[sflag:s0] =	ssyncadd.s32 @!p1 $0xFFFF6000;
	s0 =	simm.s32 @!p2 $0x2  }
0xf8: {  	_ =	swait.ge @!p2 [sflag:s0], $0xA000  }
0xf9: {  	[sflag:s0] =	ssyncset.done @!p2 $0x0  }
0xfa: {  	[sflag:s0] =	ssyncadd.s32 @!p2 $0xFFFF6000;
	s0 =	simm.s32 $0x0  }
0xfb: {  	s5 =	simm.s32 $0x1000  }
0xfc: {  	v9 =	vld [tilespmem:s5+$0x0];
	_ =	sdelay $0x4  }
0xfd: {  	(v2sf) =	vpush v9, $0x7  }
0xfe: {  	(v2sf) =	vpush v9, $0x0  }
0xff: {  	(v2sf) =	vpush v9, $0x1  }
0x100: {  	(v2sf) =	vpush v9, $0x2;
	_ =	sdelay $0x2  }
0x101: {  	(v2sf) =	vpush v9, $0x3;
	_ =	sdelay $0x1  }
0x102: {  	(v2sf) =	vpush v9, $0x4;
	_ =	sdelay $0x1  }
0x103: {  	(v2sf) =	vpush v9, $0xC  }
0x104: {  	(v2sf) =	vpush v9, $0xD;
	_ =	sdelay $0x3  }
0x105: {  	(v2sf) =	vpush v9, $0xE;
	s0 =	spop (v2sf)  }
0x106: {  	(v2sf) =	vpush v9, $0x8;
	s1 =	smulhi.u32 $0x7F807F81, s0;
	s0 =	sshra.s32 s0, $0x1F;
	s2 =	spop (v2sf)  }
0x107: {  	s0 =	smul.u32 $0x7F807F81, s0;
	s3 =	spop (v2sf)  }
0x108: {  	(v2sf) =	vpush v9, $0x9;
	s4 =	smulhi.u32 $0x7F807F81, s3;
	s7 =	spop (v2sf)  }
0x109: {  	s3 =	sshra.s32 s3, $0x1F;
	s11 =	smulhi.u32 $0x7F807F81, s7  }
0x10a: {  	s7 =	sshra.s32 s7, $0x1F;
	s3 =	smul.u32 $0x7F807F81, s3  }
0x10b: {  	(v2sf) =	vpush v9, $0xA;
	s9 =	spop (v2sf);
	s8 =	smul.u32 $0x7F807F81, s7  }
0x10c: {  	[dreg:$0xd] =	wrdreg s12;
	s20 =	smulhi.u32 $0x7F807F81, s9;
	s17 =	sshra.s32 s9, $0x1F  }
0x10d: {  	s6 =	sadd.s32 s0, s1;
	s10 =	spop (v2sf);
	s19 =	smul.u32 $0x7F807F81, s17  }
0x10e: {  	s29 =	sshra.s32 s6, $0x1F;
	s13 =	sshra.s32 s10, $0x1F;
	s10 =	smulhi.u32 $0x7F807F81, s10  }
0x10f: {  	s14 =	spop (v2sf);
	s18 =	sadd.s32 s3, s4;
	s26 =	smul.u32 $0x7F807F81, s13  }
0x110: {  	(v2sf) =	vpush v9, $0xB;
	s13 =	smulhi.u32 $0x7F807F81, s2;
	s22 =	spop (v2sf);
	s28 =	sshra.s32 s14, $0x1F  }
0x111: {  	s14 =	smulhi.u32 $0x7F807F81, s14;
	s17 =	sshra.s32 s18, $0xB;
	s12 =	sshra.s32 s18, $0x1F  }
0x112: {  	(v2sf) =	vpush v9, $0xF;
	s8 =	sadd.s32 s8, s11;
	s18 =	sshrl.u32 s18, $0x1F;
	s24 =	smulhi.u32 $0x7F807F81, s22  }
0x113: {  	s15 =	sshra.s32 s22, $0x1F;
	s22 =	smul.u32 $0x7F807F81, s28;
	s28 =	sshra.s32 s2, $0x1F  }
0x114: {  	s9 =	spop (v2sf);
	s11 =	sshrl.u32 s8, $0x1F;
	s7 =	smul.u32 $0x7F807F81, s15  }
0x115: {  	s4 =	sadd.s32 s19, s20;
	s30 =	spop (v2sf);
	s31 =	smulhi.u32 $0x7F807F81, s9  }
0x116: {  	(v2sf) =	vpush v9, $0x5;
	s15 =	sshra.s32 s8, $0xB;
	s28 =	smul.u32 $0x7F807F81, s28;
	s9 =	sshra.s32 s9, $0x1F  }
0x117: {  	s8 =	sshra.s32 s8, $0x1F;
	s23 =	spop (v2sf);
	s9 =	smul.u32 $0x7F807F81, s9  }
0x118: {  	s10 =	sadd.s32 s26, s10;
	s19 =	sshra.s32 s30, $0x1F;
	s2 =	smulhi.u32 $0x7F807F81, s23  }
0x119: {  	s14 =	sadd.s32 s22, s14;
	s23 =	sshra.s32 s23, $0x1F;
	s20 =	smul.u32 $0x7F807F81, s19  }
0x11a: {  	s13 =	sadd.s32 s28, s13;
	s28 =	smulhi.u32 $0x7F807F81, s30;
	s21 =	spop (v2sf);
	(v2sf) =	vpush v9, $0x6  }
0x11b: {  	s7 =	sadd.s32 s7, s24;
	s24 =	sshra.s32 s4, $0xB;
	s23 =	smul.u32 $0x7F807F81, s23  }
0x11c: {  	s30 =	sshra.s32 s7, $0xB;
	s9 =	sadd.s32 s9, s31;
	s19 =	sshrl.u32 s13, $0x1F  }
0x11d: {  	v10 =	vmov s29;
	s29 =	sshra.s32 s13, $0xB;
	s13 =	sshra.s32 s13, $0x1F;
	s20 =	sadd.s32 s20, s28  }
0x11e: {  	s28 =	sshrl.u32 s4, $0x1F;
	v12 =	vmov s19;
	s4 =	sshra.s32 s4, $0x1F;
	s2 =	sadd.s32 s23, s2  }
0x11f: {  	v12 =	vnsel vm3, $0x0, v12;
	s19 =	sshra.s32 s20, $0xB;
	s3 =	smulhi.u32 $0x7F807F81, s21;
	s25 =	spop (v2sf)  }
0x120: {  	v12 =	vsel vm0, s18, v12;
	s18 =	sshrl.u32 s9, $0x1F;
	s0 =	sshra.s32 s21, $0x1F;
	s22 =	smulhi.u32 $0x7F807F81, s25  }
0x121: {  	v10 =	vsel vm3, s29, v10;
	s0 =	smul.u32 $0x7F807F81, s0;
	s1 =	sshra.s32 s25, $0x1F;
	s25 =	spop (v2sf)  }
0x122: {  	v10 =	vsel vm11, s13, v10;
	s21 =	sshrl.u32 s14, $0x1F;
	s14 =	sshra.s32 s14, $0xB;
	s31 =	smulhi.u32 $0x7F807F81, s25  }
0x123: {  	v10 =	vsel vm0, s17, v10;
	s9 =	sshra.s32 s9, $0xB;
	v13 =	vmov s14;
	s1 =	smul.u32 $0x7F807F81, s1;
	s25 =	sshra.s32 s25, $0x1F  }
0x124: {  	v10 =	vsel vm12, s12, v10;
	v13 =	vsel vm0, s30, v13;
	s30 =	sshrl.u32 s2, $0x1F;
	s2 =	sshra.s32 s2, $0xB;
	s3 =	sadd.s32 s0, s3  }
0x125: {  	v10 =	vsel vm1, s15, v10;
	s0 =	sshrl.u32 s7, $0x1F;
	s7 =	spop (v2sf);
	s26 =	smul.u32 $0x7F807F81, s25  }
0x126: {  	v11 =	vmov s21;
	v10 =	vsel vm13, s8, v10;
	s25 =	sshrl.u32 s10, $0x1F;
	s1 =	sadd.s32 s1, s22;
	s21 =	smulhi.u32 $0x7F807F81, s7  }
0x127: {  	vm10 =	vcmask $0x3734;
	v10 =	vsel vm2, s24, v10;
	s7 =	sshra.s32 s7, $0x1F;
	v11 =	vsel vm0, s0, v11;
	s0 =	sshra.s32 s10, $0xB;
	s22 =	sshrl.u32 s20, $0x1F  }
0x128: {  	v12 =	vsel vm1, s11, v12;
	v10 =	vsel vm14, s4, v10;
	s4 =	sshrl.u32 s3, $0x1F;
	s7 =	smul.u32 $0x7F807F81, s7;
	s17 =	sadd.s32 s26, s31;
	v15 =	vmov s22  }
0x129: {  	v14 =	vmov s19;
	v12 =	vsel vm2, s28, v12;
	s15 =	sshra.s32 s1, $0xB;
	v15 =	vsel vm0, s30, v15;
	s30 =	sshra.s32 s3, $0xB;
	s23 =	spop (v2sf)  }
0x12a: {  	v13 =	vsel vm1, s9, v13;
	v14 =	vsel vm0, s2, v14;
	v12 =	vsel vm4, s25, v12;
	s31 =	sshrl.u32 s17, $0x1F;
	s26 =	smulhi.u32 $0x7F807F81, s23;
	s8 =	sshra.s32 s23, $0x1F  }
0x12b: {  	v11 =	vsel vm1, s18, v11;
	v10 =	vsel vm4, s0, v10;
	s7 =	sadd.s32 s7, s21;
	s21 =	sshra.s32 s10, $0x1F;
	v14 =	vsel vm1, s30, v14;
	s8 =	smul.u32 $0x7F807F81, s8  }
0x12c: {  	s1 =	sshrl.u32 s1, $0x1F;
	s12 =	sshra.s32 s17, $0xB;
	v11 =	vsel vm2, s31, v11;
	v15 =	vsel vm1, s4, v15;
	v10 =	vsel vm15, s21, v10;
	s17 =	sshra.s32 s7, $0xB  }
0x12d: {  	v13 =	vsel vm2, s12, v13;
	s19 =	sshra.s32 s7, $0x1F;
	v15 =	vsel vm2, s1, v15;
	v10 =	vsel vm5, s17, v10;
	s14 =	sadd.s32 s8, s26  }
0x12e: {  	s13 =	sshrl.u32 s7, $0x1F;
	v14 =	vsel vm2, s15, v14;
	v11 =	vcombine.low v15, v11;
	v10 =	vsel vm9, s19, v10;
	s20 =	sshra.s32 s14, $0xB  }
0x12f: {  	v12 =	vsel vm5, s13, v12;
	v13 =	vcombine.low v14, v13;
	s18 =	sshrl.u32 s14, $0x1F;
	s0 =	sshra.s32 s14, $0x1F;
	v10 =	vsel vm6, s20, v10  }
0x130: {  	s22 =	sshra.s32 s6, $0xB;
	s21 =	sshrl.u32 s6, $0x1F;
	v11 =	vperm.xlane v11, v4;
	v12 =	vsel vm6, s18, v12;
	v10 =	vsel vm10, s0, v10  }
0x131: {  	v13 =	vperm.xlane v13, v4;
	v12 =	vsel vm7, s21, v12;
	v10 =	vsel vm7, s22, v10  }
0x132: {  	v12 =	vperm.xlane v12, v5;
	v10 =	vperm.xlane v10, v5  }
0x133: {  	s23 =	rddreg [dreg:$0xf]  }
0x134: {  	s0 =	smul.u32 $0x5, s23;
	v11 =	vsel vm8, v12, v11;
	v10 =	vsel vm8, v10, v13  }
0x135: {  	s24 =	rddreg [dreg:$0x7];
	v11 =	vadd.s32 v11, v10  }
0x136: {  	s0 =	sadd.s32 s24, s0;
	v10 =	vmul.u32 $0xFFFFEFF0, v11  }
0x137: {  	s0 =	sshll.u32 s0, $0x7;
	v12 =	vsub.s32 $0x0, v9  }
0x138: {  	s31 =	rddreg [dreg:$0xe];
	vm9 =	vlt.s32 v9, $0x1;
	p2 =	slt.s32 s0, $0x18480;
	vm10 =	vne.s32 v10, v12  }
0x139: {  	s0 =	simm.s32 @!p2 $0x18480;
	p2 =	sne.s32 s31, $0x1;
	vm9 =	vmand vm9, vm10  }
.Ltmp6:
0x13a: {  	s26 =	simm.s32 $0x0;
	s25 =	sadd.s32 $0x280, s0;
	v12 =	vsel vm9, $0xFFFFFFFF, v3;
	(pc) =	sbr.rel @!p2 .LBB2_7-.Ltmp6, $4  }
0x13b: {  	v13 =	vor.u32 s26, v2;
	v10 =	vmov s25;
	v11 =	vadd.s32 v12, v11  }
0x13c: {  	s30 =	smul.u32 $0xFFFFEFF0, s0;
	vm9 =	vlt.s32 v13, v8;
	v12 =	vmov s0;
	vm10 =	vlt.s32 v11, v10  }
0x13d: {  	v13 =	vmov s26;
	vm9 =	vmand vm9, vm10;
	vm10 =	vge.s32 v11, v12  }
0x13e: {  	s29 =	simm.s32 $0x0;
	s28 =	sadd.s32 $0xFFFFFFFF, s31;
	v13 =	vadd.s32 $0xFFFFFFFF, v13;
	v11 =	vmov s30;
	vm9 =	vmand vm9, vm10  }
.LBB2_6:
0x13f: {  	v14 =	vsel vm9, $0x1, v3  }
0x140: {  	(xrf0) =	vadd.scan.msk.s32 $0xffff, v14;
	_ =	sdelay $0x4  }
0x141: {  	v13 =	vbroadcast v13, $0x0  }
0x142: {  	v14, _, _ =	vpop (xrf0)  }
0x143: {  	v13 =	vadd.s32 v14, v13;
	_ =	sdelay $0x3  }
0x144: {  	s0 =	rddreg [dreg:$0x4];
	v9 =	vadd.s32 v11, v9;
	(v2sf) =	vpush v14, $0xF  }
0x145: {  	s5 =	sadd.s32 $0x10, s5;
	[tilespmem:v13+s0+$0x0] =	vst.idx.msk vm9, v9  }
0x146: {  	v9 =	vld [tilespmem:s5+$0x0];
	_ =	sdelay $0x4  }
0x147: {  	(v2sf) =	vpush v9, $0x7;
	_ =	sdelay $0x1  }
0x148: {  	(v2sf) =	vpush v9, $0x0  }
0x149: {  	(v2sf) =	vpush v9, $0x1;
	_ =	sdelay $0x1  }
0x14a: {  	(v2sf) =	vpush v9, $0x2;
	_ =	sdelay $0x2  }
0x14b: {  	s20 =	spop (v2sf);
	(v2sf) =	vpush v9, $0x3  }
0x14c: {  	(v2sf) =	vpush v9, $0x4;
	_ =	sdelay $0x1  }
0x14d: {  	(v2sf) =	vpush v9, $0xC  }
0x14e: {  	(v2sf) =	vpush v9, $0xD;
	_ =	sdelay $0x2  }
0x14f: {  	(v2sf) =	vpush v9, $0xE;
	s21 =	spop (v2sf)  }
0x150: {  	s1 =	smulhi.u32 $0x7F807F81, s21;
	s0 =	sshra.s32 s21, $0x1F  }
0x151: {  	(v2sf) =	vpush v9, $0x8;
	s2 =	spop (v2sf);
	s0 =	smul.u32 $0x7F807F81, s0  }
0x152: {  	s3 =	spop (v2sf);
	s14 =	smulhi.u32 $0x7F807F81, s2  }
0x153: {  	[dreg:$0x5] =	wrdreg s5;
	(v2sf) =	vpush v9, $0x9;
	s13 =	sshra.s32 s2, $0x1F;
	s4 =	smulhi.u32 $0x7F807F81, s3  }
0x154: {  	s7 =	spop (v2sf);
	s13 =	smul.u32 $0x7F807F81, s13  }
0x155: {  	s26 =	sadd.s32 s26, s20;
	(v2sf) =	vpush v9, $0xA;
	s3 =	sshra.s32 s3, $0x1F;
	s8 =	smulhi.u32 $0x7F807F81, s7  }
0x156: {  	(v2sf) =	vpush v9, $0xB;
	s7 =	sshra.s32 s7, $0x1F;
	s30 =	sadd.s32 s0, s1;
	s22 =	smul.u32 $0x7F807F81, s3  }
0x157: {  	s23 =	spop (v2sf);
	s1 =	sshra.s32 s30, $0x1F;
	s7 =	smul.u32 $0x7F807F81, s7  }
0x158: {  	s10 =	sshra.s32 s23, $0x1F;
	s20 =	spop (v2sf);
	s13 =	sadd.s32 s13, s14  }
0x159: {  	s0 =	sadd.s32 s22, s4;
	s4 =	smulhi.u32 $0x7F807F81, s23;
	s24 =	sshra.s32 s20, $0x1F  }
0x15a: {  	s25 =	spop (v2sf);
	s9 =	smul.u32 $0x7F807F81, s24;
	s31 =	sshra.s32 s0, $0xB  }
0x15b: {  	s5 =	sshra.s32 s0, $0x1F;
	s6 =	spop (v2sf);
	s12 =	smulhi.u32 $0x7F807F81, s25  }
0x15c: {  	s11 =	sshra.s32 s25, $0x1F;
	s7 =	sadd.s32 s7, s8;
	s22 =	smulhi.u32 $0x7F807F81, s6  }
0x15d: {  	(v2sf) =	vpush v9, $0xF;
	s8 =	sshrl.u32 s0, $0x1F;
	s2 =	sshra.s32 s6, $0x1F;
	s23 =	smul.u32 $0x7F807F81, s11  }
0x15e: {  	s24 =	spop (v2sf);
	s11 =	sshrl.u32 s7, $0x1F;
	s15 =	smul.u32 $0x7F807F81, s2  }
0x15f: {  	v14 =	vmov s1;
	s1 =	sshra.s32 s7, $0x1F;
	s2 =	sshra.s32 s7, $0xB;
	s7 =	smul.u32 $0x7F807F81, s10  }
0x160: {  	s18 =	sshra.s32 s24, $0x1F;
	s19 =	spop (v2sf);
	s3 =	smulhi.u32 $0x7F807F81, s24  }
0x161: {  	[dreg:$0x6] =	wrdreg s5;
	s24 =	sshra.s32 s19, $0x1F;
	s18 =	smul.u32 $0x7F807F81, s18  }
0x162: {  	s17 =	spop (v2sf);
	s5 =	sadd.s32 s23, s12;
	s19 =	smulhi.u32 $0x7F807F81, s19  }
0x163: {  	(v2sf) =	vpush v9, $0x5;
	s21 =	smulhi.u32 $0x7F807F81, s17;
	s10 =	sshra.s32 s17, $0x1F;
	s12 =	sshrl.u32 s5, $0x1F  }
0x164: {  	s17 =	smulhi.u32 $0x7F807F81, s20;
	s15 =	sadd.s32 s15, s22;
	s6 =	spop (v2sf)  }
0x165: {  	s5 =	sshra.s32 s5, $0xB;
	s4 =	sadd.s32 s7, s4;
	s25 =	spop (v2sf);
	(v2sf) =	vpush v9, $0x6  }
0x166: {  	s0 =	sshra.s32 s15, $0xB;
	v16 =	vmov s5;
	s5 =	smul.u32 $0x7F807F81, s10;
	s10 =	sshra.s32 s4, $0xB  }
0x167: {  	s15 =	sshrl.u32 s15, $0x1F;
	s7 =	sshra.s32 s4, $0x1F;
	s3 =	sadd.s32 s18, s3  }
0x168: {  	v16 =	vsel vm0, s0, v16;
	s0 =	sshrl.u32 s4, $0x1F;
	s14 =	sadd.s32 s9, s17;
	s9 =	sshrl.u32 s13, $0x1F  }
0x169: {  	v15 =	vmov s12;
	s18 =	sshrl.u32 s3, $0x1F;
	s4 =	sadd.s32 s5, s21;
	s21 =	smul.u32 $0x7F807F81, s24  }
0x16a: {  	v15 =	vsel vm0, s15, v15;
	v17 =	vmov s9;
	s9 =	sshra.s32 s14, $0xB;
	s23 =	smulhi.u32 $0x7F807F81, s6;
	s6 =	sshra.s32 s6, $0x1F  }
0x16b: {  	v15 =	vsel vm1, s18, v15;
	s18 =	sshra.s32 s3, $0xB;
	s19 =	sadd.s32 s21, s19;
	s6 =	smul.u32 $0x7F807F81, s6  }
0x16c: {  	s12 =	smulhi.u32 $0x7F807F81, s25;
	s22 =	sshra.s32 s25, $0x1F;
	s25 =	spop (v2sf)  }
0x16d: {  	s5 =	smul.u32 $0x7F807F81, s22;
	s22 =	sshra.s32 s13, $0xB;
	s6 =	sadd.s32 s6, s23  }
0x16e: {  	v17 =	vnsel vm3, $0x0, v17;
	s23 =	sshrl.u32 s19, $0x1F;
	s19 =	sshra.s32 s19, $0xB;
	v14 =	vsel vm3, s22, v14;
	s22 =	sshra.s32 s13, $0x1F  }
0x16f: {  	v17 =	vsel vm0, s8, v17;
	s20 =	smulhi.u32 $0x7F807F81, s25;
	s24 =	sshra.s32 s25, $0x1F;
	s25 =	sshrl.u32 s4, $0x1F;
	v14 =	vsel vm11, s22, v14  }
0x170: {  	v17 =	vsel vm1, s11, v17;
	s4 =	sshra.s32 s4, $0xB;
	s11 =	sshra.s32 s6, $0xB;
	v14 =	vsel vm0, s31, v14;
	s31 =	rddreg [dreg:$0x6]  }
0x171: {  	s6 =	sshrl.u32 s6, $0x1F;
	s5 =	sadd.s32 s5, s12;
	s21 =	smul.u32 $0x7F807F81, s24;
	v14 =	vsel vm12, s31, v14  }
0x172: {  	v16 =	vsel vm1, s18, v16;
	v19 =	vmov s23;
	s24 =	sshrl.u32 s14, $0x1F;
	s15 =	spop (v2sf);
	s23 =	sshrl.u32 s5, $0x1F;
	v14 =	vsel vm1, s2, v14  }
0x173: {  	v17 =	vsel vm2, s0, v17;
	v18 =	vmov s19;
	s17 =	smulhi.u32 $0x7F807F81, s15;
	s8 =	sshra.s32 s15, $0x1F;
	s15 =	sshra.s32 s14, $0x1F;
	v14 =	vsel vm13, s1, v14  }
0x174: {  	v18 =	vsel vm0, s4, v18;
	v19 =	vsel vm0, s25, v19;
	s12 =	sadd.s32 s21, s20;
	s8 =	smul.u32 $0x7F807F81, s8;
	v14 =	vsel vm2, s10, v14;
	s22 =	spop (v2sf)  }
0x175: {  	v17 =	vsel vm4, s24, v17;
	v19 =	vsel vm1, s6, v19;
	s20 =	sshra.s32 s5, $0xB;
	v14 =	vsel vm14, s7, v14;
	s14 =	smulhi.u32 $0x7F807F81, s22;
	s0 =	sshra.s32 s22, $0x1F  }
0x176: {  	v18 =	vsel vm1, s11, v18;
	v62 =	vsel vm2, s23, v19;
	s18 =	sshrl.u32 s12, $0x1F;
	s8 =	sadd.s32 s8, s17;
	v14 =	vsel vm4, s9, v14;
	s0 =	smul.u32 $0x7F807F81, s0  }
0x177: {  	s4 =	sshra.s32 s12, $0xB;
	v18 =	vsel vm2, s20, v18;
	v15 =	vsel vm2, s18, v15;
	v14 =	vsel vm15, s15, v14;
	s22 =	sshra.s32 s8, $0xB  }
0x178: {  	v16 =	vsel vm2, s4, v16;
	vm2 =	vcmask $0x2F2C;
	s24 =	sshra.s32 s8, $0x1F;
	v14 =	vsel vm5, s22, v14;
	s0 =	sadd.s32 s0, s14  }
0x179: {  	v16 =	vcombine.low v18, v16;
	v15 =	vcombine.low v62, v15;
	s19 =	sshrl.u32 s8, $0x1F;
	v14 =	vsel vm2, s24, v14;
	s25 =	sshra.s32 s0, $0xB  }
0x17a: {  	v17 =	vsel vm5, s19, v17;
	vm2 =	vcmask $0x3734;
	s21 =	sshrl.u32 s0, $0x1F;
	s0 =	sshra.s32 s0, $0x1F;
	v14 =	vsel vm6, s25, v14  }
0x17b: {  	s23 =	sshrl.u32 s30, $0x1F;
	s31 =	sshra.s32 s30, $0xB;
	v15 =	vperm.xlane v15, v4;
	v17 =	vsel vm6, s21, v17;
	v14 =	vsel vm2, s0, v14  }
0x17c: {  	v16 =	vperm.xlane v16, v4;
	v17 =	vsel vm7, s23, v17;
	v14 =	vsel vm7, s31, v14  }
0x17d: {  	v17 =	vperm.xlane v17, v5;
	v14 =	vperm.xlane v14, v5;
	_ =	sdelay $0x1  }
0x17e: {  	v63 =	vsub.s32 $0x0, v9;
	v15 =	vsel vm8, v17, v15;
	v14 =	vsel vm8, v14, v16  }
0x17f: {  	vm9 =	vlt.s32 v9, $0x1;
	v13 =	vmov s26;
	v14 =	vadd.s32 v15, v14  }
0x180: {  	v13 =	vadd.s32 $0xFFFFFFFF, v13;
	vm2 =	vmmov vm1;
	v15 =	vmul.u32 $0xFFFFEFF0, v14  }
0x181: {  	vm1 =	vmmov vm0;
	vm0 =	vmmov vm8;
	vm8 =	vmmov vm7  }
0x182: {  	vm7 =	vmmov vm6;
	vm6 =	vmmov vm5;
	vm10 =	vne.s32 v15, v63  }
0x183: {  	vm5 =	vmmov vm4;
	vm4 =	vmmov vm3;
	vm9 =	vmand vm9, vm10  }
0x184: {  	s29 =	sadd.s32 $0x10, s29;
	vm3 =	vmmov vm15;
	vm15 =	vmmov vm14;
	v15 =	vsel vm9, $0xFFFFFFFF, v3  }
0x185: {  	vm14 =	vmmov vm13;
	v14 =	vadd.s32 v15, v14;
	v15 =	vor.u32 s29, v2  }
0x186: {  	vm13 =	vmmov vm12;
	vm9 =	vlt.s32 v15, v8;
	vm10 =	vlt.s32 v14, v10  }
0x187: {  	p2 =	sne.s32 s28, $0x1;
	vm12 =	vmmov vm11;
	vm11 =	vge.s32 v14, v12;
	vm9 =	vmand vm9, vm10  }
.Ltmp7:
0x188: {  	vm9 =	vmand vm9, vm11;
	vm11 =	vmmov vm12;
	vm12 =	vmmov vm13;
	(pc) =	sbr.rel @p2 .LBB2_6-.Ltmp7, $4  }
0x189: {  	vm13 =	vmmov vm14;
	vm14 =	vmmov vm15;
	vm15 =	vmmov vm3  }
0x18a: {  	vm3 =	vmmov vm4;
	vm4 =	vmmov vm5;
	vm5 =	vmmov vm6  }
0x18b: {  	vm6 =	vmmov vm7;
	vm7 =	vmmov vm8;
	vm8 =	vmmov vm0  }
0x18c: {  	s28 =	sadd.s32 $0xFFFFFFFF, s28;
	s5 =	rddreg [dreg:$0x5];
	vm0 =	vmmov vm1;
	vm1 =	vmmov vm2;
	vm2 =	vcmask $0x1B18  }
.LBB2_7:
0x18d: {  	v10 =	vsel vm9, $0x1, v3  }
0x18e: {  	(xrf0) =	vadd.scan.msk.s32 $0xffff, v10;
	_ =	sdelay $0x5  }
0x18f: {  	v10, _, _ =	vpop (xrf0)  }
0x190: {  	(v2sf) =	vpush v10, $0xF;
	_ =	sdelay $0x8  }
0x191: {  	v12 =	vbroadcast v13, $0x0;
	_ =	sdelay $0x1  }
0x192: {  	v10 =	vadd.s32 v10, v12;
	_ =	sdelay $0x3  }
0x193: {  	s0 =	rddreg [dreg:$0x4];
	v9 =	vadd.s32 v11, v9;
	s1 =	spop (v2sf)  }
0x194: {  	s12 =	rddreg [dreg:$0xd];
	[tilespmem:v10+s0+$0x0] =	vst.idx.msk vm9, v9;
	vm9 =	vcmask $0x2F2C;
	s0 =	sadd.s32 s26, s1  }
.LBB2_8:
0x195: {  	s1 =	sadd.s32 $0xF, s0  }
0x196: {  	s2 =	sand.u32 $0xF, s1  }
0x197: {  	s3 =	sshra.s32 s1, $0x1F;
	p2 =	slt.s32 s1, $0x1;
	p3 =	sne.s32 s2, $0x0  }
0x198: {  	s31 =	sshrl.u32 s3, $0x1C;
	p2 =	por !p2, !p3  }
0x199: {  	s2 =	simm.s32 $0x1;
	s1 =	sadd.s32 s31, s1;
	p2 =	por !p2, !p2  }
0x19a: {  	s1 =	sshra.s32 s1, $0x4;
	s2 =	simm.s32 @!p2 $0x0  }
0x19b: {  	s1 =	ssub.s32 s1, s2  }
0x19c: {  	p2 =	slt.s32 s1, $0x1  }
.Ltmp8:
0x19d: {  	_ = 	snop;
	(pc) =	sbr.rel @p2 .LBB2_15-.Ltmp8, $2  }
0x19e: {  	_ =	sdelay $0x2  }
0x19f: {  	[dreg:$0x11] =	wrdreg s1  }
0x1a0: {  	s1 =	rddreg [dreg:$0x10]  }
0x1a1: {  	v9 =	vmov s1  }
0x1a2: {  	v9 =	vmul.u32 $0xA000, v9;
	_ =	sdelay $0x1  }
.Ltmp9:
0x1a3: {  	v9 =	vbroadcast v9, $0x0;
	(pc) =	sbr.rel .LBB2_10-.Ltmp9, $4  }
0x1a4: {  	_ = 	snop  }
0x1a5: {  	v10 =	vmov s0;
	v11 =	vor.u32 $0x1400, v9  }
0x1a6: {  	v12 =	vadd.s32 $0x2800, v9;
	v13 =	vadd.s32 $0x3C00, v9;
	v14 =	vadd.s32 $0x5000, v9  }
0x1a7: {  	s1 =	simm.s32 $0x0;
	v15 =	vadd.s32 $0x6400, v9;
	v16 =	vadd.s32 $0x7800, v9;
	v17 =	vadd.s32 $0x8C00, v9  }
.LBB2_14:
0x1a8: {  	s5 =	smulhi.u32 $0x7F807F81, s4  }
0x1a9: {  	s6 =	smulhi.u32 $0x7F807F81, s22  }
0x1aa: {  	s15 =	smulhi.u32 $0x7F807F81, s31  }
0x1ab: {  	s18 =	smulhi.u32 $0x7F807F81, s30  }
0x1ac: {  	s21 =	smulhi.u32 $0x7F807F81, s20  }
0x1ad: {  	s12 =	sshra.s32 s22, $0x1F;
	s22 =	smulhi.u32 $0x7F807F81, s13  }
0x1ae: {  	s24 =	smulhi.u32 $0x7F807F81, s10  }
0x1af: {  	s28 =	sshra.s32 s4, $0x1F;
	s25 =	smulhi.u32 $0x7F807F81, s9  }
0x1b0: {  	s4 =	smul.u32 $0x7F807F81, s28  }
0x1b1: {  	s17 =	sshra.s32 s31, $0x1F;
	s12 =	smul.u32 $0x7F807F81, s12  }
0x1b2: {  	s19 =	sshra.s32 s30, $0x1F;
	s17 =	smul.u32 $0x7F807F81, s17  }
0x1b3: {  	s29 =	sshra.s32 s20, $0x1F;
	s19 =	smul.u32 $0x7F807F81, s19  }
0x1b4: {  	s30 =	sshra.s32 s13, $0x1F;
	s20 =	smul.u32 $0x7F807F81, s29  }
0x1b5: {  	s31 =	sshra.s32 s10, $0x1F;
	s23 =	smul.u32 $0x7F807F81, s30  }
0x1b6: {  	s30 =	smul.u32 $0x7F807F81, s31  }
0x1b7: {  	s10 =	sshra.s32 s3, $0x1F;
	s31 =	smulhi.u32 $0x7F807F81, s3  }
0x1b8: {  	s13 =	sshra.s32 s9, $0x1F;
	s3 =	smul.u32 $0x7F807F81, s10  }
0x1b9: {  	s28 =	smul.u32 $0x7F807F81, s13  }
0x1ba: {  	s26 =	sshra.s32 s8, $0x1F;
	s29 =	smulhi.u32 $0x7F807F81, s8  }
0x1bb: {  	s26 =	smul.u32 $0x7F807F81, s26  }
0x1bc: {  	s9 =	sshra.s32 s1, $0x1F;
	s10 =	sadd.s32 s4, s5;
	s4 =	smulhi.u32 $0x7F807F81, s1  }
0x1bd: {  	s5 =	smul.u32 $0x7F807F81, s9  }
0x1be: {  	s8 =	sadd.s32 s12, s6;
	s13 =	sadd.s32 s17, s15;
	s6 =	smulhi.u32 $0x7F807F81, s7  }
0x1bf: {  	s1 =	sadd.s32 s19, s18;
	s17 =	sshra.s32 s7, $0x1F;
	s15 =	smulhi.u32 $0x7F807F81, s11  }
0x1c0: {  	s7 =	sadd.s32 s20, s21;
	s9 =	sadd.s32 s23, s22;
	s21 =	smulhi.u32 $0x7F807F81, s14  }
0x1c1: {  	s30 =	sadd.s32 s30, s24;
	s18 =	sshra.s32 s11, $0x1F;
	s12 =	smul.u32 $0x7F807F81, s17  }
0x1c2: {  	s31 =	sadd.s32 s3, s31;
	s22 =	sshra.s32 s14, $0x1F;
	s19 =	smul.u32 $0x7F807F81, s18  }
0x1c3: {  	s20 =	sadd.s32 s26, s29;
	s26 =	sshra.s32 s2, $0x1F;
	s14 =	smul.u32 $0x7F807F81, s22  }
0x1c4: {  	s17 =	sshrl.u32 s10, $0x1F;
	s18 =	sadd.s32 s28, s25;
	s25 =	smulhi.u32 $0x7F807F81, s2  }
0x1c5: {  	s23 =	sshrl.u32 s8, $0x1F;
	s24 =	sshrl.u32 s13, $0x1F;
	s2 =	smul.u32 $0x7F807F81, s26  }
0x1c6: {  	s22 =	sshra.s32 s20, $0xB;
	s4 =	sadd.s32 s5, s4;
	s11 =	sadd.s32 s14, s21  }
0x1c7: {  	s5 =	sshrl.u32 s1, $0x1F;
	s28 =	sshra.s32 s18, $0xB;
	s14 =	sshra.s32 s11, $0x1F  }
0x1c8: {  	v20 =	vmov s23;
	s29 =	sshrl.u32 s18, $0x1F;
	s18 =	sshra.s32 s18, $0x1F;
	s23 =	smulhi.u32 $0x7F807F81, s0;
	v18 =	vmov s14  }
0x1c9: {  	s6 =	sadd.s32 s12, s6;
	s3 =	sadd.s32 s19, s15;
	s15 =	sshrl.u32 s7, $0x1F;
	v20 =	vsel vm0, s17, v20;
	v18 =	vsel vm3, s28, v18  }
0x1ca: {  	s19 =	sshrl.u32 s9, $0x1F;
	v21 =	vmov s29;
	s2 =	sadd.s32 s2, s25;
	s17 =	sshrl.u32 s20, $0x1F;
	v20 =	vsel vm1, s24, v20;
	v18 =	vsel vm11, s18, v18  }
0x1cb: {  	s25 =	sshra.s32 s20, $0x1F;
	s26 =	sshrl.u32 s4, $0x1F;
	s29 =	sshrl.u32 s30, $0x1F;
	v21 =	vnsel vm3, $0x0, v21;
	v22 =	vmov s19;
	v18 =	vsel vm0, s22, v18  }
0x1cc: {  	s20 =	sshrl.u32 s31, $0x1F;
	s24 =	sshra.s32 s0, $0x1F;
	v20 =	vsel vm2, s5, v20;
	v21 =	vsel vm0, s17, v21;
	s28 =	sshra.s32 s4, $0xB;
	v18 =	vsel vm12, s25, v18  }
0x1cd: {  	s0 =	smul.u32 $0x7F807F81, s24;
	s17 =	sshrl.u32 s6, $0x1F;
	v22 =	vsel vm0, s15, v22;
	v21 =	vsel vm1, s26, v21;
	s4 =	sshra.s32 s4, $0x1F;
	v18 =	vsel vm1, s28, v18  }
0x1ce: {  	s19 =	sshra.s32 s6, $0xB;
	s6 =	sshra.s32 s6, $0x1F;
	v22 =	vsel vm1, s29, v22;
	s26 =	sshra.s32 s9, $0xB;
	v21 =	vsel vm2, s17, v21;
	v18 =	vsel vm13, s4, v18  }
0x1cf: {  	s0 =	sadd.s32 s0, s23;
	s18 =	sshrl.u32 s3, $0x1F;
	v22 =	vsel vm2, s20, v22;
	s23 =	sshra.s32 s8, $0xB;
	v24 =	vmov s26;
	v18 =	vsel vm2, s19, v18  }
0x1d0: {  	s24 =	sshra.s32 s3, $0xB;
	s29 =	sshra.s32 s7, $0xB;
	v21 =	vsel vm4, s18, v21;
	v23 =	vmov s23;
	v18 =	vsel vm14, s6, v18  }
0x1d1: {  	s21 =	sshrl.u32 s2, $0x1F;
	s7 =	sshra.s32 s30, $0xB;
	s3 =	sshra.s32 s3, $0x1F;
	v24 =	vsel vm0, s29, v24;
	v20 =	vcombine.low v22, v20;
	v18 =	vsel vm4, s24, v18  }
0x1d2: {  	s22 =	sshrl.u32 s0, $0x1F;
	v21 =	vsel vm5, s21, v21;
	s25 =	sshra.s32 s10, $0xB;
	v24 =	vsel vm1, s7, v24;
	s6 =	sshra.s32 s2, $0xB;
	v18 =	vsel vm15, s3, v18  }
0x1d3: {  	s8 =	sshra.s32 s31, $0xB;
	v21 =	vsel vm6, s22, v21;
	v23 =	vsel vm0, s25, v23;
	s28 =	sshra.s32 s13, $0xB;
	s2 =	sshra.s32 s2, $0x1F;
	v18 =	vsel vm5, s6, v18  }
0x1d4: {  	s1 =	sshra.s32 s1, $0xB;
	s9 =	sshra.s32 s0, $0xB;
	v24 =	vsel vm2, s8, v24;
	v23 =	vsel vm1, s28, v23;
	v18 =	vsel vm9, s2, v18  }
0x1d5: {  	s0 =	sshra.s32 s0, $0x1F;
	s10 =	sshrl.u32 s11, $0x1F;
	v23 =	vsel vm2, s1, v23;
	vm9 =	vcmask $0x3734;
	v18 =	vsel vm6, s9, v18  }
0x1d6: {  	s12 =	sshra.s32 s11, $0xB;
	v21 =	vsel vm7, s10, v21;
	v31 =	vcombine.low v24, v23;
	v18 =	vsel vm9, s0, v18  }
0x1d7: {  	v20 =	vperm.xlane v20, v4;
	v21 =	vperm.xlane v21, v5;
	v18 =	vsel vm7, s12, v18  }
0x1d8: {  	v22 =	vperm.xlane v31, v4;
	v18 =	vperm.xlane v18, v5;
	_ =	sdelay $0x1  }
0x1d9: {  	v20 =	vsel vm8, v21, v20;
	v18 =	vsel vm8, v18, v22  }
0x1da: {  	v20 =	vadd.s32 v20, v18  }
0x1db: {  	v18 =	vmul.u32 $0xFFFFEFF0, v20;
	_ =	sdelay $0x1  }
0x1dc: {  	v18 =	vadd.s32 v19, v18  }
0x1dd: {  	vm9 =	vlt.s32 v19, $0x1;
	vm10 =	vne.s32 v18, $0x0  }
0x1de: {  	s13 =	rddreg [dreg:$0x14];
	vm9 =	vmand vm9, vm10  }
0x1df: {  	v19 =	vor.u32 s13, v2;
	v32 =	vsel vm9, $0xFFFFFFFF, v3  }
0x1e0: {  	vm9 =	vlt.s32 v19, v10;
	v19 =	vadd.s32 v32, v20  }
0x1e1: {  	v19 =	vnsel vm9, $0x0, v19  }
0x1e2: {  	v33 =	vshll.u32 v19, $0x3  }
0x1e3: {  	v21 =	vand.u32 $0xFFFFFC00, v33  }
0x1e4: {  	v20 =	vand.u32 $0x7F, v19;
	v29 =	vadd.s32 v9, v21  }
0x1e5: {  	v19 =	vor.u32 v20, v29  }
0x1e6: {  	s14 =	rddreg [dreg:$0x13]  }
0x1e7: {  	s15 =	sshll.u32 s14, $0x4  }
0x1e8: {  	v34 =	vmov s15  }
0x1e9: {  	s17 =	simm.s32 $0x3100;
	v22 =	vshll.u32 v34, $0x7  }
0x1ea: {  	v35 =	vld.idx.msk [tilespmem:v19+s17+$0x0], $0xffff;
	v19 =	vor.u32 v7, v22;
	v22 =	vor.u32 $0x80, v20  }
0x1eb: {  	v36 =	vor.u32 v29, v22;
	_ =	sdelay $0x2  }
0x1ec: {  	s18 =	simm.s32 $0x17100  }
0x1ed: {  	[tilespmem:v19+s18+$0x0] =	vst.idx.msk $0xffff, v35  }
0x1ee: {  	v23 =	vor.u32 $0x100, v20;
	v25 =	vor.u32 $0x1, v19;
	v24 =	vld.idx.msk [tilespmem:v36+s17+$0x0], $0xffff  }
0x1ef: {  	v26 =	vor.u32 v29, v23;
	_ =	sdelay $0x3  }
0x1f0: {  	[tilespmem:v25+s18+$0x0] =	vst.idx.msk $0xffff, v24  }
0x1f1: {  	v37 =	vor.u32 $0x2, v19;
	v24 =	vor.u32 $0x180, v20;
	v25 =	vld.idx.msk [tilespmem:v26+s17+$0x0], $0xffff  }
0x1f2: {  	v27 =	vor.u32 v29, v24;
	_ =	sdelay $0x3  }
0x1f3: {  	[tilespmem:v37+s18+$0x0] =	vst.idx.msk $0xffff, v25  }
0x1f4: {  	v38 =	vor.u32 $0x3, v19;
	v25 =	vld.idx.msk [tilespmem:v27+s17+$0x0], $0xffff;
	v27 =	vor.u32 $0x200, v20  }
0x1f5: {  	v28 =	vor.u32 v29, v27;
	_ =	sdelay $0x3  }
0x1f6: {  	[tilespmem:v38+s18+$0x0] =	vst.idx.msk $0xffff, v25  }
0x1f7: {  	v39 =	vor.u32 $0x4, v19;
	v25 =	vld.idx.msk [tilespmem:v28+s17+$0x0], $0xffff;
	v28 =	vor.u32 $0x280, v20  }
0x1f8: {  	v30 =	vor.u32 v29, v28;
	_ =	sdelay $0x3  }
0x1f9: {  	[tilespmem:v39+s18+$0x0] =	vst.idx.msk $0xffff, v25  }
0x1fa: {  	v40 =	vor.u32 $0x5, v19;
	v25 =	vor.u32 $0x300, v20;
	v26 =	vld.idx.msk [tilespmem:v30+s17+$0x0], $0xffff  }
0x1fb: {  	v31 =	vor.u32 v29, v25;
	_ =	sdelay $0x3  }
0x1fc: {  	[tilespmem:v40+s18+$0x0] =	vst.idx.msk $0xffff, v26  }
0x1fd: {  	v41 =	vor.u32 $0x6, v19;
	v26 =	vor.u32 $0x380, v20;
	v30 =	vld.idx.msk [tilespmem:v31+s17+$0x0], $0xffff  }
0x1fe: {  	v29 =	vor.u32 v29, v26;
	_ =	sdelay $0x3  }
0x1ff: {  	[tilespmem:v41+s18+$0x0] =	vst.idx.msk $0xffff, v30  }
0x200: {  	v43 =	vadd.s32 v11, v21;
	v42 =	vor.u32 $0x7, v19;
	v29 =	vld.idx.msk [tilespmem:v29+s17+$0x0], $0xffff  }
0x201: {  	v32 =	vor.u32 v20, v43;
	_ =	sdelay $0x3  }
0x202: {  	[tilespmem:v42+s18+$0x0] =	vst.idx.msk $0xffff, v29  }
0x203: {  	v44 =	vor.u32 $0x8, v19;
	v29 =	vld.idx.msk [tilespmem:v32+s17+$0x0], $0xffff  }
0x204: {  	v45 =	vor.u32 v43, v22;
	_ =	sdelay $0x3  }
0x205: {  	[tilespmem:v44+s18+$0x0] =	vst.idx.msk $0xffff, v29  }
0x206: {  	v46 =	vor.u32 $0x9, v19;
	v29 =	vld.idx.msk [tilespmem:v45+s17+$0x0], $0xffff  }
0x207: {  	v47 =	vor.u32 v43, v23;
	_ =	sdelay $0x3  }
0x208: {  	[tilespmem:v46+s18+$0x0] =	vst.idx.msk $0xffff, v29  }
0x209: {  	v48 =	vor.u32 $0xA, v19;
	v29 =	vld.idx.msk [tilespmem:v47+s17+$0x0], $0xffff  }
0x20a: {  	v49 =	vor.u32 v43, v24;
	_ =	sdelay $0x3  }
0x20b: {  	[tilespmem:v48+s18+$0x0] =	vst.idx.msk $0xffff, v29  }
0x20c: {  	v50 =	vor.u32 $0xB, v19;
	v29 =	vld.idx.msk [tilespmem:v49+s17+$0x0], $0xffff  }
0x20d: {  	v51 =	vor.u32 v43, v27;
	_ =	sdelay $0x3  }
0x20e: {  	[tilespmem:v50+s18+$0x0] =	vst.idx.msk $0xffff, v29  }
0x20f: {  	v52 =	vor.u32 $0xC, v19;
	v29 =	vld.idx.msk [tilespmem:v51+s17+$0x0], $0xffff  }
0x210: {  	v53 =	vor.u32 v43, v28;
	_ =	sdelay $0x3  }
0x211: {  	[tilespmem:v52+s18+$0x0] =	vst.idx.msk $0xffff, v29  }
0x212: {  	v54 =	vor.u32 $0xD, v19;
	v29 =	vld.idx.msk [tilespmem:v53+s17+$0x0], $0xffff  }
0x213: {  	v55 =	vor.u32 v43, v25;
	_ =	sdelay $0x3  }
0x214: {  	[tilespmem:v54+s18+$0x0] =	vst.idx.msk $0xffff, v29  }
0x215: {  	v56 =	vor.u32 $0xE, v19;
	v29 =	vld.idx.msk [tilespmem:v55+s17+$0x0], $0xffff  }
0x216: {  	v31 =	vor.u32 v43, v26;
	_ =	sdelay $0x3  }
0x217: {  	[tilespmem:v56+s18+$0x0] =	vst.idx.msk $0xffff, v29  }
0x218: {  	v58 =	vadd.s32 v12, v21;
	v57 =	vor.u32 $0xF, v19;
	v29 =	vld.idx.msk [tilespmem:v31+s17+$0x0], $0xffff  }
0x219: {  	v59 =	vor.u32 v58, v20;
	_ =	sdelay $0x3  }
0x21a: {  	[tilespmem:v57+s18+$0x0] =	vst.idx.msk $0xffff, v29  }
0x21b: {  	v60 =	vor.u32 $0x10, v19;
	v29 =	vld.idx.msk [tilespmem:v59+s17+$0x0], $0xffff  }
0x21c: {  	v61 =	vor.u32 v58, v22;
	_ =	sdelay $0x3  }
0x21d: {  	[tilespmem:v60+s18+$0x0] =	vst.idx.msk $0xffff, v29  }
0x21e: {  	v62 =	vor.u32 $0x11, v19;
	v29 =	vld.idx.msk [tilespmem:v61+s17+$0x0], $0xffff  }
0x21f: {  	v63 =	vor.u32 v58, v23;
	_ =	sdelay $0x3  }
0x220: {  	[tilespmem:v62+s18+$0x0] =	vst.idx.msk $0xffff, v29  }
0x221: {  	v36 =	vor.u32 $0x12, v19;
	v29 =	vld.idx.msk [tilespmem:v63+s17+$0x0], $0xffff  }
0x222: {  	v37 =	vor.u32 v58, v24;
	_ =	sdelay $0x3  }
0x223: {  	[tilespmem:v36+s18+$0x0] =	vst.idx.msk $0xffff, v29  }
0x224: {  	v38 =	vor.u32 $0x13, v19;
	v29 =	vld.idx.msk [tilespmem:v37+s17+$0x0], $0xffff  }
0x225: {  	v39 =	vor.u32 v58, v27;
	_ =	sdelay $0x3  }
0x226: {  	[tilespmem:v38+s18+$0x0] =	vst.idx.msk $0xffff, v29  }
0x227: {  	v40 =	vor.u32 $0x14, v19;
	v29 =	vld.idx.msk [tilespmem:v39+s17+$0x0], $0xffff  }
0x228: {  	v41 =	vor.u32 v58, v28;
	_ =	sdelay $0x3  }
0x229: {  	[tilespmem:v40+s18+$0x0] =	vst.idx.msk $0xffff, v29  }
0x22a: {  	v42 =	vor.u32 $0x15, v19;
	v29 =	vld.idx.msk [tilespmem:v41+s17+$0x0], $0xffff  }
0x22b: {  	v43 =	vor.u32 v58, v25;
	_ =	sdelay $0x3  }
0x22c: {  	[tilespmem:v42+s18+$0x0] =	vst.idx.msk $0xffff, v29  }
0x22d: {  	v44 =	vor.u32 $0x16, v19;
	v29 =	vld.idx.msk [tilespmem:v43+s17+$0x0], $0xffff  }
0x22e: {  	v31 =	vor.u32 v58, v26;
	_ =	sdelay $0x3  }
0x22f: {  	[tilespmem:v44+s18+$0x0] =	vst.idx.msk $0xffff, v29  }
0x230: {  	v45 =	vor.u32 $0x17, v19;
	v46 =	vadd.s32 v13, v21;
	v29 =	vld.idx.msk [tilespmem:v31+s17+$0x0], $0xffff  }
0x231: {  	v47 =	vor.u32 v46, v20;
	_ =	sdelay $0x3  }
0x232: {  	[tilespmem:v45+s18+$0x0] =	vst.idx.msk $0xffff, v29  }
0x233: {  	v48 =	vor.u32 $0x18, v19;
	v29 =	vld.idx.msk [tilespmem:v47+s17+$0x0], $0xffff  }
0x234: {  	v49 =	vor.u32 v46, v22;
	_ =	sdelay $0x3  }
0x235: {  	[tilespmem:v48+s18+$0x0] =	vst.idx.msk $0xffff, v29  }
0x236: {  	v50 =	vor.u32 $0x19, v19;
	v29 =	vld.idx.msk [tilespmem:v49+s17+$0x0], $0xffff  }
0x237: {  	v51 =	vor.u32 v46, v23;
	_ =	sdelay $0x3  }
0x238: {  	[tilespmem:v50+s18+$0x0] =	vst.idx.msk $0xffff, v29  }
0x239: {  	v52 =	vor.u32 $0x1A, v19;
	v29 =	vld.idx.msk [tilespmem:v51+s17+$0x0], $0xffff  }
0x23a: {  	v53 =	vor.u32 v46, v24;
	_ =	sdelay $0x3  }
0x23b: {  	[tilespmem:v52+s18+$0x0] =	vst.idx.msk $0xffff, v29  }
0x23c: {  	v54 =	vor.u32 $0x1B, v19;
	v29 =	vld.idx.msk [tilespmem:v53+s17+$0x0], $0xffff  }
0x23d: {  	v55 =	vor.u32 v46, v27;
	_ =	sdelay $0x3  }
0x23e: {  	[tilespmem:v54+s18+$0x0] =	vst.idx.msk $0xffff, v29  }
0x23f: {  	v56 =	vor.u32 $0x1C, v19;
	v29 =	vld.idx.msk [tilespmem:v55+s17+$0x0], $0xffff  }
0x240: {  	v57 =	vor.u32 v46, v28;
	_ =	sdelay $0x3  }
0x241: {  	[tilespmem:v56+s18+$0x0] =	vst.idx.msk $0xffff, v29  }
0x242: {  	v58 =	vor.u32 $0x1D, v19;
	v29 =	vld.idx.msk [tilespmem:v57+s17+$0x0], $0xffff  }
0x243: {  	v59 =	vor.u32 v46, v25;
	_ =	sdelay $0x3  }
0x244: {  	[tilespmem:v58+s18+$0x0] =	vst.idx.msk $0xffff, v29  }
0x245: {  	v60 =	vor.u32 $0x1E, v19;
	v29 =	vld.idx.msk [tilespmem:v59+s17+$0x0], $0xffff  }
0x246: {  	v31 =	vor.u32 v46, v26;
	_ =	sdelay $0x3  }
0x247: {  	[tilespmem:v60+s18+$0x0] =	vst.idx.msk $0xffff, v29  }
0x248: {  	v61 =	vor.u32 $0x1F, v19;
	v62 =	vadd.s32 v14, v21;
	v29 =	vld.idx.msk [tilespmem:v31+s17+$0x0], $0xffff  }
0x249: {  	v63 =	vor.u32 v62, v20;
	_ =	sdelay $0x3  }
0x24a: {  	[tilespmem:v61+s18+$0x0] =	vst.idx.msk $0xffff, v29  }
0x24b: {  	v36 =	vor.u32 $0x20, v19;
	v29 =	vld.idx.msk [tilespmem:v63+s17+$0x0], $0xffff  }
0x24c: {  	v37 =	vor.u32 v62, v22;
	_ =	sdelay $0x3  }
0x24d: {  	[tilespmem:v36+s18+$0x0] =	vst.idx.msk $0xffff, v29  }
0x24e: {  	v38 =	vor.u32 $0x21, v19;
	v29 =	vld.idx.msk [tilespmem:v37+s17+$0x0], $0xffff  }
0x24f: {  	v39 =	vor.u32 v62, v23;
	_ =	sdelay $0x3  }
0x250: {  	[tilespmem:v38+s18+$0x0] =	vst.idx.msk $0xffff, v29  }
0x251: {  	v40 =	vor.u32 $0x22, v19;
	v29 =	vld.idx.msk [tilespmem:v39+s17+$0x0], $0xffff  }
0x252: {  	v41 =	vor.u32 v62, v24;
	_ =	sdelay $0x3  }
0x253: {  	[tilespmem:v40+s18+$0x0] =	vst.idx.msk $0xffff, v29  }
0x254: {  	v42 =	vor.u32 $0x23, v19;
	v29 =	vld.idx.msk [tilespmem:v41+s17+$0x0], $0xffff  }
0x255: {  	v43 =	vor.u32 v62, v27;
	_ =	sdelay $0x3  }
0x256: {  	[tilespmem:v42+s18+$0x0] =	vst.idx.msk $0xffff, v29  }
0x257: {  	v44 =	vor.u32 $0x24, v19;
	v29 =	vld.idx.msk [tilespmem:v43+s17+$0x0], $0xffff  }
0x258: {  	v45 =	vor.u32 v62, v28;
	_ =	sdelay $0x3  }
0x259: {  	[tilespmem:v44+s18+$0x0] =	vst.idx.msk $0xffff, v29  }
0x25a: {  	v46 =	vor.u32 $0x25, v19;
	v29 =	vld.idx.msk [tilespmem:v45+s17+$0x0], $0xffff  }
0x25b: {  	v47 =	vor.u32 v62, v25;
	_ =	sdelay $0x3  }
0x25c: {  	[tilespmem:v46+s18+$0x0] =	vst.idx.msk $0xffff, v29  }
0x25d: {  	v48 =	vor.u32 $0x26, v19;
	v29 =	vld.idx.msk [tilespmem:v47+s17+$0x0], $0xffff  }
0x25e: {  	v31 =	vor.u32 v62, v26;
	_ =	sdelay $0x3  }
0x25f: {  	[tilespmem:v48+s18+$0x0] =	vst.idx.msk $0xffff, v29  }
0x260: {  	v49 =	vor.u32 $0x27, v19;
	v50 =	vadd.s32 v15, v21;
	v29 =	vld.idx.msk [tilespmem:v31+s17+$0x0], $0xffff  }
0x261: {  	v51 =	vor.u32 v50, v20;
	_ =	sdelay $0x3  }
0x262: {  	[tilespmem:v49+s18+$0x0] =	vst.idx.msk $0xffff, v29  }
0x263: {  	v52 =	vor.u32 $0x28, v19;
	v29 =	vld.idx.msk [tilespmem:v51+s17+$0x0], $0xffff  }
0x264: {  	v53 =	vor.u32 v50, v22;
	_ =	sdelay $0x3  }
0x265: {  	[tilespmem:v52+s18+$0x0] =	vst.idx.msk $0xffff, v29  }
0x266: {  	v54 =	vor.u32 $0x29, v19;
	v29 =	vld.idx.msk [tilespmem:v53+s17+$0x0], $0xffff  }
0x267: {  	v55 =	vor.u32 v50, v23;
	_ =	sdelay $0x3  }
0x268: {  	[tilespmem:v54+s18+$0x0] =	vst.idx.msk $0xffff, v29  }
0x269: {  	v56 =	vor.u32 $0x2A, v19;
	v29 =	vld.idx.msk [tilespmem:v55+s17+$0x0], $0xffff  }
0x26a: {  	v57 =	vor.u32 v50, v24;
	_ =	sdelay $0x3  }
0x26b: {  	[tilespmem:v56+s18+$0x0] =	vst.idx.msk $0xffff, v29  }
0x26c: {  	v58 =	vor.u32 $0x2B, v19;
	v29 =	vld.idx.msk [tilespmem:v57+s17+$0x0], $0xffff  }
0x26d: {  	v59 =	vor.u32 v50, v27;
	_ =	sdelay $0x3  }
0x26e: {  	[tilespmem:v58+s18+$0x0] =	vst.idx.msk $0xffff, v29  }
0x26f: {  	v60 =	vor.u32 $0x2C, v19;
	v29 =	vld.idx.msk [tilespmem:v59+s17+$0x0], $0xffff  }
0x270: {  	v61 =	vor.u32 v50, v28;
	_ =	sdelay $0x3  }
0x271: {  	[tilespmem:v60+s18+$0x0] =	vst.idx.msk $0xffff, v29  }
0x272: {  	v62 =	vor.u32 $0x2D, v19;
	v29 =	vld.idx.msk [tilespmem:v61+s17+$0x0], $0xffff  }
0x273: {  	v63 =	vor.u32 v50, v25;
	_ =	sdelay $0x3  }
0x274: {  	[tilespmem:v62+s18+$0x0] =	vst.idx.msk $0xffff, v29  }
0x275: {  	v35 =	vor.u32 $0x2E, v19;
	v29 =	vld.idx.msk [tilespmem:v63+s17+$0x0], $0xffff  }
0x276: {  	v31 =	vor.u32 v50, v26;
	_ =	sdelay $0x3  }
0x277: {  	[tilespmem:v35+s18+$0x0] =	vst.idx.msk $0xffff, v29  }
0x278: {  	v36 =	vor.u32 $0x2F, v19;
	v37 =	vadd.s32 v16, v21;
	v29 =	vld.idx.msk [tilespmem:v31+s17+$0x0], $0xffff  }
0x279: {  	v38 =	vor.u32 v37, v20;
	_ =	sdelay $0x3  }
0x27a: {  	[tilespmem:v36+s18+$0x0] =	vst.idx.msk $0xffff, v29  }
0x27b: {  	v39 =	vor.u32 $0x30, v19;
	v29 =	vld.idx.msk [tilespmem:v38+s17+$0x0], $0xffff  }
0x27c: {  	v40 =	vor.u32 v37, v22;
	_ =	sdelay $0x3  }
0x27d: {  	[tilespmem:v39+s18+$0x0] =	vst.idx.msk $0xffff, v29  }
0x27e: {  	v41 =	vor.u32 $0x31, v19;
	v29 =	vld.idx.msk [tilespmem:v40+s17+$0x0], $0xffff  }
0x27f: {  	v42 =	vor.u32 v37, v23;
	_ =	sdelay $0x3  }
0x280: {  	[tilespmem:v41+s18+$0x0] =	vst.idx.msk $0xffff, v29  }
0x281: {  	v43 =	vor.u32 $0x32, v19;
	v29 =	vld.idx.msk [tilespmem:v42+s17+$0x0], $0xffff  }
0x282: {  	v44 =	vor.u32 v37, v24;
	_ =	sdelay $0x3  }
0x283: {  	[tilespmem:v43+s18+$0x0] =	vst.idx.msk $0xffff, v29  }
0x284: {  	v45 =	vor.u32 $0x33, v19;
	v29 =	vld.idx.msk [tilespmem:v44+s17+$0x0], $0xffff  }
0x285: {  	v46 =	vor.u32 v37, v27;
	_ =	sdelay $0x3  }
0x286: {  	[tilespmem:v45+s18+$0x0] =	vst.idx.msk $0xffff, v29  }
0x287: {  	v47 =	vor.u32 $0x34, v19;
	v29 =	vld.idx.msk [tilespmem:v46+s17+$0x0], $0xffff  }
0x288: {  	v48 =	vor.u32 v37, v28;
	_ =	sdelay $0x3  }
0x289: {  	[tilespmem:v47+s18+$0x0] =	vst.idx.msk $0xffff, v29  }
0x28a: {  	v49 =	vor.u32 $0x35, v19;
	v29 =	vld.idx.msk [tilespmem:v48+s17+$0x0], $0xffff  }
0x28b: {  	v50 =	vor.u32 v37, v25;
	_ =	sdelay $0x3  }
0x28c: {  	[tilespmem:v49+s18+$0x0] =	vst.idx.msk $0xffff, v29  }
0x28d: {  	v51 =	vor.u32 $0x36, v19;
	v29 =	vld.idx.msk [tilespmem:v50+s17+$0x0], $0xffff  }
0x28e: {  	v31 =	vor.u32 v37, v26;
	_ =	sdelay $0x3  }
0x28f: {  	[tilespmem:v51+s18+$0x0] =	vst.idx.msk $0xffff, v29  }
0x290: {  	v21 =	vadd.s32 v17, v21;
	v52 =	vor.u32 $0x37, v19;
	v29 =	vld.idx.msk [tilespmem:v31+s17+$0x0], $0xffff  }
0x291: {  	v20 =	vor.u32 v21, v20;
	_ =	sdelay $0x3  }
0x292: {  	[tilespmem:v52+s18+$0x0] =	vst.idx.msk $0xffff, v29  }
0x293: {  	v53 =	vor.u32 $0x38, v19;
	v20 =	vld.idx.msk [tilespmem:v20+s17+$0x0], $0xffff  }
0x294: {  	v22 =	vor.u32 v21, v22;
	_ =	sdelay $0x3  }
0x295: {  	[tilespmem:v53+s18+$0x0] =	vst.idx.msk $0xffff, v20  }
0x296: {  	v54 =	vor.u32 $0x39, v19;
	v20 =	vld.idx.msk [tilespmem:v22+s17+$0x0], $0xffff  }
0x297: {  	v23 =	vor.u32 v21, v23;
	_ =	sdelay $0x3  }
0x298: {  	[tilespmem:v54+s18+$0x0] =	vst.idx.msk $0xffff, v20  }
0x299: {  	v55 =	vor.u32 $0x3A, v19;
	v20 =	vld.idx.msk [tilespmem:v23+s17+$0x0], $0xffff  }
0x29a: {  	v56 =	vor.u32 v21, v24;
	_ =	sdelay $0x3  }
0x29b: {  	[tilespmem:v55+s18+$0x0] =	vst.idx.msk $0xffff, v20  }
0x29c: {  	v57 =	vor.u32 $0x3B, v19;
	v20 =	vld.idx.msk [tilespmem:v56+s17+$0x0], $0xffff  }
0x29d: {  	v58 =	vor.u32 v21, v27;
	_ =	sdelay $0x3  }
0x29e: {  	[tilespmem:v57+s18+$0x0] =	vst.idx.msk $0xffff, v20  }
0x29f: {  	v59 =	vor.u32 $0x3C, v19;
	v20 =	vld.idx.msk [tilespmem:v58+s17+$0x0], $0xffff  }
0x2a0: {  	v60 =	vor.u32 v21, v28  }
0x2a1: {  	v18 =	vsel vm9, v18, v6  }
0x2a2: {  	v18 =	vshll.u32 v18, $0x4  }
0x2a3: {  	(v2sf) =	vpush v18, $0x0  }
0x2a4: {  	[tilespmem:v59+s18+$0x0] =	vst.idx.msk $0xffff, v20  }
0x2a5: {  	v61 =	vor.u32 $0x3D, v19;
	v20 =	vld.idx.msk [tilespmem:v60+s17+$0x0], $0xffff  }
0x2a6: {  	v62 =	vor.u32 v21, v25  }
0x2a7: {  	(v2sf) =	vpush v18, $0x1;
	_ =	sdelay $0x2  }
0x2a8: {  	[tilespmem:v61+s18+$0x0] =	vst.idx.msk $0xffff, v20  }
0x2a9: {  	v63 =	vor.u32 $0x3E, v19;
	v20 =	vld.idx.msk [tilespmem:v62+s17+$0x0], $0xffff  }
0x2aa: {  	v21 =	vor.u32 v21, v26  }
0x2ab: {  	(v2sf) =	vpush v18, $0x2;
	_ =	sdelay $0x2  }
0x2ac: {  	[tilespmem:v63+s18+$0x0] =	vst.idx.msk $0xffff, v20  }
0x2ad: {  	v19 =	vor.u32 $0x3F, v19;
	v20 =	vld.idx.msk [tilespmem:v21+s17+$0x0], $0xffff  }
0x2ae: {  	s19 =	spop (v2sf);
	(v2sf) =	vpush v18, $0x3;
	_ =	sdelay $0x1  }
0x2af: {  	s5 =	simm.s32 $0x80;
	s4 =	rddreg [dreg:$0x8];
	s1 =	sshll.u32 s14, $0xD  }
0x2b0: {  	s6 =	simm.s32 $0x400;
	s0 =	sshra.s32 s1, $0x2;
	s20 =	sand.u32 $0x1FFFFFF0, s19  }
0x2b1: {  	s22 =	sadd.s32 $0x17100, s0;
	s23 =	spop (v2sf);
	s21 =	sadd.s32 s4, s20;
	[tilespmem:v19+s18+$0x0] =	vst.idx.msk $0xffff, v20  }
0x2b2: {  	(v2sf) =	vpush v18, $0x4;
	[hbm4b:s21+s5] =	stream.strided.scatter [tilespmem:s22], [sflag:$0x3], $0x0, s6, s5, $0x38;
	[tilespmem:$0x1F100] =	vst v63  }
0x2b3: {  	s3 =	simm.s32 $0x0;
	s1 =	sand.u32 $0x1FFFFFF0, s23  }
0x2b4: {  	[hbm4b:s21+s3] =	stream.linear.scatter [tilespmem:s22], [sflag:$0x3], $0x40, $0x38;
	[tilespmem:$0x1F100] =	vst v63  }
0x2b5: {  	s24 =	sadd.s32 $0x17180, s0;
	s1 =	sadd.s32 s4, s1  }
0x2b6: {  	[hbm4b:s1+s5] =	stream.strided.scatter [tilespmem:s24], [sflag:$0x3], $0x0, s6, s5, $0x38;
	[tilespmem:$0x1F100] =	vst v63  }
0x2b7: {  	s25 =	spop (v2sf);
	(v2sf) =	vpush v18, $0x5  }
0x2b8: {  	[hbm4b:s1+s3] =	stream.linear.scatter [tilespmem:s24], [sflag:$0x3], $0x40, $0x38;
	[tilespmem:$0x1F100] =	vst v63  }
0x2b9: {  	s1 =	sand.u32 $0x1FFFFFF0, s25  }
0x2ba: {  	s26 =	sadd.s32 $0x17200, s0;
	s1 =	sadd.s32 s4, s1  }
0x2bb: {  	[hbm4b:s1+s5] =	stream.strided.scatter [tilespmem:s26], [sflag:$0x3], $0x0, s6, s5, $0x38;
	[tilespmem:$0x1F100] =	vst v63  }
0x2bc: {  	s28 =	spop (v2sf);
	(v2sf) =	vpush v18, $0x6  }
0x2bd: {  	[hbm4b:s1+s3] =	stream.linear.scatter [tilespmem:s26], [sflag:$0x3], $0x40, $0x38;
	[tilespmem:$0x1F100] =	vst v63  }
0x2be: {  	s1 =	sand.u32 $0x1FFFFFF0, s28  }
0x2bf: {  	s29 =	sadd.s32 $0x17280, s0;
	s1 =	sadd.s32 s4, s1  }
0x2c0: {  	[hbm4b:s1+s5] =	stream.strided.scatter [tilespmem:s29], [sflag:$0x3], $0x0, s6, s5, $0x38;
	[tilespmem:$0x1F100] =	vst v63  }
0x2c1: {  	s30 =	spop (v2sf);
	(v2sf) =	vpush v18, $0x7  }
0x2c2: {  	[hbm4b:s1+s3] =	stream.linear.scatter [tilespmem:s29], [sflag:$0x3], $0x40, $0x38;
	[tilespmem:$0x1F100] =	vst v63  }
0x2c3: {  	s1 =	sand.u32 $0x1FFFFFF0, s30  }
0x2c4: {  	s31 =	sadd.s32 $0x17300, s0;
	s1 =	sadd.s32 s4, s1  }
0x2c5: {  	[hbm4b:s1+s5] =	stream.strided.scatter [tilespmem:s31], [sflag:$0x3], $0x0, s6, s5, $0x38;
	[tilespmem:$0x1F100] =	vst v63  }
0x2c6: {  	s2 =	spop (v2sf);
	(v2sf) =	vpush v18, $0x8  }
0x2c7: {  	[hbm4b:s1+s3] =	stream.linear.scatter [tilespmem:s31], [sflag:$0x3], $0x40, $0x38;
	[tilespmem:$0x1F100] =	vst v63  }
0x2c8: {  	s1 =	sand.u32 $0x1FFFFFF0, s2  }
0x2c9: {  	s7 =	sadd.s32 $0x17380, s0;
	s1 =	sadd.s32 s4, s1  }
0x2ca: {  	[hbm4b:s1+s5] =	stream.strided.scatter [tilespmem:s7], [sflag:$0x3], $0x0, s6, s5, $0x38;
	[tilespmem:$0x1F100] =	vst v63  }
0x2cb: {  	s8 =	spop (v2sf);
	(v2sf) =	vpush v18, $0x9  }
0x2cc: {  	[hbm4b:s1+s3] =	stream.linear.scatter [tilespmem:s7], [sflag:$0x3], $0x40, $0x38;
	[tilespmem:$0x1F100] =	vst v63  }
0x2cd: {  	s1 =	sand.u32 $0x1FFFFFF0, s8  }
0x2ce: {  	s9 =	sadd.s32 $0x17400, s0;
	s1 =	sadd.s32 s4, s1  }
0x2cf: {  	[hbm4b:s1+s5] =	stream.strided.scatter [tilespmem:s9], [sflag:$0x3], $0x0, s6, s5, $0x38;
	[tilespmem:$0x1F100] =	vst v63  }
0x2d0: {  	s10 =	spop (v2sf);
	(v2sf) =	vpush v18, $0xA  }
0x2d1: {  	[hbm4b:s1+s3] =	stream.linear.scatter [tilespmem:s9], [sflag:$0x3], $0x40, $0x38;
	[tilespmem:$0x1F100] =	vst v63  }
0x2d2: {  	s1 =	sand.u32 $0x1FFFFFF0, s10  }
0x2d3: {  	s11 =	sadd.s32 $0x17480, s0;
	s1 =	sadd.s32 s4, s1  }
0x2d4: {  	[hbm4b:s1+s5] =	stream.strided.scatter [tilespmem:s11], [sflag:$0x3], $0x0, s6, s5, $0x38;
	[tilespmem:$0x1F100] =	vst v63  }
0x2d5: {  	s12 =	spop (v2sf);
	(v2sf) =	vpush v18, $0xB  }
0x2d6: {  	[hbm4b:s1+s3] =	stream.linear.scatter [tilespmem:s11], [sflag:$0x3], $0x40, $0x38;
	[tilespmem:$0x1F100] =	vst v63  }
0x2d7: {  	s1 =	sand.u32 $0x1FFFFFF0, s12  }
0x2d8: {  	s13 =	sadd.s32 $0x17500, s0;
	s1 =	sadd.s32 s4, s1  }
0x2d9: {  	[hbm4b:s1+s5] =	stream.strided.scatter [tilespmem:s13], [sflag:$0x3], $0x0, s6, s5, $0x38;
	[tilespmem:$0x1F100] =	vst v63  }
0x2da: {  	s14 =	spop (v2sf);
	(v2sf) =	vpush v18, $0xC  }
0x2db: {  	[hbm4b:s1+s3] =	stream.linear.scatter [tilespmem:s13], [sflag:$0x3], $0x40, $0x38;
	[tilespmem:$0x1F100] =	vst v63  }
0x2dc: {  	s1 =	sand.u32 $0x1FFFFFF0, s14  }
0x2dd: {  	s15 =	sadd.s32 $0x17580, s0;
	s1 =	sadd.s32 s4, s1  }
0x2de: {  	[hbm4b:s1+s5] =	stream.strided.scatter [tilespmem:s15], [sflag:$0x3], $0x0, s6, s5, $0x38;
	[tilespmem:$0x1F100] =	vst v63  }
0x2df: {  	s17 =	spop (v2sf);
	(v2sf) =	vpush v18, $0xD  }
0x2e0: {  	[hbm4b:s1+s3] =	stream.linear.scatter [tilespmem:s15], [sflag:$0x3], $0x40, $0x38;
	[tilespmem:$0x1F100] =	vst v63  }
0x2e1: {  	s1 =	sand.u32 $0x1FFFFFF0, s17  }
0x2e2: {  	s18 =	sadd.s32 $0x17600, s0;
	s1 =	sadd.s32 s4, s1  }
0x2e3: {  	[hbm4b:s1+s5] =	stream.strided.scatter [tilespmem:s18], [sflag:$0x3], $0x0, s6, s5, $0x38;
	[tilespmem:$0x1F100] =	vst v63  }
0x2e4: {  	s19 =	spop (v2sf);
	(v2sf) =	vpush v18, $0xE  }
0x2e5: {  	[hbm4b:s1+s3] =	stream.linear.scatter [tilespmem:s18], [sflag:$0x3], $0x40, $0x38;
	[tilespmem:$0x1F100] =	vst v63  }
0x2e6: {  	s1 =	sand.u32 $0x1FFFFFF0, s19  }
0x2e7: {  	s20 =	sadd.s32 $0x17680, s0;
	s1 =	sadd.s32 s4, s1  }
0x2e8: {  	[hbm4b:s1+s5] =	stream.strided.scatter [tilespmem:s20], [sflag:$0x3], $0x0, s6, s5, $0x38;
	[tilespmem:$0x1F100] =	vst v63  }
0x2e9: {  	s21 =	spop (v2sf);
	(v2sf) =	vpush v18, $0xF  }
0x2ea: {  	[hbm4b:s1+s3] =	stream.linear.scatter [tilespmem:s20], [sflag:$0x3], $0x40, $0x38;
	[tilespmem:$0x1F100] =	vst v63  }
0x2eb: {  	s1 =	sand.u32 $0x1FFFFFF0, s21  }
0x2ec: {  	s22 =	sadd.s32 $0x17700, s0;
	s1 =	sadd.s32 s4, s1  }
0x2ed: {  	[hbm4b:s1+s5] =	stream.strided.scatter [tilespmem:s22], [sflag:$0x3], $0x0, s6, s5, $0x38;
	[tilespmem:$0x1F100] =	vst v63  }
0x2ee: {  	s23 =	spop (v2sf)  }
0x2ef: {  	[hbm4b:s1+s3] =	stream.linear.scatter [tilespmem:s22], [sflag:$0x3], $0x40, $0x38;
	[tilespmem:$0x1F100] =	vst v63  }
0x2f0: {  	s1 =	sand.u32 $0x1FFFFFF0, s23  }
0x2f1: {  	s24 =	sadd.s32 $0x17780, s0;
	s1 =	sadd.s32 s4, s1  }
0x2f2: {  	[hbm4b:s1+s5] =	stream.strided.scatter [tilespmem:s24], [sflag:$0x3], $0x0, s6, s5, $0x38;
	[tilespmem:$0x1F100] =	vst v63  }
0x2f3: {  	s25 =	spop (v2sf)  }
0x2f4: {  	[hbm4b:s1+s3] =	stream.linear.scatter [tilespmem:s24], [sflag:$0x3], $0x40, $0x38;
	[tilespmem:$0x1F100] =	vst v63  }
0x2f5: {  	s1 =	sand.u32 $0x1FFFFFF0, s25  }
0x2f6: {  	s26 =	sadd.s32 $0x17800, s0;
	s1 =	sadd.s32 s4, s1  }
0x2f7: {  	[hbm4b:s1+s5] =	stream.strided.scatter [tilespmem:s26], [sflag:$0x3], $0x0, s6, s5, $0x38;
	[tilespmem:$0x1F100] =	vst v63  }
0x2f8: {  	s28 =	spop (v2sf)  }
0x2f9: {  	[hbm4b:s1+s3] =	stream.linear.scatter [tilespmem:s26], [sflag:$0x3], $0x40, $0x38;
	[tilespmem:$0x1F100] =	vst v63  }
0x2fa: {  	s1 =	sand.u32 $0x1FFFFFF0, s28  }
0x2fb: {  	s0 =	sadd.s32 $0x17880, s0;
	s1 =	sadd.s32 s4, s1  }
0x2fc: {  	[hbm4b:s1+s5] =	stream.strided.scatter [tilespmem:s0], [sflag:$0x3], $0x0, s6, s5, $0x38;
	[tilespmem:$0x1F100] =	vst v63  }
0x2fd: {  	s29 =	rddreg [dreg:$0x12]  }
0x2fe: {  	[hbm4b:s1+s3] =	stream.linear.scatter [tilespmem:s0], [sflag:$0x3], $0x40, $0x38;
	[tilespmem:$0x1F100] =	vst v63  }
0x2ff: {  	s30 =	rddreg [dreg:$0x11];
	s1 =	sadd.s32 $0x1, s29  }
0x300: {  	p2 =	sne.s32 s1, s30  }
.Ltmp10:
0x301: {  	_ = 	snop;
	(pc) =	sbr.rel @!p2 .LBB2_15-.Ltmp10, $3  }
0x302: {  	_ =	sdelay $0x1  }
0x303: {  	s31 =	rddreg [dreg:$0xd]  }
0x304: {  	vm9 =	vcmask $0x2F2C;
	s12 =	sadd.s32 $0x1, s31  }
.LBB2_10:
0x305: {  	s0 =	sshll.u32 s1, $0x4  }
0x306: {  	v19 =	vld [tilespmem:s0+$0x2080];
	_ =	sdelay $0x4  }
0x307: {  	(v2sf) =	vpush v19, $0xD  }
0x308: {  	(v2sf) =	vpush v19, $0xC  }
0x309: {  	(v2sf) =	vpush v19, $0xE  }
0x30a: {  	(v2sf) =	vpush v19, $0xF  }
0x30b: {  	(v2sf) =	vpush v19, $0x9  }
0x30c: {  	(v2sf) =	vpush v19, $0x8  }
0x30d: {  	(v2sf) =	vpush v19, $0xA  }
0x30e: {  	(v2sf) =	vpush v19, $0xB  }
0x30f: {  	(v2sf) =	vpush v19, $0x0  }
0x310: {  	(v2sf) =	vpush v19, $0x1  }
0x311: {  	(v2sf) =	vpush v19, $0x2  }
0x312: {  	(v2sf) =	vpush v19, $0x3  }
0x313: {  	(v2sf) =	vpush v19, $0x4  }
0x314: {  	(v2sf) =	vpush v19, $0x5  }
0x315: {  	(v2sf) =	vpush v19, $0x6  }
0x316: {  	s4 =	spop (v2sf);
	(v2sf) =	vpush v19, $0x7  }
0x317: {  	s22 =	spop (v2sf)  }
0x318: {  	s31 =	spop (v2sf)  }
0x319: {  	s30 =	spop (v2sf)  }
0x31a: {  	s29 =	sshra.s32 s12, $0x1F;
	s20 =	spop (v2sf)  }
0x31b: {  	[dreg:$0x14] =	wrdreg s0;
	s0 =	sshrl.u32 s29, $0x1C;
	s13 =	spop (v2sf)  }
0x31c: {  	s0 =	sadd.s32 s0, s12;
	s10 =	spop (v2sf)  }
0x31d: {  	s0 =	sand.u32 $0xFFFFFFF0, s0;
	s3 =	spop (v2sf)  }
0x31e: {  	p2 =	slt.s32 s12, $0x1;
	s0 =	ssub.s32 s12, s0;
	s9 =	spop (v2sf)  }
0x31f: {  	p3 =	sne.s32 @!p2 s0, $0x0;
	s8 =	spop (v2sf)  }
0x320: {  	[dreg:$0x12] =	wrdreg s1;
	p2 =	por p2, p3;
	s1 =	spop (v2sf)  }
.Ltmp11:
0x321: {  	s7 =	spop (v2sf);
	(pc) =	sbr.rel @p2 .LBB2_14-.Ltmp11, $4  }
0x322: {  	s11 =	spop (v2sf)  }
0x323: {  	s2 =	spop (v2sf)  }
0x324: {  	[dreg:$0x13] =	wrdreg s0;
	s0 =	spop (v2sf)  }
0x325: {  	[dreg:$0xd] =	wrdreg s12;
	s24 =	simm.s32 $0x100;
	s14 =	spop (v2sf)  }
0x326: {  	_ =	swait.ge [sflag:s16], $0x40  }
0x327: {  	s24 =	sadd.s32 $0xFFFFFFFF, s24;
	[sflag:s16] =	ssyncset.done $0x0  }
.LBB2_12:
0x328: {  	p2 =	sne.s32 s24, $0x1;
	s24 =	sadd.s32 $0xFFFFFFFF, s24;
	[sflag:s16] =	ssyncadd.s32 $0xFFFFFFC0  }
.Ltmp12:
0x329: {  	(pc) =	sbr.rel @p2 .LBB2_12-.Ltmp12, $3  }
0x32a: {  	_ =	sdelay $0x1  }
0x32b: {  	_ =	swait.ge [sflag:s16], $0x40  }
0x32c: {  	[sflag:s16] =	ssyncset.done $0x0  }
.Ltmp13:
0x32d: {  	(pc) =	sbr.rel .LBB2_14-.Ltmp13, $2  }
0x32e: {  	_ =	sdelay $0x2  }
0x32f: {  	[sflag:s16] =	ssyncadd.s32 $0xFFFFFFC0  }
.LBB2_16:
0x330: {  	s0 =	sadd.s32 $0xFFFFFFFF, s12  }
0x331: {  	s1 =	sand.u32 $0xF, s0  }
0x332: {  	s30 =	sshra.s32 s0, $0x1F;
	p1 =	slt.s32 s0, $0x1;
	p0 =	sne.s32 s1, $0x0  }
0x333: {  	s1 =	sshrl.u32 s30, $0x1C;
	p0 =	por !p1, !p0  }
0x334: {  	s0 =	sadd.s32 s1, s0;
	s1 =	simm.s32 $0x1;
	p0 =	por !p0, !p0  }
0x335: {  	s0 =	sshrl.u32 s0, $0x4;
	s1 =	simm.s32 @!p0 $0x0  }
0x336: {  	s0 =	ssub.s32 s1, s0  }
0x337: {  	s31 =	sshll.u32 s12, $0x4;
	s0 =	sshll.u32 s0, $0x8  }
0x338: {  	p0 =	slt.s32 s12, $0x1;
	s0 =	sadd.s32 s31, s0  }
0x339: {  	p1 =	slt.s32 @!p0 s0, $0x1  }
0x33a: {  	p0 =	por p0, p1  }
.Ltmp14:
0x33b: {  	_ = 	snop;
	(pc) =	sbr.rel @p0 .LBB2_20-.Ltmp14, $2  }
0x33c: {  	_ =	sdelay $0x2  }
0x33d: {  	s4 =	simm.s32 $0x1000;
	s2 =	rddreg [dreg:$0xc];
	s1 =	simm.s32 $0x0  }
0x33e: {  	s1 =	sadd.s32 $0x1, s1  }
0x33f: {  	p0 =	sgt.s32 s0, s1  }
.Ltmp15:
0x340: {  	_ = 	snop;
	(pc) =	sbr.rel @!p0 .LBB2_19-.Ltmp15, $3  }
0x341: {  	_ =	sdelay $0x1  }
0x342: {  	_ =	swait.ge [sflag:s16], $0x40  }
0x343: {  	[sflag:s16] =	ssyncset.done $0x0  }
.LBB2_18:
0x344: {  	s1 =	sadd.s32 $0x1, s1  }
0x345: {  	[sflag:s16] =	ssyncadd.s32 $0xFFFFFFC0;
	p0 =	sgt.s32 s0, s1  }
.Ltmp16:
0x346: {  	(pc) =	sbr.rel @p0 .LBB2_18-.Ltmp16, $3  }
0x347: {  	_ =	sdelay $0x1  }
0x348: {  	_ =	swait.ge [sflag:s16], $0x40  }
0x349: {  	[sflag:s16] =	ssyncset.done $0x0  }
.Ltmp17:
0x34a: {  	_ = 	snop;
	(pc) =	sbr.rel .LBB2_19-.Ltmp17, $1  }
0x34b: {  	_ =	sdelay $0x3  }
.LBB2_21:
0x34c: {  	_ =	sfence.sel $0x180000  }
0x34d: {  	[bflag:$0x0] =	sbarrier.arrive $0xFFFF  }
0x34e: {  	_ =	strace $0x90000047  }
0x34f: {  	s0 =	stileid.u32;
	[bflag:$0x2] =	sbarrier.arrive $0xFFFF  }
0x350: {  	p0 =	sne.s32 s0, $0x0;
	s0 =	rddreg [dreg:$0x3]  }
0x351: {  	s0 =	sadd.s32 @!p0 $0x100000, s0  }
0x352: {  	[sflag:s0] =	ssyncadd.tile.s32 @!p0 $0x1;
	_ =	shalt  }
.Lfunc_end2:
_tile_overlayer_lowered:
.L_overlay_start_2:
0x353: {  	(tag) =	ssettag $0x2  }
0x354: {  	s0 =	rddreg [dreg:$0x0];
	s2 =	stileid.u32  }
0x355: {  	s1 =	rddreg [dreg:$0x1];
	p0 =	sne.s32 s2, $0x0  }
0x356: {  	s3 =	rddreg [dreg:$0x2];
	[bflag:$0x3] =	sbarrier.arrive $0xFFFF;
	s2 =	simm.s32 @!p0 $0x1C04  }
0x357: {  	[timem:s3], [sflag:s2] =	dma.local @!p0 [hbm:s0], s1  }
0x358: {  	s0 =	simm.s32 @!p0 $0x4  }
0x359: {  	_ =	swait.ge @!p0 [sflag:s0], s1  }
0x35a: {  	s1 =	ssub.s32 @!p0 $0x0, s1;
	[sflag:s0] =	ssyncset.done @!p0 $0x0  }
0x35b: {  	[sflag:s0] =	ssyncadd.s32 @!p0 s1  }
0x35c: {  	[bflag:$0x3] =	sbarrier.arrive $0xFFFF  }
0x35d: {  	_ =	shalt  }

</sc_bundles>
